<compile_context>
chip_gen: v7x
topology: tpu7x:2x2x1
jax: 0.10.2.dev20260603
libtpu: 0.0.44.dev20260713+nightly
codegen_flags: <defaults>
</compile_context>

<pallas_src>
import functools

import jax
import jax.numpy as jnp
from jax import lax
from jax.experimental import pallas as pl
from jax.experimental.pallas import tpu as pltpu
from jax.experimental.pallas import tpu_sc as plsc

N = 10000
NP = 10240
E = 320000
IN_C = 128
HID = 256
OUT_C = 128
HALF = HID // 2

NCORE = 2
NSUB = 16
ROWS_PER_TILE = NP // NSUB

CHUNK = 120
CPT = 171
NCHUNK = NSUB * CPT + 2
EP2 = NCHUNK * CHUNK
DEG_CHUNK = 64
DEG_CPT = 160
EP_DEG = NCORE * NSUB * DEG_CPT * DEG_CHUNK
DEG_W = 16

_mesh = plsc.VectorSubcoreMesh(core_axis_name="c", subcore_axis_name="s")


DEG_DEPTH = 8


@functools.partial(
    pl.kernel,
    out_type=jax.ShapeDtypeStruct((NCORE, NP, DEG_W), jnp.float32),
    mesh=_mesh,
    scratch_types=[
        pltpu.VMEM((DEG_CPT, DEG_CHUNK), jnp.int32),
        pltpu.VMEM((DEG_CHUNK, DEG_W), jnp.float32),
        pltpu.VMEM_SHARED((NP, DEG_W), jnp.float32),
        pltpu.SemaphoreType.DMA,
    ],
)
def _deg_kernel(dst_hbm, zeros_hbm, deg_out, idx_all, ones_v, acc_sh, sem):
    c = lax.axis_index("c")
    s = lax.axis_index("s")
    pltpu.sync_copy(zeros_hbm, acc_sh.at[pl.ds(s * ROWS_PER_TILE, ROWS_PER_TILE)])
    wid = s * NCORE + c
    pltpu.sync_copy(dst_hbm.at[pl.ds(wid * DEG_CPT, DEG_CPT)], idx_all)
    for i in range(DEG_CHUNK):
        ones_v[i, :] = jnp.full((DEG_W,), 1.0, jnp.float32)
    plsc.subcore_barrier()

    def wait_one():
        pltpu.make_async_copy(ones_v, acc_sh.at[idx_all.at[0]], sem).wait()

    def body(k, carry):
        pltpu.async_copy(ones_v, acc_sh.at[idx_all.at[k]], sem, add=True)

        @pl.when(k >= DEG_DEPTH)
        def _():
            wait_one()

        return carry

    lax.fori_loop(0, DEG_CPT, body, 0)
    for _ in range(DEG_DEPTH):
        wait_one()
    plsc.subcore_barrier()
    pltpu.sync_copy(
        acc_sh.at[pl.ds(s * ROWS_PER_TILE, ROWS_PER_TILE)],
        deg_out.at[c, pl.ds(s * ROWS_PER_TILE, ROWS_PER_TILE)],
    )


@functools.partial(
    pl.kernel,
    out_type=jax.ShapeDtypeStruct((NCORE, NP, HALF), jnp.float32),
    mesh=_mesh,
    scratch_types=[
        pltpu.VMEM((2, CHUNK), jnp.int32),
        pltpu.VMEM((2, CHUNK), jnp.int32),
        pltpu.VMEM((2, CHUNK), jnp.int32),
        pltpu.VMEM((CHUNK, HALF), jnp.float32),
        pltpu.VMEM((CHUNK, HALF), jnp.float32),
        pltpu.VMEM((CHUNK, HALF), jnp.float32),
        pltpu.VMEM_SHARED((NP, HALF), jnp.float32),
        pltpu.SemaphoreType.DMA,
        pltpu.SemaphoreType.DMA,
        pltpu.SemaphoreType.DMA,
        pltpu.SemaphoreType.DMA,
        pltpu.SemaphoreType.DMA,
        pltpu.SemaphoreType.DMA,
    ],
)
def _agg_kernel(hs_hbm, ei_hbm, zeros_hbm, out_hbm,
                idx0, idx1, idx2, rows0, rows1, rows2, acc_sh,
                g0, g1, g2, s0, s1, s2):
    c = lax.axis_index("c")
    s = lax.axis_index("s")
    pltpu.sync_copy(zeros_hbm, acc_sh.at[pl.ds(s * ROWS_PER_TILE, ROWS_PER_TILE)])
    plsc.subcore_barrier()
    table = hs_hbm.at[c]
    idx = (idx0, idx1, idx2)
    rows = (rows0, rows1, rows2)
    gsem = (g0, g1, g2)
    ssem = (s0, s1, s2)

    def idx_load(cc, b):
        pltpu.sync_copy(ei_hbm.at[s * CPT + cc], idx[b])

    def gather_start(b):
        pltpu.async_copy(table.at[idx[b].at[0]], rows[b], gsem[b])

    def gather_wait(b):
        pltpu.make_async_copy(table.at[idx[b].at[0]], rows[b], gsem[b]).wait()

    def step(cc, b):
        b1 = (b + 1) % 3
        gather_wait(b)
        idx_load(cc + 1, b1)
        gather_start(b1)
        pltpu.sync_copy(rows[b], acc_sh.at[idx[b].at[1]], add=True)

    idx_load(0, 0)
    gather_start(0)

    def body(j, carry):
        step(3 * j, 0)
        step(3 * j + 1, 1)
        step(3 * j + 2, 2)
        return carry

    lax.fori_loop(0, CPT // 3, body, 0)
    gather_wait(0)
    plsc.subcore_barrier()
    pltpu.sync_copy(
        acc_sh.at[pl.ds(s * ROWS_PER_TILE, ROWS_PER_TILE)],
        out_hbm.at[c, pl.ds(s * ROWS_PER_TILE, ROWS_PER_TILE)],
    )


RB = 1024


def _dis_from_deg(deg_blk):
    d = deg_blk[0, :, 0] + deg_blk[1, :, 0] + 1.0
    return (1.0 / jnp.sqrt(d))[:, None]


def _tc1_body(z_ref, w_ref, deg_ref, hs_ref):
    dis = _dis_from_deg(deg_ref[...])
    h = jnp.dot(z_ref[...], w_ref[...], preferred_element_type=jnp.float32)
    hs = dis * h
    hs_ref[0] = hs[:, :HALF]
    hs_ref[1] = hs[:, HALF:]


def _tc_mid_body(agg_ref, hsp_ref, deg_ref, w_ref, b_ref, out_ref):
    dis = _dis_from_deg(deg_ref[...])
    pre = jnp.concatenate(
        [agg_ref[0] + hsp_ref[0], agg_ref[1] + hsp_ref[1]], axis=1)
    t = jnp.maximum(dis * pre + b_ref[0], 0.0)
    h = jnp.dot(t, w_ref[...], preferred_element_type=jnp.float32)
    hs = dis * h
    out_ref[0] = hs[:, :HALF]
    out_ref[1] = hs[:, HALF:]


def _tc_out_body(agg_ref, hsp_ref, deg_ref, w_ref, b_ref, bl_ref, out_ref):
    dis = _dis_from_deg(deg_ref[...])
    pre = jnp.concatenate(
        [agg_ref[0] + hsp_ref[0], agg_ref[1] + hsp_ref[1]], axis=1)
    t = jnp.maximum(dis * pre + b_ref[0], 0.0)
    h = jnp.dot(t, w_ref[...], preferred_element_type=jnp.float32)
    out_ref[...] = jax.nn.sigmoid(h + bl_ref[0])


def _stacked_spec():
    return pl.BlockSpec((2, RB, HALF), lambda i: (0, i, 0))


def _tc1(z_p, W0, deg2):
    return pl.pallas_call(
        _tc1_body,
        grid=(NP // RB,),
        in_specs=[
            pl.BlockSpec((RB, IN_C), lambda i: (i, 0)),
            pl.BlockSpec((IN_C, HID), lambda i: (0, 0)),
            pl.BlockSpec((2, RB, DEG_W), lambda i: (0, i, 0)),
        ],
        out_specs=_stacked_spec(),
        out_shape=jax.ShapeDtypeStruct((2, NP, HALF), jnp.float32),
    )(z_p, W0, deg2)


def _tc_mid(agg, hsp, deg2, W1, b0):
    return pl.pallas_call(
        _tc_mid_body,
        grid=(NP // RB,),
        in_specs=[
            _stacked_spec(),
            _stacked_spec(),
            pl.BlockSpec((2, RB, DEG_W), lambda i: (0, i, 0)),
            pl.BlockSpec((HID, HID), lambda i: (0, 0)),
            pl.BlockSpec((1, HID), lambda i: (0, 0)),
        ],
        out_specs=_stacked_spec(),
        out_shape=jax.ShapeDtypeStruct((2, NP, HALF), jnp.float32),
    )(agg, hsp, deg2, W1, b0.reshape(1, HID))


def _tc_out(agg, hsp, deg2, Wl, b1, bl):
    return pl.pallas_call(
        _tc_out_body,
        grid=(NP // RB,),
        in_specs=[
            _stacked_spec(),
            _stacked_spec(),
            pl.BlockSpec((2, RB, DEG_W), lambda i: (0, i, 0)),
            pl.BlockSpec((HID, OUT_C), lambda i: (0, 0)),
            pl.BlockSpec((1, HID), lambda i: (0, 0)),
            pl.BlockSpec((1, OUT_C), lambda i: (0, 0)),
        ],
        out_specs=pl.BlockSpec((RB, OUT_C), lambda i: (i, 0)),
        out_shape=jax.ShapeDtypeStruct((NP, OUT_C), jnp.float32),
    )(agg, hsp, deg2, Wl, b1.reshape(1, HID), bl.reshape(1, OUT_C))


def kernel(z, edge_index, W0, b0, W1, b1, Wl, bl):
    src = edge_index[0]
    dst = edge_index[1]
    pad = (N + (jnp.arange(max(EP2, EP_DEG) - E) % (NP - N))).astype(jnp.int32)
    src_p = jnp.concatenate([src, pad])
    dst_p = jnp.concatenate([dst, pad])
    ei_chunks = jnp.stack(
        [src_p[:EP2].reshape(NCHUNK, CHUNK), dst_p[:EP2].reshape(NCHUNK, CHUNK)],
        axis=1)
    z_p = jnp.zeros((NP, IN_C), z.dtype).at[:N].set(z)

    zeros_deg = jnp.zeros((ROWS_PER_TILE, DEG_W), jnp.float32)
    zeros_agg = jnp.zeros((ROWS_PER_TILE, HALF), jnp.float32)

    dst_deg = dst_p[:EP_DEG].reshape(NCORE * NSUB * DEG_CPT, DEG_CHUNK)
    deg2 = _deg_kernel(dst_deg, zeros_deg)
    hs0 = _tc1(z_p, W0, deg2)
    agg0 = _agg_kernel(hs0, ei_chunks, zeros_agg)
    hs1 = _tc_mid(agg0, hs0, deg2, W1, b0)
    agg1 = _agg_kernel(hs1, ei_chunks, zeros_agg)
    out = _tc_out(agg1, hs1, deg2, Wl, b1, bl)
    return out[:N]

# --- scband reference (transcript-rebuilt; emitter-appended) ---
"""Pipeline reference for scband-i-vgae-decoder-7121055776881 (READ-ONLY COPY).

The authoritative reference and input builder live on the scoring server;
editing this copy changes nothing except your own understanding.
"""

import jax, jax.numpy as jnp
import numpy as np

N = 10000
E = 320000
IN_C = 128
HID = 256
OUT_C = 128


def setup_inputs(seed: int = 0) -> dict:
    key = jax.random.key(seed)
    ks = jax.random.split(key, 8)
    z = jax.random.normal(ks[0], (N, IN_C), dtype=jnp.float32)
    edge_index = jax.random.randint(ks[1], (2, E), 0, N, dtype=jnp.int32)
    W0 = jax.random.normal(ks[2], (IN_C, HID), dtype=jnp.float32) * (1.0 / np.sqrt(IN_C))
    b0 = jnp.zeros((HID,), dtype=jnp.float32)
    W1 = jax.random.normal(ks[3], (HID, HID), dtype=jnp.float32) * (1.0 / np.sqrt(HID))
    b1 = jnp.zeros((HID,), dtype=jnp.float32)
    Wl = jax.random.normal(ks[4], (HID, OUT_C), dtype=jnp.float32) * (1.0 / np.sqrt(HID))
    bl = jnp.zeros((OUT_C,), dtype=jnp.float32)
    return {"z": z, "edge_index": edge_index, "W0": W0, "b0": b0, "W1": W1, "b1": b1, "Wl": Wl, "bl": bl}


def gcn_conv(x, edge_index, W, b):
    # Faithful GCNConv: add self-loops, symmetric normalization, scatter-add aggregation
    n = x.shape[0]
    src = edge_index[0]
    dst = edge_index[1]
    loop = jnp.arange(n, dtype=src.dtype)
    src = jnp.concatenate([src, loop])
    dst = jnp.concatenate([dst, loop])
    deg = jnp.zeros((n,), dtype=x.dtype).at[dst].add(1.0)
    deg_inv_sqrt = jnp.where(deg > 0, deg ** -0.5, 0.0)
    norm = deg_inv_sqrt[src] * deg_inv_sqrt[dst]
    h = x @ W
    msg = norm[:, None] * jnp.take(h, src, axis=0)
    out = jnp.zeros((n, h.shape[1]), dtype=h.dtype).at[dst].add(msg)
    return out + b


def reference(z, edge_index, W0, b0, W1, b1, Wl, bl):
    h = jax.nn.relu(gcn_conv(z, edge_index, W0, b0))
    h = jax.nn.relu(gcn_conv(h, edge_index, W1, b1))
    out = h @ Wl + bl
    out = jax.nn.sigmoid(out)
    return out

if __name__ == "__main__":
    import jax
    _d = setup_inputs()
    print(jax.jit(kernel)(*tuple(_d.values())))

</pallas_src>

<mosaic_0001>
#map = affine_map<(d0, d1) -> (0, 0, 0)>
#map1 = affine_map<(d0, d1) -> (0, 0)>
module attributes {stable_mosaic.version = 14 : i64} {
  func.func @_agg_kernel(%arg0: i32, %arg1: i32, %arg2: memref<2x10240x128xf32, #tpu.memory_space<hbm>>, %arg3: memref<2738x2x120xi32, #tpu.memory_space<hbm>>, %arg4: memref<640x128xf32, #tpu.memory_space<hbm>>, %arg5: memref<2x10240x128xf32, #tpu.memory_space<hbm>>, %arg6: memref<2x120xi32, #tpu.memory_space<vmem>>, %arg7: memref<2x120xi32, #tpu.memory_space<vmem>>, %arg8: memref<2x120xi32, #tpu.memory_space<vmem>>, %arg9: memref<120x128xf32, #tpu.memory_space<vmem>>, %arg10: memref<120x128xf32, #tpu.memory_space<vmem>>, %arg11: memref<120x128xf32, #tpu.memory_space<vmem>>, %arg12: memref<10240x128xf32, #tpu.memory_space<vmem_shared>>, %arg13: memref<!tpu.dma_semaphore, #tpu.memory_space<semaphore_mem>>, %arg14: memref<!tpu.dma_semaphore, #tpu.memory_space<semaphore_mem>>, %arg15: memref<!tpu.dma_semaphore, #tpu.memory_space<semaphore_mem>>, %arg16: memref<!tpu.dma_semaphore, #tpu.memory_space<semaphore_mem>>, %arg17: memref<!tpu.dma_semaphore, #tpu.memory_space<semaphore_mem>>, %arg18: memref<!tpu.dma_semaphore, #tpu.memory_space<semaphore_mem>>) attributes {dimension_semantics = [#tpu.dimension_semantics<core_parallel>, #tpu.dimension_semantics<subcore_parallel>], iteration_bounds = array<i64: 2, 16>, scalar_prefetch = 0 : i64, scratch_operands = 13 : i64, tpu.core_type = #tpu.core_type<sc_vector_subcore>, window_params = [{transform_indices = #map}, {transform_indices = #map}, {transform_indices = #map1}, {transform_indices = #map}]} {
    %mul3A = arith.constant 640 : i32
    %mul3A_0 = arith.muli %arg1, %mul3A : i32
    "tpu.region"() ({
      %run_scoped3A = tpu.sem_alloc : memref<!tpu.dma_semaphore, #tpu.memory_space<semaphore_mem>>
      %dma_start3A_34 = arith.constant 0 : i32
      %dma_start3A_35 = tpu.memref_slice %arg12[%mul3A_0, %dma_start3A_34] : memref<10240x128xf32, #tpu.memory_space<vmem_shared>> -> memref<640x128xf32, #tpu.memory_space<vmem_shared>>
      tpu.enqueue_dma source(%arg4 : memref<640x128xf32, #tpu.memory_space<hbm>>) target(%dma_start3A_35 : memref<640x128xf32, #tpu.memory_space<vmem_shared>>) target_semaphore(%run_scoped3A : memref<!tpu.dma_semaphore, #tpu.memory_space<semaphore_mem>>)
      %dma_wait3A_36 = arith.constant 0 : i32
      %dma_wait3A_37 = tpu.memref_slice %arg12[%mul3A_0, %dma_wait3A_36] : memref<10240x128xf32, #tpu.memory_space<vmem_shared>> -> memref<640x128xf32, #tpu.memory_space<vmem_shared>>
      tpu.wait_dma2 semaphore(%run_scoped3A : memref<!tpu.dma_semaphore, #tpu.memory_space<semaphore_mem>>) src(%arg4 : memref<640x128xf32, #tpu.memory_space<hbm>>) dst(%dma_wait3A_37 : memref<640x128xf32, #tpu.memory_space<vmem_shared>>)
      tpu.yield
    }) : () -> ()
    %barrier3A = arith.constant 0 : index
    tpu.barrier barrier_id(%barrier3A)
    %mul3A_1 = arith.constant 171 : i32
    %mul3A_2 = arith.muli %arg1, %mul3A_1 : i32
    %add3A = arith.constant 0 : i32
    %add3A_3 = arith.addi %mul3A_2, %add3A : i32
    "tpu.region"() ({
      %run_scoped3A = tpu.sem_alloc : memref<!tpu.dma_semaphore, #tpu.memory_space<semaphore_mem>>
      %dma_start3A_34 = arith.constant 0 : i32
      %dma_start3A_35 = arith.constant 0 : i32
      %dma_start3A_36 = tpu.memref_slice %arg3[%add3A_3, %dma_start3A_34, %dma_start3A_35] : memref<2738x2x120xi32, #tpu.memory_space<hbm>> -> memref<1x2x120xi32, #tpu.memory_space<hbm>>
      %dma_start3A_37 = tpu.memref_squeeze %dma_start3A_36 : memref<1x2x120xi32, #tpu.memory_space<hbm>> -> memref<2x120xi32, #tpu.memory_space<hbm>>
      %dma_start3A_38 = arith.constant 0 : i32
      %dma_start3A_39 = arith.constant 0 : i32
      %dma_start3A_40 = tpu.memref_slice %arg3[%add3A_3, %dma_start3A_38, %dma_start3A_39] : memref<2738x2x120xi32, #tpu.memory_space<hbm>> -> memref<1x2x120xi32, #tpu.memory_space<hbm>>
      %dma_start3A_41 = tpu.memref_squeeze %dma_start3A_40 : memref<1x2x120xi32, #tpu.memory_space<hbm>> -> memref<2x120xi32, #tpu.memory_space<hbm>>
      tpu.enqueue_dma source(%dma_start3A_41 : memref<2x120xi32, #tpu.memory_space<hbm>>) target(%arg6 : memref<2x120xi32, #tpu.memory_space<vmem>>) target_semaphore(%run_scoped3A : memref<!tpu.dma_semaphore, #tpu.memory_space<semaphore_mem>>)
      %dma_wait3A_42 = arith.constant 0 : i32
      %dma_wait3A_43 = arith.constant 0 : i32
      %dma_wait3A_44 = tpu.memref_slice %arg3[%add3A_3, %dma_wait3A_42, %dma_wait3A_43] : memref<2738x2x120xi32, #tpu.memory_space<hbm>> -> memref<1x2x120xi32, #tpu.memory_space<hbm>>
      %dma_wait3A_45 = tpu.memref_squeeze %dma_wait3A_44 : memref<1x2x120xi32, #tpu.memory_space<hbm>> -> memref<2x120xi32, #tpu.memory_space<hbm>>
      %dma_wait3A_46 = arith.constant 0 : i32
      %dma_wait3A_47 = arith.constant 0 : i32
      %dma_wait3A_48 = tpu.memref_slice %arg3[%add3A_3, %dma_wait3A_46, %dma_wait3A_47] : memref<2738x2x120xi32, #tpu.memory_space<hbm>> -> memref<1x2x120xi32, #tpu.memory_space<hbm>>
      %dma_wait3A_49 = tpu.memref_squeeze %dma_wait3A_48 : memref<1x2x120xi32, #tpu.memory_space<hbm>> -> memref<2x120xi32, #tpu.memory_space<hbm>>
      tpu.wait_dma2 semaphore(%run_scoped3A : memref<!tpu.dma_semaphore, #tpu.memory_space<semaphore_mem>>) src(%dma_wait3A_49 : memref<2x120xi32, #tpu.memory_space<hbm>>) dst(%arg6 : memref<2x120xi32, #tpu.memory_space<vmem>>)
      tpu.yield
    }) : () -> ()
    %dma_start3A = arith.constant 0 : i32
    %dma_start3A_4 = arith.constant 0 : i32
    %dma_start3A_5 = tpu.memref_slice %arg6[%dma_start3A, %dma_start3A_4] : memref<2x120xi32, #tpu.memory_space<vmem>> -> memref<1x120xi32, #tpu.memory_space<vmem>>
    %dma_start3A_6 = tpu.memref_squeeze %dma_start3A_5 : memref<1x120xi32, #tpu.memory_space<vmem>> -> memref<120xi32, #tpu.memory_space<vmem>>
    %dma_start3A_7 = arith.constant 0 : i32
    %dma_start3A_8 = arith.constant 0 : i32
    %dma_start3A_9 = tpu.memref_slice %arg2[%arg0, %dma_start3A_7, %dma_start3A_8] : memref<2x10240x128xf32, #tpu.memory_space<hbm>> -> memref<1x10240x128xf32, #tpu.memory_space<hbm>>
    %dma_start3A_10 = tpu.memref_squeeze %dma_start3A_9 : memref<1x10240x128xf32, #tpu.memory_space<hbm>> -> memref<10240x128xf32, #tpu.memory_space<hbm>>
    %dma_start3A_11 = arith.constant 0 : i32
    %dma_start3A_12 = arith.constant 0 : i32
    %dma_start3A_13 = tpu.memref_slice %dma_start3A_10[%dma_start3A_11, %dma_start3A_12] : memref<10240x128xf32, #tpu.memory_space<hbm>> -> memref<10240x128xf32, #tpu.memory_space<hbm>>
    tpu.enqueue_indirect_dma source(%dma_start3A_13 : memref<10240x128xf32, #tpu.memory_space<hbm>>) target(%arg9 : memref<120x128xf32, #tpu.memory_space<vmem>>) offsets(%dma_start3A_6 : memref<120xi32, #tpu.memory_space<vmem>>) semaphore(%arg13 : memref<!tpu.dma_semaphore, #tpu.memory_space<semaphore_mem>>)
    %scan3A = arith.constant 0 : i32
    %scan3A_14 = arith.constant 0 : i32
    %scan3A_15 = arith.constant 57 : i32
    %scan3A_16 = arith.addi %scan3A_14, %scan3A_15 : i32
    %scan3A_17 = arith.constant 1 : i32
    scf.for %scan3A_34 = %scan3A_14 to %scan3A_16 step %scan3A_17  : i32 {
      %mul3A_35 = arith.constant 3 : i32
      %mul3A_36 = arith.muli %mul3A_35, %scan3A_34 : i32
      %dma_wait3A_37 = arith.constant 0 : i32
      %dma_wait3A_38 = arith.constant 0 : i32
      %dma_wait3A_39 = tpu.memref_slice %arg6[%dma_wait3A_37, %dma_wait3A_38] : memref<2x120xi32, #tpu.memory_space<vmem>> -> memref<1x120xi32, #tpu.memory_space<vmem>>
      %dma_wait3A_40 = tpu.memref_squeeze %dma_wait3A_39 : memref<1x120xi32, #tpu.memory_space<vmem>> -> memref<120xi32, #tpu.memory_space<vmem>>
      %dma_wait3A_41 = arith.constant 0 : i32
      %dma_wait3A_42 = arith.constant 0 : i32
      %dma_wait3A_43 = tpu.memref_slice %arg2[%arg0, %dma_wait3A_41, %dma_wait3A_42] : memref<2x10240x128xf32, #tpu.memory_space<hbm>> -> memref<1x10240x128xf32, #tpu.memory_space<hbm>>
      %dma_wait3A_44 = tpu.memref_squeeze %dma_wait3A_43 : memref<1x10240x128xf32, #tpu.memory_space<hbm>> -> memref<10240x128xf32, #tpu.memory_space<hbm>>
      %dma_wait3A_45 = arith.constant 0 : i32
      %dma_wait3A_46 = arith.constant 0 : i32
      %dma_wait3A_47 = tpu.memref_slice %dma_wait3A_44[%dma_wait3A_45, %dma_wait3A_46] : memref<10240x128xf32, #tpu.memory_space<hbm>> -> memref<10240x128xf32, #tpu.memory_space<hbm>>
      tpu.wait_indirect_dma semaphore(%arg13 : memref<!tpu.dma_semaphore, #tpu.memory_space<semaphore_mem>>) src(%dma_wait3A_47 : memref<10240x128xf32, #tpu.memory_space<hbm>>) dst(%arg9 : memref<120x128xf32, #tpu.memory_space<vmem>>)
      %add3A_48 = arith.constant 1 : i32
      %add3A_49 = arith.addi %mul3A_36, %add3A_48 : i32
      %mul3A_50 = arith.constant 171 : i32
      %mul3A_51 = arith.muli %arg1, %mul3A_50 : i32
      %add3A_52 = arith.addi %mul3A_51, %add3A_49 : i32
      "tpu.region"() ({
        %run_scoped3A_128 = tpu.sem_alloc : memref<!tpu.dma_semaphore, #tpu.memory_space<semaphore_mem>>
        %dma_start3A_129 = arith.constant 0 : i32
        %dma_start3A_130 = arith.constant 0 : i32
        %dma_start3A_131 = tpu.memref_slice %arg3[%add3A_52, %dma_start3A_129, %dma_start3A_130] : memref<2738x2x120xi32, #tpu.memory_space<hbm>> -> memref<1x2x120xi32, #tpu.memory_space<hbm>>
        %dma_start3A_132 = tpu.memref_squeeze %dma_start3A_131 : memref<1x2x120xi32, #tpu.memory_space<hbm>> -> memref<2x120xi32, #tpu.memory_space<hbm>>
        %dma_start3A_133 = arith.constant 0 : i32
        %dma_start3A_134 = arith.constant 0 : i32
        %dma_start3A_135 = tpu.memref_slice %arg3[%add3A_52, %dma_start3A_133, %dma_start3A_134] : memref<2738x2x120xi32, #tpu.memory_space<hbm>> -> memref<1x2x120xi32, #tpu.memory_space<hbm>>
        %dma_start3A_136 = tpu.memref_squeeze %dma_start3A_135 : memref<1x2x120xi32, #tpu.memory_space<hbm>> -> memref<2x120xi32, #tpu.memory_space<hbm>>
        tpu.enqueue_dma source(%dma_start3A_136 : memref<2x120xi32, #tpu.memory_space<hbm>>) target(%arg7 : memref<2x120xi32, #tpu.memory_space<vmem>>) target_semaphore(%run_scoped3A_128 : memref<!tpu.dma_semaphore, #tpu.memory_space<semaphore_mem>>)
        %dma_wait3A_137 = arith.constant 0 : i32
        %dma_wait3A_138 = arith.constant 0 : i32
        %dma_wait3A_139 = tpu.memref_slice %arg3[%add3A_52, %dma_wait3A_137, %dma_wait3A_138] : memref<2738x2x120xi32, #tpu.memory_space<hbm>> -> memref<1x2x120xi32, #tpu.memory_space<hbm>>
        %dma_wait3A_140 = tpu.memref_squeeze %dma_wait3A_139 : memref<1x2x120xi32, #tpu.memory_space<hbm>> -> memref<2x120xi32, #tpu.memory_space<hbm>>
        %dma_wait3A_141 = arith.constant 0 : i32
        %dma_wait3A_142 = arith.constant 0 : i32
        %dma_wait3A_143 = tpu.memref_slice %arg3[%add3A_52, %dma_wait3A_141, %dma_wait3A_142] : memref<2738x2x120xi32, #tpu.memory_space<hbm>> -> memref<1x2x120xi32, #tpu.memory_space<hbm>>
        %dma_wait3A_144 = tpu.memref_squeeze %dma_wait3A_143 : memref<1x2x120xi32, #tpu.memory_space<hbm>> -> memref<2x120xi32, #tpu.memory_space<hbm>>
        tpu.wait_dma2 semaphore(%run_scoped3A_128 : memref<!tpu.dma_semaphore, #tpu.memory_space<semaphore_mem>>) src(%dma_wait3A_144 : memref<2x120xi32, #tpu.memory_space<hbm>>) dst(%arg7 : memref<2x120xi32, #tpu.memory_space<vmem>>)
        tpu.yield
      }) : () -> ()
      %dma_start3A_53 = arith.constant 0 : i32
      %dma_start3A_54 = arith.constant 0 : i32
      %dma_start3A_55 = tpu.memref_slice %arg7[%dma_start3A_53, %dma_start3A_54] : memref<2x120xi32, #tpu.memory_space<vmem>> -> memref<1x120xi32, #tpu.memory_space<vmem>>
      %dma_start3A_56 = tpu.memref_squeeze %dma_start3A_55 : memref<1x120xi32, #tpu.memory_space<vmem>> -> memref<120xi32, #tpu.memory_space<vmem>>
      %dma_start3A_57 = arith.constant 0 : i32
      %dma_start3A_58 = arith.constant 0 : i32
      %dma_start3A_59 = tpu.memref_slice %arg2[%arg0, %dma_start3A_57, %dma_start3A_58] : memref<2x10240x128xf32, #tpu.memory_space<hbm>> -> memref<1x10240x128xf32, #tpu.memory_space<hbm>>
      %dma_start3A_60 = tpu.memref_squeeze %dma_start3A_59 : memref<1x10240x128xf32, #tpu.memory_space<hbm>> -> memref<10240x128xf32, #tpu.memory_space<hbm>>
      %dma_start3A_61 = arith.constant 0 : i32
      %dma_start3A_62 = arith.constant 0 : i32
      %dma_start3A_63 = tpu.memref_slice %dma_start3A_60[%dma_start3A_61, %dma_start3A_62] : memref<10240x128xf32, #tpu.memory_space<hbm>> -> memref<10240x128xf32, #tpu.memory_space<hbm>>
      tpu.enqueue_indirect_dma source(%dma_start3A_63 : memref<10240x128xf32, #tpu.memory_space<hbm>>) target(%arg10 : memref<120x128xf32, #tpu.memory_space<vmem>>) offsets(%dma_start3A_56 : memref<120xi32, #tpu.memory_space<vmem>>) semaphore(%arg14 : memref<!tpu.dma_semaphore, #tpu.memory_space<semaphore_mem>>)
      %run_scoped3A = arith.constant 1 : i32
      "tpu.region"() ({
        %run_scoped3A_128 = tpu.sem_alloc : memref<!tpu.dma_semaphore, #tpu.memory_space<semaphore_mem>>
        %dma_start3A_129 = arith.constant 0 : i32
        %dma_start3A_130 = tpu.memref_slice %arg6[%run_scoped3A, %dma_start3A_129] : memref<2x120xi32, #tpu.memory_space<vmem>> -> memref<1x120xi32, #tpu.memory_space<vmem>>
        %dma_start3A_131 = tpu.memref_squeeze %dma_start3A_130 : memref<1x120xi32, #tpu.memory_space<vmem>> -> memref<120xi32, #tpu.memory_space<vmem>>
        %dma_start3A_132 = arith.constant 0 : i32
        %dma_start3A_133 = arith.constant 0 : i32
        %dma_start3A_134 = tpu.memref_slice %arg12[%dma_start3A_132, %dma_start3A_133] : memref<10240x128xf32, #tpu.memory_space<vmem_shared>> -> memref<10240x128xf32, #tpu.memory_space<vmem_shared>>
        tpu.enqueue_indirect_dma source(%arg9 : memref<120x128xf32, #tpu.memory_space<vmem>>) target(%dma_start3A_134 : memref<10240x128xf32, #tpu.memory_space<vmem_shared>>) offsets(%dma_start3A_131 : memref<120xi32, #tpu.memory_space<vmem>>) semaphore(%run_scoped3A_128 : memref<!tpu.dma_semaphore, #tpu.memory_space<semaphore_mem>>) {add = true}
        %dma_wait3A_135 = arith.constant 0 : i32
        %dma_wait3A_136 = tpu.memref_slice %arg6[%run_scoped3A, %dma_wait3A_135] : memref<2x120xi32, #tpu.memory_space<vmem>> -> memref<1x120xi32, #tpu.memory_space<vmem>>
        %dma_wait3A_137 = tpu.memref_squeeze %dma_wait3A_136 : memref<1x120xi32, #tpu.memory_space<vmem>> -> memref<120xi32, #tpu.memory_space<vmem>>
        %dma_wait3A_138 = arith.constant 0 : i32
        %dma_wait3A_139 = arith.constant 0 : i32
        %dma_wait3A_140 = tpu.memref_slice %arg12[%dma_wait3A_138, %dma_wait3A_139] : memref<10240x128xf32, #tpu.memory_space<vmem_shared>> -> memref<10240x128xf32, #tpu.memory_space<vmem_shared>>
        tpu.wait_indirect_dma semaphore(%run_scoped3A_128 : memref<!tpu.dma_semaphore, #tpu.memory_space<semaphore_mem>>) src(%arg9 : memref<120x128xf32, #tpu.memory_space<vmem>>) dst(%dma_wait3A_140 : memref<10240x128xf32, #tpu.memory_space<vmem_shared>>)
        tpu.yield
      }) : () -> ()
      %mul3A_64 = arith.constant 3 : i32
      %mul3A_65 = arith.muli %mul3A_64, %scan3A_34 : i32
      %add3A_66 = arith.constant 1 : i32
      %add3A_67 = arith.addi %mul3A_65, %add3A_66 : i32
      %dma_wait3A_68 = arith.constant 0 : i32
      %dma_wait3A_69 = arith.constant 0 : i32
      %dma_wait3A_70 = tpu.memref_slice %arg7[%dma_wait3A_68, %dma_wait3A_69] : memref<2x120xi32, #tpu.memory_space<vmem>> -> memref<1x120xi32, #tpu.memory_space<vmem>>
      %dma_wait3A_71 = tpu.memref_squeeze %dma_wait3A_70 : memref<1x120xi32, #tpu.memory_space<vmem>> -> memref<120xi32, #tpu.memory_space<vmem>>
      %dma_wait3A_72 = arith.constant 0 : i32
      %dma_wait3A_73 = arith.constant 0 : i32
      %dma_wait3A_74 = tpu.memref_slice %arg2[%arg0, %dma_wait3A_72, %dma_wait3A_73] : memref<2x10240x128xf32, #tpu.memory_space<hbm>> -> memref<1x10240x128xf32, #tpu.memory_space<hbm>>
      %dma_wait3A_75 = tpu.memref_squeeze %dma_wait3A_74 : memref<1x10240x128xf32, #tpu.memory_space<hbm>> -> memref<10240x128xf32, #tpu.memory_space<hbm>>
      %dma_wait3A_76 = arith.constant 0 : i32
      %dma_wait3A_77 = arith.constant 0 : i32
      %dma_wait3A_78 = tpu.memref_slice %dma_wait3A_75[%dma_wait3A_76, %dma_wait3A_77] : memref<10240x128xf32, #tpu.memory_space<hbm>> -> memref<10240x128xf32, #tpu.memory_space<hbm>>
      tpu.wait_indirect_dma semaphore(%arg14 : memref<!tpu.dma_semaphore, #tpu.memory_space<semaphore_mem>>) src(%dma_wait3A_78 : memref<10240x128xf32, #tpu.memory_space<hbm>>) dst(%arg10 : memref<120x128xf32, #tpu.memory_space<vmem>>)
      %add3A_79 = arith.constant 1 : i32
      %add3A_80 = arith.addi %add3A_67, %add3A_79 : i32
      %mul3A_81 = arith.constant 171 : i32
      %mul3A_82 = arith.muli %arg1, %mul3A_81 : i32
      %add3A_83 = arith.addi %mul3A_82, %add3A_80 : i32
      "tpu.region"() ({
        %run_scoped3A_128 = tpu.sem_alloc : memref<!tpu.dma_semaphore, #tpu.memory_space<semaphore_mem>>
        %dma_start3A_129 = arith.constant 0 : i32
        %dma_start3A_130 = arith.constant 0 : i32
        %dma_start3A_131 = tpu.memref_slice %arg3[%add3A_83, %dma_start3A_129, %dma_start3A_130] : memref<2738x2x120xi32, #tpu.memory_space<hbm>> -> memref<1x2x120xi32, #tpu.memory_space<hbm>>
        %dma_start3A_132 = tpu.memref_squeeze %dma_start3A_131 : memref<1x2x120xi32, #tpu.memory_space<hbm>> -> memref<2x120xi32, #tpu.memory_space<hbm>>
        %dma_start3A_133 = arith.constant 0 : i32
        %dma_start3A_134 = arith.constant 0 : i32
        %dma_start3A_135 = tpu.memref_slice %arg3[%add3A_83, %dma_start3A_133, %dma_start3A_134] : memref<2738x2x120xi32, #tpu.memory_space<hbm>> -> memref<1x2x120xi32, #tpu.memory_space<hbm>>
        %dma_start3A_136 = tpu.memref_squeeze %dma_start3A_135 : memref<1x2x120xi32, #tpu.memory_space<hbm>> -> memref<2x120xi32, #tpu.memory_space<hbm>>
        tpu.enqueue_dma source(%dma_start3A_136 : memref<2x120xi32, #tpu.memory_space<hbm>>) target(%arg8 : memref<2x120xi32, #tpu.memory_space<vmem>>) target_semaphore(%run_scoped3A_128 : memref<!tpu.dma_semaphore, #tpu.memory_space<semaphore_mem>>)
        %dma_wait3A_137 = arith.constant 0 : i32
        %dma_wait3A_138 = arith.constant 0 : i32
        %dma_wait3A_139 = tpu.memref_slice %arg3[%add3A_83, %dma_wait3A_137, %dma_wait3A_138] : memref<2738x2x120xi32, #tpu.memory_space<hbm>> -> memref<1x2x120xi32, #tpu.memory_space<hbm>>
        %dma_wait3A_140 = tpu.memref_squeeze %dma_wait3A_139 : memref<1x2x120xi32, #tpu.memory_space<hbm>> -> memref<2x120xi32, #tpu.memory_space<hbm>>
        %dma_wait3A_141 = arith.constant 0 : i32
        %dma_wait3A_142 = arith.constant 0 : i32
        %dma_wait3A_143 = tpu.memref_slice %arg3[%add3A_83, %dma_wait3A_141, %dma_wait3A_142] : memref<2738x2x120xi32, #tpu.memory_space<hbm>> -> memref<1x2x120xi32, #tpu.memory_space<hbm>>
        %dma_wait3A_144 = tpu.memref_squeeze %dma_wait3A_143 : memref<1x2x120xi32, #tpu.memory_space<hbm>> -> memref<2x120xi32, #tpu.memory_space<hbm>>
        tpu.wait_dma2 semaphore(%run_scoped3A_128 : memref<!tpu.dma_semaphore, #tpu.memory_space<semaphore_mem>>) src(%dma_wait3A_144 : memref<2x120xi32, #tpu.memory_space<hbm>>) dst(%arg8 : memref<2x120xi32, #tpu.memory_space<vmem>>)
        tpu.yield
      }) : () -> ()
      %dma_start3A_84 = arith.constant 0 : i32
      %dma_start3A_85 = arith.constant 0 : i32
      %dma_start3A_86 = tpu.memref_slice %arg8[%dma_start3A_84, %dma_start3A_85] : memref<2x120xi32, #tpu.memory_space<vmem>> -> memref<1x120xi32, #tpu.memory_space<vmem>>
      %dma_start3A_87 = tpu.memref_squeeze %dma_start3A_86 : memref<1x120xi32, #tpu.memory_space<vmem>> -> memref<120xi32, #tpu.memory_space<vmem>>
      %dma_start3A_88 = arith.constant 0 : i32
      %dma_start3A_89 = arith.constant 0 : i32
      %dma_start3A_90 = tpu.memref_slice %arg2[%arg0, %dma_start3A_88, %dma_start3A_89] : memref<2x10240x128xf32, #tpu.memory_space<hbm>> -> memref<1x10240x128xf32, #tpu.memory_space<hbm>>
      %dma_start3A_91 = tpu.memref_squeeze %dma_start3A_90 : memref<1x10240x128xf32, #tpu.memory_space<hbm>> -> memref<10240x128xf32, #tpu.memory_space<hbm>>
      %dma_start3A_92 = arith.constant 0 : i32
      %dma_start3A_93 = arith.constant 0 : i32
      %dma_start3A_94 = tpu.memref_slice %dma_start3A_91[%dma_start3A_92, %dma_start3A_93] : memref<10240x128xf32, #tpu.memory_space<hbm>> -> memref<10240x128xf32, #tpu.memory_space<hbm>>
      tpu.enqueue_indirect_dma source(%dma_start3A_94 : memref<10240x128xf32, #tpu.memory_space<hbm>>) target(%arg11 : memref<120x128xf32, #tpu.memory_space<vmem>>) offsets(%dma_start3A_87 : memref<120xi32, #tpu.memory_space<vmem>>) semaphore(%arg15 : memref<!tpu.dma_semaphore, #tpu.memory_space<semaphore_mem>>)
      %run_scoped3A_95 = arith.constant 1 : i32
      "tpu.region"() ({
        %run_scoped3A_128 = tpu.sem_alloc : memref<!tpu.dma_semaphore, #tpu.memory_space<semaphore_mem>>
        %dma_start3A_129 = arith.constant 0 : i32
        %dma_start3A_130 = tpu.memref_slice %arg7[%run_scoped3A_95, %dma_start3A_129] : memref<2x120xi32, #tpu.memory_space<vmem>> -> memref<1x120xi32, #tpu.memory_space<vmem>>
        %dma_start3A_131 = tpu.memref_squeeze %dma_start3A_130 : memref<1x120xi32, #tpu.memory_space<vmem>> -> memref<120xi32, #tpu.memory_space<vmem>>
        %dma_start3A_132 = arith.constant 0 : i32
        %dma_start3A_133 = arith.constant 0 : i32
        %dma_start3A_134 = tpu.memref_slice %arg12[%dma_start3A_132, %dma_start3A_133] : memref<10240x128xf32, #tpu.memory_space<vmem_shared>> -> memref<10240x128xf32, #tpu.memory_space<vmem_shared>>
        tpu.enqueue_indirect_dma source(%arg10 : memref<120x128xf32, #tpu.memory_space<vmem>>) target(%dma_start3A_134 : memref<10240x128xf32, #tpu.memory_space<vmem_shared>>) offsets(%dma_start3A_131 : memref<120xi32, #tpu.memory_space<vmem>>) semaphore(%run_scoped3A_128 : memref<!tpu.dma_semaphore, #tpu.memory_space<semaphore_mem>>) {add = true}
        %dma_wait3A_135 = arith.constant 0 : i32
        %dma_wait3A_136 = tpu.memref_slice %arg7[%run_scoped3A_95, %dma_wait3A_135] : memref<2x120xi32, #tpu.memory_space<vmem>> -> memref<1x120xi32, #tpu.memory_space<vmem>>
        %dma_wait3A_137 = tpu.memref_squeeze %dma_wait3A_136 : memref<1x120xi32, #tpu.memory_space<vmem>> -> memref<120xi32, #tpu.memory_space<vmem>>
        %dma_wait3A_138 = arith.constant 0 : i32
        %dma_wait3A_139 = arith.constant 0 : i32
        %dma_wait3A_140 = tpu.memref_slice %arg12[%dma_wait3A_138, %dma_wait3A_139] : memref<10240x128xf32, #tpu.memory_space<vmem_shared>> -> memref<10240x128xf32, #tpu.memory_space<vmem_shared>>
        tpu.wait_indirect_dma semaphore(%run_scoped3A_128 : memref<!tpu.dma_semaphore, #tpu.memory_space<semaphore_mem>>) src(%arg10 : memref<120x128xf32, #tpu.memory_space<vmem>>) dst(%dma_wait3A_140 : memref<10240x128xf32, #tpu.memory_space<vmem_shared>>)
        tpu.yield
      }) : () -> ()
      %mul3A_96 = arith.constant 3 : i32
      %mul3A_97 = arith.muli %mul3A_96, %scan3A_34 : i32
      %add3A_98 = arith.constant 2 : i32
      %add3A_99 = arith.addi %mul3A_97, %add3A_98 : i32
      %dma_wait3A_100 = arith.constant 0 : i32
      %dma_wait3A_101 = arith.constant 0 : i32
      %dma_wait3A_102 = tpu.memref_slice %arg8[%dma_wait3A_100, %dma_wait3A_101] : memref<2x120xi32, #tpu.memory_space<vmem>> -> memref<1x120xi32, #tpu.memory_space<vmem>>
      %dma_wait3A_103 = tpu.memref_squeeze %dma_wait3A_102 : memref<1x120xi32, #tpu.memory_space<vmem>> -> memref<120xi32, #tpu.memory_space<vmem>>
      %dma_wait3A_104 = arith.constant 0 : i32
      %dma_wait3A_105 = arith.constant 0 : i32
      %dma_wait3A_106 = tpu.memref_slice %arg2[%arg0, %dma_wait3A_104, %dma_wait3A_105] : memref<2x10240x128xf32, #tpu.memory_space<hbm>> -> memref<1x10240x128xf32, #tpu.memory_space<hbm>>
      %dma_wait3A_107 = tpu.memref_squeeze %dma_wait3A_106 : memref<1x10240x128xf32, #tpu.memory_space<hbm>> -> memref<10240x128xf32, #tpu.memory_space<hbm>>
      %dma_wait3A_108 = arith.constant 0 : i32
      %dma_wait3A_109 = arith.constant 0 : i32
      %dma_wait3A_110 = tpu.memref_slice %dma_wait3A_107[%dma_wait3A_108, %dma_wait3A_109] : memref<10240x128xf32, #tpu.memory_space<hbm>> -> memref<10240x128xf32, #tpu.memory_space<hbm>>
      tpu.wait_indirect_dma semaphore(%arg15 : memref<!tpu.dma_semaphore, #tpu.memory_space<semaphore_mem>>) src(%dma_wait3A_110 : memref<10240x128xf32, #tpu.memory_space<hbm>>) dst(%arg11 : memref<120x128xf32, #tpu.memory_space<vmem>>)
      %add3A_111 = arith.constant 1 : i32
      %add3A_112 = arith.addi %add3A_99, %add3A_111 : i32
      %mul3A_113 = arith.constant 171 : i32
      %mul3A_114 = arith.muli %arg1, %mul3A_113 : i32
      %add3A_115 = arith.addi %mul3A_114, %add3A_112 : i32
      "tpu.region"() ({
        %run_scoped3A_128 = tpu.sem_alloc : memref<!tpu.dma_semaphore, #tpu.memory_space<semaphore_mem>>
        %dma_start3A_129 = arith.constant 0 : i32
        %dma_start3A_130 = arith.constant 0 : i32
        %dma_start3A_131 = tpu.memref_slice %arg3[%add3A_115, %dma_start3A_129, %dma_start3A_130] : memref<2738x2x120xi32, #tpu.memory_space<hbm>> -> memref<1x2x120xi32, #tpu.memory_space<hbm>>
        %dma_start3A_132 = tpu.memref_squeeze %dma_start3A_131 : memref<1x2x120xi32, #tpu.memory_space<hbm>> -> memref<2x120xi32, #tpu.memory_space<hbm>>
        %dma_start3A_133 = arith.constant 0 : i32
        %dma_start3A_134 = arith.constant 0 : i32
        %dma_start3A_135 = tpu.memref_slice %arg3[%add3A_115, %dma_start3A_133, %dma_start3A_134] : memref<2738x2x120xi32, #tpu.memory_space<hbm>> -> memref<1x2x120xi32, #tpu.memory_space<hbm>>
        %dma_start3A_136 = tpu.memref_squeeze %dma_start3A_135 : memref<1x2x120xi32, #tpu.memory_space<hbm>> -> memref<2x120xi32, #tpu.memory_space<hbm>>
        tpu.enqueue_dma source(%dma_start3A_136 : memref<2x120xi32, #tpu.memory_space<hbm>>) target(%arg6 : memref<2x120xi32, #tpu.memory_space<vmem>>) target_semaphore(%run_scoped3A_128 : memref<!tpu.dma_semaphore, #tpu.memory_space<semaphore_mem>>)
        %dma_wait3A_137 = arith.constant 0 : i32
        %dma_wait3A_138 = arith.constant 0 : i32
        %dma_wait3A_139 = tpu.memref_slice %arg3[%add3A_115, %dma_wait3A_137, %dma_wait3A_138] : memref<2738x2x120xi32, #tpu.memory_space<hbm>> -> memref<1x2x120xi32, #tpu.memory_space<hbm>>
        %dma_wait3A_140 = tpu.memref_squeeze %dma_wait3A_139 : memref<1x2x120xi32, #tpu.memory_space<hbm>> -> memref<2x120xi32, #tpu.memory_space<hbm>>
        %dma_wait3A_141 = arith.constant 0 : i32
        %dma_wait3A_142 = arith.constant 0 : i32
        %dma_wait3A_143 = tpu.memref_slice %arg3[%add3A_115, %dma_wait3A_141, %dma_wait3A_142] : memref<2738x2x120xi32, #tpu.memory_space<hbm>> -> memref<1x2x120xi32, #tpu.memory_space<hbm>>
        %dma_wait3A_144 = tpu.memref_squeeze %dma_wait3A_143 : memref<1x2x120xi32, #tpu.memory_space<hbm>> -> memref<2x120xi32, #tpu.memory_space<hbm>>
        tpu.wait_dma2 semaphore(%run_scoped3A_128 : memref<!tpu.dma_semaphore, #tpu.memory_space<semaphore_mem>>) src(%dma_wait3A_144 : memref<2x120xi32, #tpu.memory_space<hbm>>) dst(%arg6 : memref<2x120xi32, #tpu.memory_space<vmem>>)
        tpu.yield
      }) : () -> ()
      %dma_start3A_116 = arith.constant 0 : i32
      %dma_start3A_117 = arith.constant 0 : i32
      %dma_start3A_118 = tpu.memref_slice %arg6[%dma_start3A_116, %dma_start3A_117] : memref<2x120xi32, #tpu.memory_space<vmem>> -> memref<1x120xi32, #tpu.memory_space<vmem>>
      %dma_start3A_119 = tpu.memref_squeeze %dma_start3A_118 : memref<1x120xi32, #tpu.memory_space<vmem>> -> memref<120xi32, #tpu.memory_space<vmem>>
      %dma_start3A_120 = arith.constant 0 : i32
      %dma_start3A_121 = arith.constant 0 : i32
      %dma_start3A_122 = tpu.memref_slice %arg2[%arg0, %dma_start3A_120, %dma_start3A_121] : memref<2x10240x128xf32, #tpu.memory_space<hbm>> -> memref<1x10240x128xf32, #tpu.memory_space<hbm>>
      %dma_start3A_123 = tpu.memref_squeeze %dma_start3A_122 : memref<1x10240x128xf32, #tpu.memory_space<hbm>> -> memref<10240x128xf32, #tpu.memory_space<hbm>>
      %dma_start3A_124 = arith.constant 0 : i32
      %dma_start3A_125 = arith.constant 0 : i32
      %dma_start3A_126 = tpu.memref_slice %dma_start3A_123[%dma_start3A_124, %dma_start3A_125] : memref<10240x128xf32, #tpu.memory_space<hbm>> -> memref<10240x128xf32, #tpu.memory_space<hbm>>
      tpu.enqueue_indirect_dma source(%dma_start3A_126 : memref<10240x128xf32, #tpu.memory_space<hbm>>) target(%arg9 : memref<120x128xf32, #tpu.memory_space<vmem>>) offsets(%dma_start3A_119 : memref<120xi32, #tpu.memory_space<vmem>>) semaphore(%arg13 : memref<!tpu.dma_semaphore, #tpu.memory_space<semaphore_mem>>)
      %run_scoped3A_127 = arith.constant 1 : i32
      "tpu.region"() ({
        %run_scoped3A_128 = tpu.sem_alloc : memref<!tpu.dma_semaphore, #tpu.memory_space<semaphore_mem>>
        %dma_start3A_129 = arith.constant 0 : i32
        %dma_start3A_130 = tpu.memref_slice %arg8[%run_scoped3A_127, %dma_start3A_129] : memref<2x120xi32, #tpu.memory_space<vmem>> -> memref<1x120xi32, #tpu.memory_space<vmem>>
        %dma_start3A_131 = tpu.memref_squeeze %dma_start3A_130 : memref<1x120xi32, #tpu.memory_space<vmem>> -> memref<120xi32, #tpu.memory_space<vmem>>
        %dma_start3A_132 = arith.constant 0 : i32
        %dma_start3A_133 = arith.constant 0 : i32
        %dma_start3A_134 = tpu.memref_slice %arg12[%dma_start3A_132, %dma_start3A_133] : memref<10240x128xf32, #tpu.memory_space<vmem_shared>> -> memref<10240x128xf32, #tpu.memory_space<vmem_shared>>
        tpu.enqueue_indirect_dma source(%arg11 : memref<120x128xf32, #tpu.memory_space<vmem>>) target(%dma_start3A_134 : memref<10240x128xf32, #tpu.memory_space<vmem_shared>>) offsets(%dma_start3A_131 : memref<120xi32, #tpu.memory_space<vmem>>) semaphore(%run_scoped3A_128 : memref<!tpu.dma_semaphore, #tpu.memory_space<semaphore_mem>>) {add = true}
        %dma_wait3A_135 = arith.constant 0 : i32
        %dma_wait3A_136 = tpu.memref_slice %arg8[%run_scoped3A_127, %dma_wait3A_135] : memref<2x120xi32, #tpu.memory_space<vmem>> -> memref<1x120xi32, #tpu.memory_space<vmem>>
        %dma_wait3A_137 = tpu.memref_squeeze %dma_wait3A_136 : memref<1x120xi32, #tpu.memory_space<vmem>> -> memref<120xi32, #tpu.memory_space<vmem>>
        %dma_wait3A_138 = arith.constant 0 : i32
        %dma_wait3A_139 = arith.constant 0 : i32
        %dma_wait3A_140 = tpu.memref_slice %arg12[%dma_wait3A_138, %dma_wait3A_139] : memref<10240x128xf32, #tpu.memory_space<vmem_shared>> -> memref<10240x128xf32, #tpu.memory_space<vmem_shared>>
        tpu.wait_indirect_dma semaphore(%run_scoped3A_128 : memref<!tpu.dma_semaphore, #tpu.memory_space<semaphore_mem>>) src(%arg11 : memref<120x128xf32, #tpu.memory_space<vmem>>) dst(%dma_wait3A_140 : memref<10240x128xf32, #tpu.memory_space<vmem_shared>>)
        tpu.yield
      }) : () -> ()
    }
    %scan3A_18 = arith.constant 57 : i32
    %dma_wait3A = arith.constant 0 : i32
    %dma_wait3A_19 = arith.constant 0 : i32
    %dma_wait3A_20 = tpu.memref_slice %arg6[%dma_wait3A, %dma_wait3A_19] : memref<2x120xi32, #tpu.memory_space<vmem>> -> memref<1x120xi32, #tpu.memory_space<vmem>>
    %dma_wait3A_21 = tpu.memref_squeeze %dma_wait3A_20 : memref<1x120xi32, #tpu.memory_space<vmem>> -> memref<120xi32, #tpu.memory_space<vmem>>
    %dma_wait3A_22 = arith.constant 0 : i32
    %dma_wait3A_23 = arith.constant 0 : i32
    %dma_wait3A_24 = tpu.memref_slice %arg2[%arg0, %dma_wait3A_22, %dma_wait3A_23] : memref<2x10240x128xf32, #tpu.memory_space<hbm>> -> memref<1x10240x128xf32, #tpu.memory_space<hbm>>
    %dma_wait3A_25 = tpu.memref_squeeze %dma_wait3A_24 : memref<1x10240x128xf32, #tpu.memory_space<hbm>> -> memref<10240x128xf32, #tpu.memory_space<hbm>>
    %dma_wait3A_26 = arith.constant 0 : i32
    %dma_wait3A_27 = arith.constant 0 : i32
    %dma_wait3A_28 = tpu.memref_slice %dma_wait3A_25[%dma_wait3A_26, %dma_wait3A_27] : memref<10240x128xf32, #tpu.memory_space<hbm>> -> memref<10240x128xf32, #tpu.memory_space<hbm>>
    tpu.wait_indirect_dma semaphore(%arg13 : memref<!tpu.dma_semaphore, #tpu.memory_space<semaphore_mem>>) src(%dma_wait3A_28 : memref<10240x128xf32, #tpu.memory_space<hbm>>) dst(%arg9 : memref<120x128xf32, #tpu.memory_space<vmem>>)
    %barrier3A_29 = arith.constant 0 : index
    tpu.barrier barrier_id(%barrier3A_29)
    %mul3A_30 = arith.constant 640 : i32
    %mul3A_31 = arith.muli %arg1, %mul3A_30 : i32
    %mul3A_32 = arith.constant 640 : i32
    %mul3A_33 = arith.muli %arg1, %mul3A_32 : i32
    "tpu.region"() ({
      %run_scoped3A = tpu.sem_alloc : memref<!tpu.dma_semaphore, #tpu.memory_space<semaphore_mem>>
      %dma_start3A_34 = arith.constant 0 : i32
      %dma_start3A_35 = tpu.memref_slice %arg5[%arg0, %mul3A_33, %dma_start3A_34] : memref<2x10240x128xf32, #tpu.memory_space<hbm>> -> memref<1x640x128xf32, #tpu.memory_space<hbm>>
      %dma_start3A_36 = tpu.memref_squeeze %dma_start3A_35 : memref<1x640x128xf32, #tpu.memory_space<hbm>> -> memref<640x128xf32, #tpu.memory_space<hbm>>
      %dma_start3A_37 = arith.constant 0 : i32
      %dma_start3A_38 = tpu.memref_slice %arg12[%mul3A_31, %dma_start3A_37] : memref<10240x128xf32, #tpu.memory_space<vmem_shared>> -> memref<640x128xf32, #tpu.memory_space<vmem_shared>>
      tpu.enqueue_dma source(%dma_start3A_38 : memref<640x128xf32, #tpu.memory_space<vmem_shared>>) target(%dma_start3A_36 : memref<640x128xf32, #tpu.memory_space<hbm>>) target_semaphore(%run_scoped3A : memref<!tpu.dma_semaphore, #tpu.memory_space<semaphore_mem>>)
      %dma_wait3A_39 = arith.constant 0 : i32
      %dma_wait3A_40 = tpu.memref_slice %arg5[%arg0, %mul3A_33, %dma_wait3A_39] : memref<2x10240x128xf32, #tpu.memory_space<hbm>> -> memref<1x640x128xf32, #tpu.memory_space<hbm>>
      %dma_wait3A_41 = tpu.memref_squeeze %dma_wait3A_40 : memref<1x640x128xf32, #tpu.memory_space<hbm>> -> memref<640x128xf32, #tpu.memory_space<hbm>>
      %dma_wait3A_42 = arith.constant 0 : i32
      %dma_wait3A_43 = tpu.memref_slice %arg12[%mul3A_31, %dma_wait3A_42] : memref<10240x128xf32, #tpu.memory_space<vmem_shared>> -> memref<640x128xf32, #tpu.memory_space<vmem_shared>>
      tpu.wait_dma2 semaphore(%run_scoped3A : memref<!tpu.dma_semaphore, #tpu.memory_space<semaphore_mem>>) src(%dma_wait3A_43 : memref<640x128xf32, #tpu.memory_space<vmem_shared>>) dst(%dma_wait3A_41 : memref<640x128xf32, #tpu.memory_space<hbm>>)
      tpu.yield
    }) : () -> ()
    return
  }
}

#map = affine_map<(d0, d1) -> (0, 0, 0)>
#map1 = affine_map<(d0, d1) -> (0, 0)>
module attributes {stable_mosaic.version = 14 : i64} {
  func.func @_agg_kernel(%arg0: i32, %arg1: i32, %arg2: memref<2x10240x128xf32, #tpu.memory_space<hbm>>, %arg3: memref<2738x2x120xi32, #tpu.memory_space<hbm>>, %arg4: memref<640x128xf32, #tpu.memory_space<hbm>>, %arg5: memref<2x10240x128xf32, #tpu.memory_space<hbm>>, %arg6: memref<2x120xi32, #tpu.memory_space<vmem>>, %arg7: memref<2x120xi32, #tpu.memory_space<vmem>>, %arg8: memref<2x120xi32, #tpu.memory_space<vmem>>, %arg9: memref<120x128xf32, #tpu.memory_space<vmem>>, %arg10: memref<120x128xf32, #tpu.memory_space<vmem>>, %arg11: memref<120x128xf32, #tpu.memory_space<vmem>>, %arg12: memref<10240x128xf32, #tpu.memory_space<vmem_shared>>, %arg13: memref<!tpu.dma_semaphore, #tpu.memory_space<semaphore_mem>>, %arg14: memref<!tpu.dma_semaphore, #tpu.memory_space<semaphore_mem>>, %arg15: memref<!tpu.dma_semaphore, #tpu.memory_space<semaphore_mem>>, %arg16: memref<!tpu.dma_semaphore, #tpu.memory_space<semaphore_mem>>, %arg17: memref<!tpu.dma_semaphore, #tpu.memory_space<semaphore_mem>>, %arg18: memref<!tpu.dma_semaphore, #tpu.memory_space<semaphore_mem>>) attributes {dimension_semantics = [#tpu.dimension_semantics<core_parallel>, #tpu.dimension_semantics<subcore_parallel>], iteration_bounds = array<i64: 2, 16>, scalar_prefetch = 0 : i64, scratch_operands = 13 : i64, tpu.core_type = #tpu.core_type<sc_vector_subcore>, window_params = [{transform_indices = #map}, {transform_indices = #map}, {transform_indices = #map1}, {transform_indices = #map}]} {
    %mul3A = arith.constant 640 : i32
    %mul3A_0 = arith.muli %arg1, %mul3A : i32
    "tpu.region"() ({
      %run_scoped3A = tpu.sem_alloc : memref<!tpu.dma_semaphore, #tpu.memory_space<semaphore_mem>>
      %dma_start3A_34 = arith.constant 0 : i32
      %dma_start3A_35 = tpu.memref_slice %arg12[%mul3A_0, %dma_start3A_34] : memref<10240x128xf32, #tpu.memory_space<vmem_shared>> -> memref<640x128xf32, #tpu.memory_space<vmem_shared>>
      tpu.enqueue_dma source(%arg4 : memref<640x128xf32, #tpu.memory_space<hbm>>) target(%dma_start3A_35 : memref<640x128xf32, #tpu.memory_space<vmem_shared>>) target_semaphore(%run_scoped3A : memref<!tpu.dma_semaphore, #tpu.memory_space<semaphore_mem>>)
      %dma_wait3A_36 = arith.constant 0 : i32
      %dma_wait3A_37 = tpu.memref_slice %arg12[%mul3A_0, %dma_wait3A_36] : memref<10240x128xf32, #tpu.memory_space<vmem_shared>> -> memref<640x128xf32, #tpu.memory_space<vmem_shared>>
      tpu.wait_dma2 semaphore(%run_scoped3A : memref<!tpu.dma_semaphore, #tpu.memory_space<semaphore_mem>>) src(%arg4 : memref<640x128xf32, #tpu.memory_space<hbm>>) dst(%dma_wait3A_37 : memref<640x128xf32, #tpu.memory_space<vmem_shared>>)
      tpu.yield
    }) : () -> ()
    %barrier3A = arith.constant 0 : index
    tpu.barrier barrier_id(%barrier3A)
    %mul3A_1 = arith.constant 171 : i32
    %mul3A_2 = arith.muli %arg1, %mul3A_1 : i32
    %add3A = arith.constant 0 : i32
    %add3A_3 = arith.addi %mul3A_2, %add3A : i32
    "tpu.region"() ({
      %run_scoped3A = tpu.sem_alloc : memref<!tpu.dma_semaphore, #tpu.memory_space<semaphore_mem>>
      %dma_start3A_34 = arith.constant 0 : i32
      %dma_start3A_35 = arith.constant 0 : i32
      %dma_start3A_36 = tpu.memref_slice %arg3[%add3A_3, %dma_start3A_34, %dma_start3A_35] : memref<2738x2x120xi32, #tpu.memory_space<hbm>> -> memref<1x2x120xi32, #tpu.memory_space<hbm>>
      %dma_start3A_37 = tpu.memref_squeeze %dma_start3A_36 : memref<1x2x120xi32, #tpu.memory_space<hbm>> -> memref<2x120xi32, #tpu.memory_space<hbm>>
      %dma_start3A_38 = arith.constant 0 : i32
      %dma_start3A_39 = arith.constant 0 : i32
      %dma_start3A_40 = tpu.memref_slice %arg3[%add3A_3, %dma_start3A_38, %dma_start3A_39] : memref<2738x2x120xi32, #tpu.memory_space<hbm>> -> memref<1x2x120xi32, #tpu.memory_space<hbm>>
      %dma_start3A_41 = tpu.memref_squeeze %dma_start3A_40 : memref<1x2x120xi32, #tpu.memory_space<hbm>> -> memref<2x120xi32, #tpu.memory_space<hbm>>
      tpu.enqueue_dma source(%dma_start3A_41 : memref<2x120xi32, #tpu.memory_space<hbm>>) target(%arg6 : memref<2x120xi32, #tpu.memory_space<vmem>>) target_semaphore(%run_scoped3A : memref<!tpu.dma_semaphore, #tpu.memory_space<semaphore_mem>>)
      %dma_wait3A_42 = arith.constant 0 : i32
      %dma_wait3A_43 = arith.constant 0 : i32
      %dma_wait3A_44 = tpu.memref_slice %arg3[%add3A_3, %dma_wait3A_42, %dma_wait3A_43] : memref<2738x2x120xi32, #tpu.memory_space<hbm>> -> memref<1x2x120xi32, #tpu.memory_space<hbm>>
      %dma_wait3A_45 = tpu.memref_squeeze %dma_wait3A_44 : memref<1x2x120xi32, #tpu.memory_space<hbm>> -> memref<2x120xi32, #tpu.memory_space<hbm>>
      %dma_wait3A_46 = arith.constant 0 : i32
      %dma_wait3A_47 = arith.constant 0 : i32
      %dma_wait3A_48 = tpu.memref_slice %arg3[%add3A_3, %dma_wait3A_46, %dma_wait3A_47] : memref<2738x2x120xi32, #tpu.memory_space<hbm>> -> memref<1x2x120xi32, #tpu.memory_space<hbm>>
      %dma_wait3A_49 = tpu.memref_squeeze %dma_wait3A_48 : memref<1x2x120xi32, #tpu.memory_space<hbm>> -> memref<2x120xi32, #tpu.memory_space<hbm>>
      tpu.wait_dma2 semaphore(%run_scoped3A : memref<!tpu.dma_semaphore, #tpu.memory_space<semaphore_mem>>) src(%dma_wait3A_49 : memref<2x120xi32, #tpu.memory_space<hbm>>) dst(%arg6 : memref<2x120xi32, #tpu.memory_space<vmem>>)
      tpu.yield
    }) : () -> ()
    %dma_start3A = arith.constant 0 : i32
    %dma_start3A_4 = arith.constant 0 : i32
    %dma_start3A_5 = tpu.memref_slice %arg6[%dma_start3A, %dma_start3A_4] : memref<2x120xi32, #tpu.memory_space<vmem>> -> memref<1x120xi32, #tpu.memory_space<vmem>>
    %dma_start3A_6 = tpu.memref_squeeze %dma_start3A_5 : memref<1x120xi32, #tpu.memory_space<vmem>> -> memref<120xi32, #tpu.memory_space<vmem>>
    %dma_start3A_7 = arith.constant 0 : i32
    %dma_start3A_8 = arith.constant 0 : i32
    %dma_start3A_9 = tpu.memref_slice %arg2[%arg0, %dma_start3A_7, %dma_start3A_8] : memref<2x10240x128xf32, #tpu.memory_space<hbm>> -> memref<1x10240x128xf32, #tpu.memory_space<hbm>>
    %dma_start3A_10 = tpu.memref_squeeze %dma_start3A_9 : memref<1x10240x128xf32, #tpu.memory_space<hbm>> -> memref<10240x128xf32, #tpu.memory_space<hbm>>
    %dma_start3A_11 = arith.constant 0 : i32
    %dma_start3A_12 = arith.constant 0 : i32
    %dma_start3A_13 = tpu.memref_slice %dma_start3A_10[%dma_start3A_11, %dma_start3A_12] : memref<10240x128xf32, #tpu.memory_space<hbm>> -> memref<10240x128xf32, #tpu.memory_space<hbm>>
    tpu.enqueue_indirect_dma source(%dma_start3A_13 : memref<10240x128xf32, #tpu.memory_space<hbm>>) target(%arg9 : memref<120x128xf32, #tpu.memory_space<vmem>>) offsets(%dma_start3A_6 : memref<120xi32, #tpu.memory_space<vmem>>) semaphore(%arg13 : memref<!tpu.dma_semaphore, #tpu.memory_space<semaphore_mem>>)
    %scan3A = arith.constant 0 : i32
    %scan3A_14 = arith.constant 0 : i32
    %scan3A_15 = arith.constant 57 : i32
    %scan3A_16 = arith.addi %scan3A_14, %scan3A_15 : i32
    %scan3A_17 = arith.constant 1 : i32
    scf.for %scan3A_34 = %scan3A_14 to %scan3A_16 step %scan3A_17  : i32 {
      %mul3A_35 = arith.constant 3 : i32
      %mul3A_36 = arith.muli %mul3A_35, %scan3A_34 : i32
      %dma_wait3A_37 = arith.constant 0 : i32
      %dma_wait3A_38 = arith.constant 0 : i32
      %dma_wait3A_39 = tpu.memref_slice %arg6[%dma_wait3A_37, %dma_wait3A_38] : memref<2x120xi32, #tpu.memory_space<vmem>> -> memref<1x120xi32, #tpu.memory_space<vmem>>
      %dma_wait3A_40 = tpu.memref_squeeze %dma_wait3A_39 : memref<1x120xi32, #tpu.memory_space<vmem>> -> memref<120xi32, #tpu.memory_space<vmem>>
      %dma_wait3A_41 = arith.constant 0 : i32
      %dma_wait3A_42 = arith.constant 0 : i32
      %dma_wait3A_43 = tpu.memref_slice %arg2[%arg0, %dma_wait3A_41, %dma_wait3A_42] : memref<2x10240x128xf32, #tpu.memory_space<hbm>> -> memref<1x10240x128xf32, #tpu.memory_space<hbm>>
      %dma_wait3A_44 = tpu.memref_squeeze %dma_wait3A_43 : memref<1x10240x128xf32, #tpu.memory_space<hbm>> -> memref<10240x128xf32, #tpu.memory_space<hbm>>
      %dma_wait3A_45 = arith.constant 0 : i32
      %dma_wait3A_46 = arith.constant 0 : i32
      %dma_wait3A_47 = tpu.memref_slice %dma_wait3A_44[%dma_wait3A_45, %dma_wait3A_46] : memref<10240x128xf32, #tpu.memory_space<hbm>> -> memref<10240x128xf32, #tpu.memory_space<hbm>>
      tpu.wait_indirect_dma semaphore(%arg13 : memref<!tpu.dma_semaphore, #tpu.memory_space<semaphore_mem>>) src(%dma_wait3A_47 : memref<10240x128xf32, #tpu.memory_space<hbm>>) dst(%arg9 : memref<120x128xf32, #tpu.memory_space<vmem>>)
      %add3A_48 = arith.constant 1 : i32
      %add3A_49 = arith.addi %mul3A_36, %add3A_48 : i32
      %mul3A_50 = arith.constant 171 : i32
      %mul3A_51 = arith.muli %arg1, %mul3A_50 : i32
      %add3A_52 = arith.addi %mul3A_51, %add3A_49 : i32
      "tpu.region"() ({
        %run_scoped3A_128 = tpu.sem_alloc : memref<!tpu.dma_semaphore, #tpu.memory_space<semaphore_mem>>
        %dma_start3A_129 = arith.constant 0 : i32
        %dma_start3A_130 = arith.constant 0 : i32
        %dma_start3A_131 = tpu.memref_slice %arg3[%add3A_52, %dma_start3A_129, %dma_start3A_130] : memref<2738x2x120xi32, #tpu.memory_space<hbm>> -> memref<1x2x120xi32, #tpu.memory_space<hbm>>
        %dma_start3A_132 = tpu.memref_squeeze %dma_start3A_131 : memref<1x2x120xi32, #tpu.memory_space<hbm>> -> memref<2x120xi32, #tpu.memory_space<hbm>>
        %dma_start3A_133 = arith.constant 0 : i32
        %dma_start3A_134 = arith.constant 0 : i32
        %dma_start3A_135 = tpu.memref_slice %arg3[%add3A_52, %dma_start3A_133, %dma_start3A_134] : memref<2738x2x120xi32, #tpu.memory_space<hbm>> -> memref<1x2x120xi32, #tpu.memory_space<hbm>>
        %dma_start3A_136 = tpu.memref_squeeze %dma_start3A_135 : memref<1x2x120xi32, #tpu.memory_space<hbm>> -> memref<2x120xi32, #tpu.memory_space<hbm>>
        tpu.enqueue_dma source(%dma_start3A_136 : memref<2x120xi32, #tpu.memory_space<hbm>>) target(%arg7 : memref<2x120xi32, #tpu.memory_space<vmem>>) target_semaphore(%run_scoped3A_128 : memref<!tpu.dma_semaphore, #tpu.memory_space<semaphore_mem>>)
        %dma_wait3A_137 = arith.constant 0 : i32
        %dma_wait3A_138 = arith.constant 0 : i32
        %dma_wait3A_139 = tpu.memref_slice %arg3[%add3A_52, %dma_wait3A_137, %dma_wait3A_138] : memref<2738x2x120xi32, #tpu.memory_space<hbm>> -> memref<1x2x120xi32, #tpu.memory_space<hbm>>
        %dma_wait3A_140 = tpu.memref_squeeze %dma_wait3A_139 : memref<1x2x120xi32, #tpu.memory_space<hbm>> -> memref<2x120xi32, #tpu.memory_space<hbm>>
        %dma_wait3A_141 = arith.constant 0 : i32
        %dma_wait3A_142 = arith.constant 0 : i32
        %dma_wait3A_143 = tpu.memref_slice %arg3[%add3A_52, %dma_wait3A_141, %dma_wait3A_142] : memref<2738x2x120xi32, #tpu.memory_space<hbm>> -> memref<1x2x120xi32, #tpu.memory_space<hbm>>
        %dma_wait3A_144 = tpu.memref_squeeze %dma_wait3A_143 : memref<1x2x120xi32, #tpu.memory_space<hbm>> -> memref<2x120xi32, #tpu.memory_space<hbm>>
        tpu.wait_dma2 semaphore(%run_scoped3A_128 : memref<!tpu.dma_semaphore, #tpu.memory_space<semaphore_mem>>) src(%dma_wait3A_144 : memref<2x120xi32, #tpu.memory_space<hbm>>) dst(%arg7 : memref<2x120xi32, #tpu.memory_space<vmem>>)
        tpu.yield
      }) : () -> ()
      %dma_start3A_53 = arith.constant 0 : i32
      %dma_start3A_54 = arith.constant 0 : i32
      %dma_start3A_55 = tpu.memref_slice %arg7[%dma_start3A_53, %dma_start3A_54] : memref<2x120xi32, #tpu.memory_space<vmem>> -> memref<1x120xi32, #tpu.memory_space<vmem>>
      %dma_start3A_56 = tpu.memref_squeeze %dma_start3A_55 : memref<1x120xi32, #tpu.memory_space<vmem>> -> memref<120xi32, #tpu.memory_space<vmem>>
      %dma_start3A_57 = arith.constant 0 : i32
      %dma_start3A_58 = arith.constant 0 : i32
      %dma_start3A_59 = tpu.memref_slice %arg2[%arg0, %dma_start3A_57, %dma_start3A_58] : memref<2x10240x128xf32, #tpu.memory_space<hbm>> -> memref<1x10240x128xf32, #tpu.memory_space<hbm>>
      %dma_start3A_60 = tpu.memref_squeeze %dma_start3A_59 : memref<1x10240x128xf32, #tpu.memory_space<hbm>> -> memref<10240x128xf32, #tpu.memory_space<hbm>>
      %dma_start3A_61 = arith.constant 0 : i32
      %dma_start3A_62 = arith.constant 0 : i32
      %dma_start3A_63 = tpu.memref_slice %dma_start3A_60[%dma_start3A_61, %dma_start3A_62] : memref<10240x128xf32, #tpu.memory_space<hbm>> -> memref<10240x128xf32, #tpu.memory_space<hbm>>
      tpu.enqueue_indirect_dma source(%dma_start3A_63 : memref<10240x128xf32, #tpu.memory_space<hbm>>) target(%arg10 : memref<120x128xf32, #tpu.memory_space<vmem>>) offsets(%dma_start3A_56 : memref<120xi32, #tpu.memory_space<vmem>>) semaphore(%arg14 : memref<!tpu.dma_semaphore, #tpu.memory_space<semaphore_mem>>)
      %run_scoped3A = arith.constant 1 : i32
      "tpu.region"() ({
        %run_scoped3A_128 = tpu.sem_alloc : memref<!tpu.dma_semaphore, #tpu.memory_space<semaphore_mem>>
        %dma_start3A_129 = arith.constant 0 : i32
        %dma_start3A_130 = tpu.memref_slice %arg6[%run_scoped3A, %dma_start3A_129] : memref<2x120xi32, #tpu.memory_space<vmem>> -> memref<1x120xi32, #tpu.memory_space<vmem>>
        %dma_start3A_131 = tpu.memref_squeeze %dma_start3A_130 : memref<1x120xi32, #tpu.memory_space<vmem>> -> memref<120xi32, #tpu.memory_space<vmem>>
        %dma_start3A_132 = arith.constant 0 : i32
        %dma_start3A_133 = arith.constant 0 : i32
        %dma_start3A_134 = tpu.memref_slice %arg12[%dma_start3A_132, %dma_start3A_133] : memref<10240x128xf32, #tpu.memory_space<vmem_shared>> -> memref<10240x128xf32, #tpu.memory_space<vmem_shared>>
        tpu.enqueue_indirect_dma source(%arg9 : memref<120x128xf32, #tpu.memory_space<vmem>>) target(%dma_start3A_134 : memref<10240x128xf32, #tpu.memory_space<vmem_shared>>) offsets(%dma_start3A_131 : memref<120xi32, #tpu.memory_space<vmem>>) semaphore(%run_scoped3A_128 : memref<!tpu.dma_semaphore, #tpu.memory_space<semaphore_mem>>) {add = true}
        %dma_wait3A_135 = arith.constant 0 : i32
        %dma_wait3A_136 = tpu.memref_slice %arg6[%run_scoped3A, %dma_wait3A_135] : memref<2x120xi32, #tpu.memory_space<vmem>> -> memref<1x120xi32, #tpu.memory_space<vmem>>
        %dma_wait3A_137 = tpu.memref_squeeze %dma_wait3A_136 : memref<1x120xi32, #tpu.memory_space<vmem>> -> memref<120xi32, #tpu.memory_space<vmem>>
        %dma_wait3A_138 = arith.constant 0 : i32
        %dma_wait3A_139 = arith.constant 0 : i32
        %dma_wait3A_140 = tpu.memref_slice %arg12[%dma_wait3A_138, %dma_wait3A_139] : memref<10240x128xf32, #tpu.memory_space<vmem_shared>> -> memref<10240x128xf32, #tpu.memory_space<vmem_shared>>
        tpu.wait_indirect_dma semaphore(%run_scoped3A_128 : memref<!tpu.dma_semaphore, #tpu.memory_space<semaphore_mem>>) src(%arg9 : memref<120x128xf32, #tpu.memory_space<vmem>>) dst(%dma_wait3A_140 : memref<10240x128xf32, #tpu.memory_space<vmem_shared>>)
        tpu.yield
      }) : () -> ()
      %mul3A_64 = arith.constant 3 : i32
      %mul3A_65 = arith.muli %mul3A_64, %scan3A_34 : i32
      %add3A_66 = arith.constant 1 : i32
      %add3A_67 = arith.addi %mul3A_65, %add3A_66 : i32
      %dma_wait3A_68 = arith.constant 0 : i32
      %dma_wait3A_69 = arith.constant 0 : i32
      %dma_wait3A_70 = tpu.memref_slice %arg7[%dma_wait3A_68, %dma_wait3A_69] : memref<2x120xi32, #tpu.memory_space<vmem>> -> memref<1x120xi32, #tpu.memory_space<vmem>>
      %dma_wait3A_71 = tpu.memref_squeeze %dma_wait3A_70 : memref<1x120xi32, #tpu.memory_space<vmem>> -> memref<120xi32, #tpu.memory_space<vmem>>
      %dma_wait3A_72 = arith.constant 0 : i32
      %dma_wait3A_73 = arith.constant 0 : i32
      %dma_wait3A_74 = tpu.memref_slice %arg2[%arg0, %dma_wait3A_72, %dma_wait3A_73] : memref<2x10240x128xf32, #tpu.memory_space<hbm>> -> memref<1x10240x128xf32, #tpu.memory_space<hbm>>
      %dma_wait3A_75 = tpu.memref_squeeze %dma_wait3A_74 : memref<1x10240x128xf32, #tpu.memory_space<hbm>> -> memref<10240x128xf32, #tpu.memory_space<hbm>>
      %dma_wait3A_76 = arith.constant 0 : i32
      %dma_wait3A_77 = arith.constant 0 : i32
      %dma_wait3A_78 = tpu.memref_slice %dma_wait3A_75[%dma_wait3A_76, %dma_wait3A_77] : memref<10240x128xf32, #tpu.memory_space<hbm>> -> memref<10240x128xf32, #tpu.memory_space<hbm>>
      tpu.wait_indirect_dma semaphore(%arg14 : memref<!tpu.dma_semaphore, #tpu.memory_space<semaphore_mem>>) src(%dma_wait3A_78 : memref<10240x128xf32, #tpu.memory_space<hbm>>) dst(%arg10 : memref<120x128xf32, #tpu.memory_space<vmem>>)
      %add3A_79 = arith.constant 1 : i32
      %add3A_80 = arith.addi %add3A_67, %add3A_79 : i32
      %mul3A_81 = arith.constant 171 : i32
      %mul3A_82 = arith.muli %arg1, %mul3A_81 : i32
      %add3A_83 = arith.addi %mul3A_82, %add3A_80 : i32
      "tpu.region"() ({
        %run_scoped3A_128 = tpu.sem_alloc : memref<!tpu.dma_semaphore, #tpu.memory_space<semaphore_mem>>
        %dma_start3A_129 = arith.constant 0 : i32
        %dma_start3A_130 = arith.constant 0 : i32
        %dma_start3A_131 = tpu.memref_slice %arg3[%add3A_83, %dma_start3A_129, %dma_start3A_130] : memref<2738x2x120xi32, #tpu.memory_space<hbm>> -> memref<1x2x120xi32, #tpu.memory_space<hbm>>
        %dma_start3A_132 = tpu.memref_squeeze %dma_start3A_131 : memref<1x2x120xi32, #tpu.memory_space<hbm>> -> memref<2x120xi32, #tpu.memory_space<hbm>>
        %dma_start3A_133 = arith.constant 0 : i32
        %dma_start3A_134 = arith.constant 0 : i32
        %dma_start3A_135 = tpu.memref_slice %arg3[%add3A_83, %dma_start3A_133, %dma_start3A_134] : memref<2738x2x120xi32, #tpu.memory_space<hbm>> -> memref<1x2x120xi32, #tpu.memory_space<hbm>>
        %dma_start3A_136 = tpu.memref_squeeze %dma_start3A_135 : memref<1x2x120xi32, #tpu.memory_space<hbm>> -> memref<2x120xi32, #tpu.memory_space<hbm>>
        tpu.enqueue_dma source(%dma_start3A_136 : memref<2x120xi32, #tpu.memory_space<hbm>>) target(%arg8 : memref<2x120xi32, #tpu.memory_space<vmem>>) target_semaphore(%run_scoped3A_128 : memref<!tpu.dma_semaphore, #tpu.memory_space<semaphore_mem>>)
        %dma_wait3A_137 = arith.constant 0 : i32
        %dma_wait3A_138 = arith.constant 0 : i32
        %dma_wait3A_139 = tpu.memref_slice %arg3[%add3A_83, %dma_wait3A_137, %dma_wait3A_138] : memref<2738x2x120xi32, #tpu.memory_space<hbm>> -> memref<1x2x120xi32, #tpu.memory_space<hbm>>
        %dma_wait3A_140 = tpu.memref_squeeze %dma_wait3A_139 : memref<1x2x120xi32, #tpu.memory_space<hbm>> -> memref<2x120xi32, #tpu.memory_space<hbm>>
        %dma_wait3A_141 = arith.constant 0 : i32
        %dma_wait3A_142 = arith.constant 0 : i32
        %dma_wait3A_143 = tpu.memref_slice %arg3[%add3A_83, %dma_wait3A_141, %dma_wait3A_142] : memref<2738x2x120xi32, #tpu.memory_space<hbm>> -> memref<1x2x120xi32, #tpu.memory_space<hbm>>
        %dma_wait3A_144 = tpu.memref_squeeze %dma_wait3A_143 : memref<1x2x120xi32, #tpu.memory_space<hbm>> -> memref<2x120xi32, #tpu.memory_space<hbm>>
        tpu.wait_dma2 semaphore(%run_scoped3A_128 : memref<!tpu.dma_semaphore, #tpu.memory_space<semaphore_mem>>) src(%dma_wait3A_144 : memref<2x120xi32, #tpu.memory_space<hbm>>) dst(%arg8 : memref<2x120xi32, #tpu.memory_space<vmem>>)
        tpu.yield
      }) : () -> ()
      %dma_start3A_84 = arith.constant 0 : i32
      %dma_start3A_85 = arith.constant 0 : i32
      %dma_start3A_86 = tpu.memref_slice %arg8[%dma_start3A_84, %dma_start3A_85] : memref<2x120xi32, #tpu.memory_space<vmem>> -> memref<1x120xi32, #tpu.memory_space<vmem>>
      %dma_start3A_87 = tpu.memref_squeeze %dma_start3A_86 : memref<1x120xi32, #tpu.memory_space<vmem>> -> memref<120xi32, #tpu.memory_space<vmem>>
      %dma_start3A_88 = arith.constant 0 : i32
      %dma_start3A_89 = arith.constant 0 : i32
      %dma_start3A_90 = tpu.memref_slice %arg2[%arg0, %dma_start3A_88, %dma_start3A_89] : memref<2x10240x128xf32, #tpu.memory_space<hbm>> -> memref<1x10240x128xf32, #tpu.memory_space<hbm>>
      %dma_start3A_91 = tpu.memref_squeeze %dma_start3A_90 : memref<1x10240x128xf32, #tpu.memory_space<hbm>> -> memref<10240x128xf32, #tpu.memory_space<hbm>>
      %dma_start3A_92 = arith.constant 0 : i32
      %dma_start3A_93 = arith.constant 0 : i32
      %dma_start3A_94 = tpu.memref_slice %dma_start3A_91[%dma_start3A_92, %dma_start3A_93] : memref<10240x128xf32, #tpu.memory_space<hbm>> -> memref<10240x128xf32, #tpu.memory_space<hbm>>
      tpu.enqueue_indirect_dma source(%dma_start3A_94 : memref<10240x128xf32, #tpu.memory_space<hbm>>) target(%arg11 : memref<120x128xf32, #tpu.memory_space<vmem>>) offsets(%dma_start3A_87 : memref<120xi32, #tpu.memory_space<vmem>>) semaphore(%arg15 : memref<!tpu.dma_semaphore, #tpu.memory_space<semaphore_mem>>)
      %run_scoped3A_95 = arith.constant 1 : i32
      "tpu.region"() ({
        %run_scoped3A_128 = tpu.sem_alloc : memref<!tpu.dma_semaphore, #tpu.memory_space<semaphore_mem>>
        %dma_start3A_129 = arith.constant 0 : i32
        %dma_start3A_130 = tpu.memref_slice %arg7[%run_scoped3A_95, %dma_start3A_129] : memref<2x120xi32, #tpu.memory_space<vmem>> -> memref<1x120xi32, #tpu.memory_space<vmem>>
        %dma_start3A_131 = tpu.memref_squeeze %dma_start3A_130 : memref<1x120xi32, #tpu.memory_space<vmem>> -> memref<120xi32, #tpu.memory_space<vmem>>
        %dma_start3A_132 = arith.constant 0 : i32
        %dma_start3A_133 = arith.constant 0 : i32
        %dma_start3A_134 = tpu.memref_slice %arg12[%dma_start3A_132, %dma_start3A_133] : memref<10240x128xf32, #tpu.memory_space<vmem_shared>> -> memref<10240x128xf32, #tpu.memory_space<vmem_shared>>
        tpu.enqueue_indirect_dma source(%arg10 : memref<120x128xf32, #tpu.memory_space<vmem>>) target(%dma_start3A_134 : memref<10240x128xf32, #tpu.memory_space<vmem_shared>>) offsets(%dma_start3A_131 : memref<120xi32, #tpu.memory_space<vmem>>) semaphore(%run_scoped3A_128 : memref<!tpu.dma_semaphore, #tpu.memory_space<semaphore_mem>>) {add = true}
        %dma_wait3A_135 = arith.constant 0 : i32
        %dma_wait3A_136 = tpu.memref_slice %arg7[%run_scoped3A_95, %dma_wait3A_135] : memref<2x120xi32, #tpu.memory_space<vmem>> -> memref<1x120xi32, #tpu.memory_space<vmem>>
        %dma_wait3A_137 = tpu.memref_squeeze %dma_wait3A_136 : memref<1x120xi32, #tpu.memory_space<vmem>> -> memref<120xi32, #tpu.memory_space<vmem>>
        %dma_wait3A_138 = arith.constant 0 : i32
        %dma_wait3A_139 = arith.constant 0 : i32
        %dma_wait3A_140 = tpu.memref_slice %arg12[%dma_wait3A_138, %dma_wait3A_139] : memref<10240x128xf32, #tpu.memory_space<vmem_shared>> -> memref<10240x128xf32, #tpu.memory_space<vmem_shared>>
        tpu.wait_indirect_dma semaphore(%run_scoped3A_128 : memref<!tpu.dma_semaphore, #tpu.memory_space<semaphore_mem>>) src(%arg10 : memref<120x128xf32, #tpu.memory_space<vmem>>) dst(%dma_wait3A_140 : memref<10240x128xf32, #tpu.memory_space<vmem_shared>>)
        tpu.yield
      }) : () -> ()
      %mul3A_96 = arith.constant 3 : i32
      %mul3A_97 = arith.muli %mul3A_96, %scan3A_34 : i32
      %add3A_98 = arith.constant 2 : i32
      %add3A_99 = arith.addi %mul3A_97, %add3A_98 : i32
      %dma_wait3A_100 = arith.constant 0 : i32
      %dma_wait3A_101 = arith.constant 0 : i32
      %dma_wait3A_102 = tpu.memref_slice %arg8[%dma_wait3A_100, %dma_wait3A_101] : memref<2x120xi32, #tpu.memory_space<vmem>> -> memref<1x120xi32, #tpu.memory_space<vmem>>
      %dma_wait3A_103 = tpu.memref_squeeze %dma_wait3A_102 : memref<1x120xi32, #tpu.memory_space<vmem>> -> memref<120xi32, #tpu.memory_space<vmem>>
      %dma_wait3A_104 = arith.constant 0 : i32
      %dma_wait3A_105 = arith.constant 0 : i32
      %dma_wait3A_106 = tpu.memref_slice %arg2[%arg0, %dma_wait3A_104, %dma_wait3A_105] : memref<2x10240x128xf32, #tpu.memory_space<hbm>> -> memref<1x10240x128xf32, #tpu.memory_space<hbm>>
      %dma_wait3A_107 = tpu.memref_squeeze %dma_wait3A_106 : memref<1x10240x128xf32, #tpu.memory_space<hbm>> -> memref<10240x128xf32, #tpu.memory_space<hbm>>
      %dma_wait3A_108 = arith.constant 0 : i32
      %dma_wait3A_109 = arith.constant 0 : i32
      %dma_wait3A_110 = tpu.memref_slice %dma_wait3A_107[%dma_wait3A_108, %dma_wait3A_109] : memref<10240x128xf32, #tpu.memory_space<hbm>> -> memref<10240x128xf32, #tpu.memory_space<hbm>>
      tpu.wait_indirect_dma semaphore(%arg15 : memref<!tpu.dma_semaphore, #tpu.memory_space<semaphore_mem>>) src(%dma_wait3A_110 : memref<10240x128xf32, #tpu.memory_space<hbm>>) dst(%arg11 : memref<120x128xf32, #tpu.memory_space<vmem>>)
      %add3A_111 = arith.constant 1 : i32
      %add3A_112 = arith.addi %add3A_99, %add3A_111 : i32
      %mul3A_113 = arith.constant 171 : i32
      %mul3A_114 = arith.muli %arg1, %mul3A_113 : i32
      %add3A_115 = arith.addi %mul3A_114, %add3A_112 : i32
      "tpu.region"() ({
        %run_scoped3A_128 = tpu.sem_alloc : memref<!tpu.dma_semaphore, #tpu.memory_space<semaphore_mem>>
        %dma_start3A_129 = arith.constant 0 : i32
        %dma_start3A_130 = arith.constant 0 : i32
        %dma_start3A_131 = tpu.memref_slice %arg3[%add3A_115, %dma_start3A_129, %dma_start3A_130] : memref<2738x2x120xi32, #tpu.memory_space<hbm>> -> memref<1x2x120xi32, #tpu.memory_space<hbm>>
        %dma_start3A_132 = tpu.memref_squeeze %dma_start3A_131 : memref<1x2x120xi32, #tpu.memory_space<hbm>> -> memref<2x120xi32, #tpu.memory_space<hbm>>
        %dma_start3A_133 = arith.constant 0 : i32
        %dma_start3A_134 = arith.constant 0 : i32
        %dma_start3A_135 = tpu.memref_slice %arg3[%add3A_115, %dma_start3A_133, %dma_start3A_134] : memref<2738x2x120xi32, #tpu.memory_space<hbm>> -> memref<1x2x120xi32, #tpu.memory_space<hbm>>
        %dma_start3A_136 = tpu.memref_squeeze %dma_start3A_135 : memref<1x2x120xi32, #tpu.memory_space<hbm>> -> memref<2x120xi32, #tpu.memory_space<hbm>>
        tpu.enqueue_dma source(%dma_start3A_136 : memref<2x120xi32, #tpu.memory_space<hbm>>) target(%arg6 : memref<2x120xi32, #tpu.memory_space<vmem>>) target_semaphore(%run_scoped3A_128 : memref<!tpu.dma_semaphore, #tpu.memory_space<semaphore_mem>>)
        %dma_wait3A_137 = arith.constant 0 : i32
        %dma_wait3A_138 = arith.constant 0 : i32
        %dma_wait3A_139 = tpu.memref_slice %arg3[%add3A_115, %dma_wait3A_137, %dma_wait3A_138] : memref<2738x2x120xi32, #tpu.memory_space<hbm>> -> memref<1x2x120xi32, #tpu.memory_space<hbm>>
        %dma_wait3A_140 = tpu.memref_squeeze %dma_wait3A_139 : memref<1x2x120xi32, #tpu.memory_space<hbm>> -> memref<2x120xi32, #tpu.memory_space<hbm>>
        %dma_wait3A_141 = arith.constant 0 : i32
        %dma_wait3A_142 = arith.constant 0 : i32
        %dma_wait3A_143 = tpu.memref_slice %arg3[%add3A_115, %dma_wait3A_141, %dma_wait3A_142] : memref<2738x2x120xi32, #tpu.memory_space<hbm>> -> memref<1x2x120xi32, #tpu.memory_space<hbm>>
        %dma_wait3A_144 = tpu.memref_squeeze %dma_wait3A_143 : memref<1x2x120xi32, #tpu.memory_space<hbm>> -> memref<2x120xi32, #tpu.memory_space<hbm>>
        tpu.wait_dma2 semaphore(%run_scoped3A_128 : memref<!tpu.dma_semaphore, #tpu.memory_space<semaphore_mem>>) src(%dma_wait3A_144 : memref<2x120xi32, #tpu.memory_space<hbm>>) dst(%arg6 : memref<2x120xi32, #tpu.memory_space<vmem>>)
        tpu.yield
      }) : () -> ()
      %dma_start3A_116 = arith.constant 0 : i32
      %dma_start3A_117 = arith.constant 0 : i32
      %dma_start3A_118 = tpu.memref_slice %arg6[%dma_start3A_116, %dma_start3A_117] : memref<2x120xi32, #tpu.memory_space<vmem>> -> memref<1x120xi32, #tpu.memory_space<vmem>>
      %dma_start3A_119 = tpu.memref_squeeze %dma_start3A_118 : memref<1x120xi32, #tpu.memory_space<vmem>> -> memref<120xi32, #tpu.memory_space<vmem>>
      %dma_start3A_120 = arith.constant 0 : i32
      %dma_start3A_121 = arith.constant 0 : i32
      %dma_start3A_122 = tpu.memref_slice %arg2[%arg0, %dma_start3A_120, %dma_start3A_121] : memref<2x10240x128xf32, #tpu.memory_space<hbm>> -> memref<1x10240x128xf32, #tpu.memory_space<hbm>>
      %dma_start3A_123 = tpu.memref_squeeze %dma_start3A_122 : memref<1x10240x128xf32, #tpu.memory_space<hbm>> -> memref<10240x128xf32, #tpu.memory_space<hbm>>
      %dma_start3A_124 = arith.constant 0 : i32
      %dma_start3A_125 = arith.constant 0 : i32
      %dma_start3A_126 = tpu.memref_slice %dma_start3A_123[%dma_start3A_124, %dma_start3A_125] : memref<10240x128xf32, #tpu.memory_space<hbm>> -> memref<10240x128xf32, #tpu.memory_space<hbm>>
      tpu.enqueue_indirect_dma source(%dma_start3A_126 : memref<10240x128xf32, #tpu.memory_space<hbm>>) target(%arg9 : memref<120x128xf32, #tpu.memory_space<vmem>>) offsets(%dma_start3A_119 : memref<120xi32, #tpu.memory_space<vmem>>) semaphore(%arg13 : memref<!tpu.dma_semaphore, #tpu.memory_space<semaphore_mem>>)
      %run_scoped3A_127 = arith.constant 1 : i32
      "tpu.region"() ({
        %run_scoped3A_128 = tpu.sem_alloc : memref<!tpu.dma_semaphore, #tpu.memory_space<semaphore_mem>>
        %dma_start3A_129 = arith.constant 0 : i32
        %dma_start3A_130 = tpu.memref_slice %arg8[%run_scoped3A_127, %dma_start3A_129] : memref<2x120xi32, #tpu.memory_space<vmem>> -> memref<1x120xi32, #tpu.memory_space<vmem>>
        %dma_start3A_131 = tpu.memref_squeeze %dma_start3A_130 : memref<1x120xi32, #tpu.memory_space<vmem>> -> memref<120xi32, #tpu.memory_space<vmem>>
        %dma_start3A_132 = arith.constant 0 : i32
        %dma_start3A_133 = arith.constant 0 : i32
        %dma_start3A_134 = tpu.memref_slice %arg12[%dma_start3A_132, %dma_start3A_133] : memref<10240x128xf32, #tpu.memory_space<vmem_shared>> -> memref<10240x128xf32, #tpu.memory_space<vmem_shared>>
        tpu.enqueue_indirect_dma source(%arg11 : memref<120x128xf32, #tpu.memory_space<vmem>>) target(%dma_start3A_134 : memref<10240x128xf32, #tpu.memory_space<vmem_shared>>) offsets(%dma_start3A_131 : memref<120xi32, #tpu.memory_space<vmem>>) semaphore(%run_scoped3A_128 : memref<!tpu.dma_semaphore, #tpu.memory_space<semaphore_mem>>) {add = true}
        %dma_wait3A_135 = arith.constant 0 : i32
        %dma_wait3A_136 = tpu.memref_slice %arg8[%run_scoped3A_127, %dma_wait3A_135] : memref<2x120xi32, #tpu.memory_space<vmem>> -> memref<1x120xi32, #tpu.memory_space<vmem>>
        %dma_wait3A_137 = tpu.memref_squeeze %dma_wait3A_136 : memref<1x120xi32, #tpu.memory_space<vmem>> -> memref<120xi32, #tpu.memory_space<vmem>>
        %dma_wait3A_138 = arith.constant 0 : i32
        %dma_wait3A_139 = arith.constant 0 : i32
        %dma_wait3A_140 = tpu.memref_slice %arg12[%dma_wait3A_138, %dma_wait3A_139] : memref<10240x128xf32, #tpu.memory_space<vmem_shared>> -> memref<10240x128xf32, #tpu.memory_space<vmem_shared>>
        tpu.wait_indirect_dma semaphore(%run_scoped3A_128 : memref<!tpu.dma_semaphore, #tpu.memory_space<semaphore_mem>>) src(%arg11 : memref<120x128xf32, #tpu.memory_space<vmem>>) dst(%dma_wait3A_140 : memref<10240x128xf32, #tpu.memory_space<vmem_shared>>)
        tpu.yield
      }) : () -> ()
    }
    %scan3A_18 = arith.constant 57 : i32
    %dma_wait3A = arith.constant 0 : i32
    %dma_wait3A_19 = arith.constant 0 : i32
    %dma_wait3A_20 = tpu.memref_slice %arg6[%dma_wait3A, %dma_wait3A_19] : memref<2x120xi32, #tpu.memory_space<vmem>> -> memref<1x120xi32, #tpu.memory_space<vmem>>
    %dma_wait3A_21 = tpu.memref_squeeze %dma_wait3A_20 : memref<1x120xi32, #tpu.memory_space<vmem>> -> memref<120xi32, #tpu.memory_space<vmem>>
    %dma_wait3A_22 = arith.constant 0 : i32
    %dma_wait3A_23 = arith.constant 0 : i32
    %dma_wait3A_24 = tpu.memref_slice %arg2[%arg0, %dma_wait3A_22, %dma_wait3A_23] : memref<2x10240x128xf32, #tpu.memory_space<hbm>> -> memref<1x10240x128xf32, #tpu.memory_space<hbm>>
    %dma_wait3A_25 = tpu.memref_squeeze %dma_wait3A_24 : memref<1x10240x128xf32, #tpu.memory_space<hbm>> -> memref<10240x128xf32, #tpu.memory_space<hbm>>
    %dma_wait3A_26 = arith.constant 0 : i32
    %dma_wait3A_27 = arith.constant 0 : i32
    %dma_wait3A_28 = tpu.memref_slice %dma_wait3A_25[%dma_wait3A_26, %dma_wait3A_27] : memref<10240x128xf32, #tpu.memory_space<hbm>> -> memref<10240x128xf32, #tpu.memory_space<hbm>>
    tpu.wait_indirect_dma semaphore(%arg13 : memref<!tpu.dma_semaphore, #tpu.memory_space<semaphore_mem>>) src(%dma_wait3A_28 : memref<10240x128xf32, #tpu.memory_space<hbm>>) dst(%arg9 : memref<120x128xf32, #tpu.memory_space<vmem>>)
    %barrier3A_29 = arith.constant 0 : index
    tpu.barrier barrier_id(%barrier3A_29)
    %mul3A_30 = arith.constant 640 : i32
    %mul3A_31 = arith.muli %arg1, %mul3A_30 : i32
    %mul3A_32 = arith.constant 640 : i32
    %mul3A_33 = arith.muli %arg1, %mul3A_32 : i32
    "tpu.region"() ({
      %run_scoped3A = tpu.sem_alloc : memref<!tpu.dma_semaphore, #tpu.memory_space<semaphore_mem>>
      %dma_start3A_34 = arith.constant 0 : i32
      %dma_start3A_35 = tpu.memref_slice %arg5[%arg0, %mul3A_33, %dma_start3A_34] : memref<2x10240x128xf32, #tpu.memory_space<hbm>> -> memref<1x640x128xf32, #tpu.memory_space<hbm>>
      %dma_start3A_36 = tpu.memref_squeeze %dma_start3A_35 : memref<1x640x128xf32, #tpu.memory_space<hbm>> -> memref<640x128xf32, #tpu.memory_space<hbm>>
      %dma_start3A_37 = arith.constant 0 : i32
      %dma_start3A_38 = tpu.memref_slice %arg12[%mul3A_31, %dma_start3A_37] : memref<10240x128xf32, #tpu.memory_space<vmem_shared>> -> memref<640x128xf32, #tpu.memory_space<vmem_shared>>
      tpu.enqueue_dma source(%dma_start3A_38 : memref<640x128xf32, #tpu.memory_space<vmem_shared>>) target(%dma_start3A_36 : memref<640x128xf32, #tpu.memory_space<hbm>>) target_semaphore(%run_scoped3A : memref<!tpu.dma_semaphore, #tpu.memory_space<semaphore_mem>>)
      %dma_wait3A_39 = arith.constant 0 : i32
      %dma_wait3A_40 = tpu.memref_slice %arg5[%arg0, %mul3A_33, %dma_wait3A_39] : memref<2x10240x128xf32, #tpu.memory_space<hbm>> -> memref<1x640x128xf32, #tpu.memory_space<hbm>>
      %dma_wait3A_41 = tpu.memref_squeeze %dma_wait3A_40 : memref<1x640x128xf32, #tpu.memory_space<hbm>> -> memref<640x128xf32, #tpu.memory_space<hbm>>
      %dma_wait3A_42 = arith.constant 0 : i32
      %dma_wait3A_43 = tpu.memref_slice %arg12[%mul3A_31, %dma_wait3A_42] : memref<10240x128xf32, #tpu.memory_space<vmem_shared>> -> memref<640x128xf32, #tpu.memory_space<vmem_shared>>
      tpu.wait_dma2 semaphore(%run_scoped3A : memref<!tpu.dma_semaphore, #tpu.memory_space<semaphore_mem>>) src(%dma_wait3A_43 : memref<640x128xf32, #tpu.memory_space<vmem_shared>>) dst(%dma_wait3A_41 : memref<640x128xf32, #tpu.memory_space<hbm>>)
      tpu.yield
    }) : () -> ()
    return
  }
}

#map = affine_map<(d0, d1) -> (0, 0)>
#map1 = affine_map<(d0, d1) -> (0, 0, 0)>
module attributes {stable_mosaic.version = 14 : i64} {
  func.func @_deg_kernel(%arg0: i32, %arg1: i32, %arg2: memref<5120x64xi32, #tpu.memory_space<hbm>>, %arg3: memref<640x16xf32, #tpu.memory_space<hbm>>, %arg4: memref<2x10240x16xf32, #tpu.memory_space<hbm>>, %arg5: memref<160x64xi32, #tpu.memory_space<vmem>>, %arg6: memref<64x16xf32, #tpu.memory_space<vmem>>, %arg7: memref<10240x16xf32, #tpu.memory_space<vmem_shared>>, %arg8: memref<!tpu.dma_semaphore, #tpu.memory_space<semaphore_mem>>) attributes {dimension_semantics = [#tpu.dimension_semantics<core_parallel>, #tpu.dimension_semantics<subcore_parallel>], iteration_bounds = array<i64: 2, 16>, scalar_prefetch = 0 : i64, scratch_operands = 4 : i64, tpu.core_type = #tpu.core_type<sc_vector_subcore>, window_params = [{transform_indices = #map}, {transform_indices = #map}, {transform_indices = #map1}]} {
    %mul3A = arith.constant 640 : i32
    %mul3A_0 = arith.muli %arg1, %mul3A : i32
    "tpu.region"() ({
      %run_scoped3A = tpu.sem_alloc : memref<!tpu.dma_semaphore, #tpu.memory_space<semaphore_mem>>
      %dma_start3A = arith.constant 0 : i32
      %dma_start3A_580 = tpu.memref_slice %arg7[%mul3A_0, %dma_start3A] : memref<10240x16xf32, #tpu.memory_space<vmem_shared>> -> memref<640x16xf32, #tpu.memory_space<vmem_shared>>
      tpu.enqueue_dma source(%arg3 : memref<640x16xf32, #tpu.memory_space<hbm>>) target(%dma_start3A_580 : memref<640x16xf32, #tpu.memory_space<vmem_shared>>) target_semaphore(%run_scoped3A : memref<!tpu.dma_semaphore, #tpu.memory_space<semaphore_mem>>)
      %dma_wait3A_581 = arith.constant 0 : i32
      %dma_wait3A_582 = tpu.memref_slice %arg7[%mul3A_0, %dma_wait3A_581] : memref<10240x16xf32, #tpu.memory_space<vmem_shared>> -> memref<640x16xf32, #tpu.memory_space<vmem_shared>>
      tpu.wait_dma2 semaphore(%run_scoped3A : memref<!tpu.dma_semaphore, #tpu.memory_space<semaphore_mem>>) src(%arg3 : memref<640x16xf32, #tpu.memory_space<hbm>>) dst(%dma_wait3A_582 : memref<640x16xf32, #tpu.memory_space<vmem_shared>>)
      tpu.yield
    }) : () -> ()
    %mul3A_1 = arith.constant 2 : i32
    %mul3A_2 = arith.muli %arg1, %mul3A_1 : i32
    %add3A = arith.addi %mul3A_2, %arg0 : i32
    %mul3A_3 = arith.constant 160 : i32
    %mul3A_4 = arith.muli %add3A, %mul3A_3 : i32
    "tpu.region"() ({
      %run_scoped3A = tpu.sem_alloc : memref<!tpu.dma_semaphore, #tpu.memory_space<semaphore_mem>>
      %dma_start3A = arith.constant 0 : i32
      %dma_start3A_580 = tpu.memref_slice %arg2[%mul3A_4, %dma_start3A] : memref<5120x64xi32, #tpu.memory_space<hbm>> -> memref<160x64xi32, #tpu.memory_space<hbm>>
      %dma_start3A_581 = arith.constant 0 : i32
      %dma_start3A_582 = tpu.memref_slice %arg2[%mul3A_4, %dma_start3A_581] : memref<5120x64xi32, #tpu.memory_space<hbm>> -> memref<160x64xi32, #tpu.memory_space<hbm>>
      tpu.enqueue_dma source(%dma_start3A_582 : memref<160x64xi32, #tpu.memory_space<hbm>>) target(%arg5 : memref<160x64xi32, #tpu.memory_space<vmem>>) target_semaphore(%run_scoped3A : memref<!tpu.dma_semaphore, #tpu.memory_space<semaphore_mem>>)
      %dma_wait3A_583 = arith.constant 0 : i32
      %dma_wait3A_584 = tpu.memref_slice %arg2[%mul3A_4, %dma_wait3A_583] : memref<5120x64xi32, #tpu.memory_space<hbm>> -> memref<160x64xi32, #tpu.memory_space<hbm>>
      %dma_wait3A_585 = arith.constant 0 : i32
      %dma_wait3A_586 = tpu.memref_slice %arg2[%mul3A_4, %dma_wait3A_585] : memref<5120x64xi32, #tpu.memory_space<hbm>> -> memref<160x64xi32, #tpu.memory_space<hbm>>
      tpu.wait_dma2 semaphore(%run_scoped3A : memref<!tpu.dma_semaphore, #tpu.memory_space<semaphore_mem>>) src(%dma_wait3A_586 : memref<160x64xi32, #tpu.memory_space<hbm>>) dst(%arg5 : memref<160x64xi32, #tpu.memory_space<vmem>>)
      tpu.yield
    }) : () -> ()
    %broadcast_in_dim3A = arith.constant 1.000000e+00 : f32
    %broadcast_in_dim3A_5 = vector.broadcast %broadcast_in_dim3A : f32 to vector<16xf32>
    %swap3A = arith.constant 0 : i32
    %swap3A_6 = arith.index_cast %swap3A : i32 to index
    %swap3A_7 = arith.constant 0 : index
    %swap3A_8 = tpu.vector_load %arg6[%swap3A_6, %swap3A_7] {strides = array<i32>} : memref<64x16xf32, #tpu.memory_space<vmem>>, vector<1x16xf32>,
    %swap3A_9 = vector.shape_cast %swap3A_8 : vector<1x16xf32> to vector<16xf32>
    %swap3A_10 = vector.shape_cast %broadcast_in_dim3A_5 : vector<16xf32> to vector<1x16xf32>
    tpu.vector_store %arg6[%swap3A_6, %swap3A_7], %swap3A_10 {strides = array<i32>} : memref<64x16xf32, #tpu.memory_space<vmem>>, vector<1x16xf32>,
    %broadcast_in_dim3A_11 = arith.constant 1.000000e+00 : f32
    %broadcast_in_dim3A_12 = vector.broadcast %broadcast_in_dim3A_11 : f32 to vector<16xf32>
    %swap3A_13 = arith.constant 1 : i32
    %swap3A_14 = arith.index_cast %swap3A_13 : i32 to index
    %swap3A_15 = arith.constant 0 : index
    %swap3A_16 = tpu.vector_load %arg6[%swap3A_14, %swap3A_15] {strides = array<i32>} : memref<64x16xf32, #tpu.memory_space<vmem>>, vector<1x16xf32>,
    %swap3A_17 = vector.shape_cast %swap3A_16 : vector<1x16xf32> to vector<16xf32>
    %swap3A_18 = vector.shape_cast %broadcast_in_dim3A_12 : vector<16xf32> to vector<1x16xf32>
    tpu.vector_store %arg6[%swap3A_14, %swap3A_15], %swap3A_18 {strides = array<i32>} : memref<64x16xf32, #tpu.memory_space<vmem>>, vector<1x16xf32>,
    %broadcast_in_dim3A_19 = arith.constant 1.000000e+00 : f32
    %broadcast_in_dim3A_20 = vector.broadcast %broadcast_in_dim3A_19 : f32 to vector<16xf32>
    %swap3A_21 = arith.constant 2 : i32
    %swap3A_22 = arith.index_cast %swap3A_21 : i32 to index
    %swap3A_23 = arith.constant 0 : index
    %swap3A_24 = tpu.vector_load %arg6[%swap3A_22, %swap3A_23] {strides = array<i32>} : memref<64x16xf32, #tpu.memory_space<vmem>>, vector<1x16xf32>,
    %swap3A_25 = vector.shape_cast %swap3A_24 : vector<1x16xf32> to vector<16xf32>
    %swap3A_26 = vector.shape_cast %broadcast_in_dim3A_20 : vector<16xf32> to vector<1x16xf32>
    tpu.vector_store %arg6[%swap3A_22, %swap3A_23], %swap3A_26 {strides = array<i32>} : memref<64x16xf32, #tpu.memory_space<vmem>>, vector<1x16xf32>,
    %broadcast_in_dim3A_27 = arith.constant 1.000000e+00 : f32
    %broadcast_in_dim3A_28 = vector.broadcast %broadcast_in_dim3A_27 : f32 to vector<16xf32>
    %swap3A_29 = arith.constant 3 : i32
    %swap3A_30 = arith.index_cast %swap3A_29 : i32 to index
    %swap3A_31 = arith.constant 0 : index
    %swap3A_32 = tpu.vector_load %arg6[%swap3A_30, %swap3A_31] {strides = array<i32>} : memref<64x16xf32, #tpu.memory_space<vmem>>, vector<1x16xf32>,
    %swap3A_33 = vector.shape_cast %swap3A_32 : vector<1x16xf32> to vector<16xf32>
    %swap3A_34 = vector.shape_cast %broadcast_in_dim3A_28 : vector<16xf32> to vector<1x16xf32>
    tpu.vector_store %arg6[%swap3A_30, %swap3A_31], %swap3A_34 {strides = array<i32>} : memref<64x16xf32, #tpu.memory_space<vmem>>, vector<1x16xf32>,
    %broadcast_in_dim3A_35 = arith.constant 1.000000e+00 : f32
    %broadcast_in_dim3A_36 = vector.broadcast %broadcast_in_dim3A_35 : f32 to vector<16xf32>
    %swap3A_37 = arith.constant 4 : i32
    %swap3A_38 = arith.index_cast %swap3A_37 : i32 to index
    %swap3A_39 = arith.constant 0 : index
    %swap3A_40 = tpu.vector_load %arg6[%swap3A_38, %swap3A_39] {strides = array<i32>} : memref<64x16xf32, #tpu.memory_space<vmem>>, vector<1x16xf32>,
    %swap3A_41 = vector.shape_cast %swap3A_40 : vector<1x16xf32> to vector<16xf32>
    %swap3A_42 = vector.shape_cast %broadcast_in_dim3A_36 : vector<16xf32> to vector<1x16xf32>
    tpu.vector_store %arg6[%swap3A_38, %swap3A_39], %swap3A_42 {strides = array<i32>} : memref<64x16xf32, #tpu.memory_space<vmem>>, vector<1x16xf32>,
    %broadcast_in_dim3A_43 = arith.constant 1.000000e+00 : f32
    %broadcast_in_dim3A_44 = vector.broadcast %broadcast_in_dim3A_43 : f32 to vector<16xf32>
    %swap3A_45 = arith.constant 5 : i32
    %swap3A_46 = arith.index_cast %swap3A_45 : i32 to index
    %swap3A_47 = arith.constant 0 : index
    %swap3A_48 = tpu.vector_load %arg6[%swap3A_46, %swap3A_47] {strides = array<i32>} : memref<64x16xf32, #tpu.memory_space<vmem>>, vector<1x16xf32>,
    %swap3A_49 = vector.shape_cast %swap3A_48 : vector<1x16xf32> to vector<16xf32>
    %swap3A_50 = vector.shape_cast %broadcast_in_dim3A_44 : vector<16xf32> to vector<1x16xf32>
    tpu.vector_store %arg6[%swap3A_46, %swap3A_47], %swap3A_50 {strides = array<i32>} : memref<64x16xf32, #tpu.memory_space<vmem>>, vector<1x16xf32>,
    %broadcast_in_dim3A_51 = arith.constant 1.000000e+00 : f32
    %broadcast_in_dim3A_52 = vector.broadcast %broadcast_in_dim3A_51 : f32 to vector<16xf32>
    %swap3A_53 = arith.constant 6 : i32
    %swap3A_54 = arith.index_cast %swap3A_53 : i32 to index
    %swap3A_55 = arith.constant 0 : index
    %swap3A_56 = tpu.vector_load %arg6[%swap3A_54, %swap3A_55] {strides = array<i32>} : memref<64x16xf32, #tpu.memory_space<vmem>>, vector<1x16xf32>,
    %swap3A_57 = vector.shape_cast %swap3A_56 : vector<1x16xf32> to vector<16xf32>
    %swap3A_58 = vector.shape_cast %broadcast_in_dim3A_52 : vector<16xf32> to vector<1x16xf32>
    tpu.vector_store %arg6[%swap3A_54, %swap3A_55], %swap3A_58 {strides = array<i32>} : memref<64x16xf32, #tpu.memory_space<vmem>>, vector<1x16xf32>,
    %broadcast_in_dim3A_59 = arith.constant 1.000000e+00 : f32
    %broadcast_in_dim3A_60 = vector.broadcast %broadcast_in_dim3A_59 : f32 to vector<16xf32>
    %swap3A_61 = arith.constant 7 : i32
    %swap3A_62 = arith.index_cast %swap3A_61 : i32 to index
    %swap3A_63 = arith.constant 0 : index
    %swap3A_64 = tpu.vector_load %arg6[%swap3A_62, %swap3A_63] {strides = array<i32>} : memref<64x16xf32, #tpu.memory_space<vmem>>, vector<1x16xf32>,
    %swap3A_65 = vector.shape_cast %swap3A_64 : vector<1x16xf32> to vector<16xf32>
    %swap3A_66 = vector.shape_cast %broadcast_in_dim3A_60 : vector<16xf32> to vector<1x16xf32>
    tpu.vector_store %arg6[%swap3A_62, %swap3A_63], %swap3A_66 {strides = array<i32>} : memref<64x16xf32, #tpu.memory_space<vmem>>, vector<1x16xf32>,
    %broadcast_in_dim3A_67 = arith.constant 1.000000e+00 : f32
    %broadcast_in_dim3A_68 = vector.broadcast %broadcast_in_dim3A_67 : f32 to vector<16xf32>
    %swap3A_69 = arith.constant 8 : i32
    %swap3A_70 = arith.index_cast %swap3A_69 : i32 to index
    %swap3A_71 = arith.constant 0 : index
    %swap3A_72 = tpu.vector_load %arg6[%swap3A_70, %swap3A_71] {strides = array<i32>} : memref<64x16xf32, #tpu.memory_space<vmem>>, vector<1x16xf32>,
    %swap3A_73 = vector.shape_cast %swap3A_72 : vector<1x16xf32> to vector<16xf32>
    %swap3A_74 = vector.shape_cast %broadcast_in_dim3A_68 : vector<16xf32> to vector<1x16xf32>
    tpu.vector_store %arg6[%swap3A_70, %swap3A_71], %swap3A_74 {strides = array<i32>} : memref<64x16xf32, #tpu.memory_space<vmem>>, vector<1x16xf32>,
    %broadcast_in_dim3A_75 = arith.constant 1.000000e+00 : f32
    %broadcast_in_dim3A_76 = vector.broadcast %broadcast_in_dim3A_75 : f32 to vector<16xf32>
    %swap3A_77 = arith.constant 9 : i32
    %swap3A_78 = arith.index_cast %swap3A_77 : i32 to index
    %swap3A_79 = arith.constant 0 : index
    %swap3A_80 = tpu.vector_load %arg6[%swap3A_78, %swap3A_79] {strides = array<i32>} : memref<64x16xf32, #tpu.memory_space<vmem>>, vector<1x16xf32>,
    %swap3A_81 = vector.shape_cast %swap3A_80 : vector<1x16xf32> to vector<16xf32>
    %swap3A_82 = vector.shape_cast %broadcast_in_dim3A_76 : vector<16xf32> to vector<1x16xf32>
    tpu.vector_store %arg6[%swap3A_78, %swap3A_79], %swap3A_82 {strides = array<i32>} : memref<64x16xf32, #tpu.memory_space<vmem>>, vector<1x16xf32>,
    %broadcast_in_dim3A_83 = arith.constant 1.000000e+00 : f32
    %broadcast_in_dim3A_84 = vector.broadcast %broadcast_in_dim3A_83 : f32 to vector<16xf32>
    %swap3A_85 = arith.constant 10 : i32
    %swap3A_86 = arith.index_cast %swap3A_85 : i32 to index
    %swap3A_87 = arith.constant 0 : index
    %swap3A_88 = tpu.vector_load %arg6[%swap3A_86, %swap3A_87] {strides = array<i32>} : memref<64x16xf32, #tpu.memory_space<vmem>>, vector<1x16xf32>,
    %swap3A_89 = vector.shape_cast %swap3A_88 : vector<1x16xf32> to vector<16xf32>
    %swap3A_90 = vector.shape_cast %broadcast_in_dim3A_84 : vector<16xf32> to vector<1x16xf32>
    tpu.vector_store %arg6[%swap3A_86, %swap3A_87], %swap3A_90 {strides = array<i32>} : memref<64x16xf32, #tpu.memory_space<vmem>>, vector<1x16xf32>,
    %broadcast_in_dim3A_91 = arith.constant 1.000000e+00 : f32
    %broadcast_in_dim3A_92 = vector.broadcast %broadcast_in_dim3A_91 : f32 to vector<16xf32>
    %swap3A_93 = arith.constant 11 : i32
    %swap3A_94 = arith.index_cast %swap3A_93 : i32 to index
    %swap3A_95 = arith.constant 0 : index
    %swap3A_96 = tpu.vector_load %arg6[%swap3A_94, %swap3A_95] {strides = array<i32>} : memref<64x16xf32, #tpu.memory_space<vmem>>, vector<1x16xf32>,
    %swap3A_97 = vector.shape_cast %swap3A_96 : vector<1x16xf32> to vector<16xf32>
    %swap3A_98 = vector.shape_cast %broadcast_in_dim3A_92 : vector<16xf32> to vector<1x16xf32>
    tpu.vector_store %arg6[%swap3A_94, %swap3A_95], %swap3A_98 {strides = array<i32>} : memref<64x16xf32, #tpu.memory_space<vmem>>, vector<1x16xf32>,
    %broadcast_in_dim3A_99 = arith.constant 1.000000e+00 : f32
    %broadcast_in_dim3A_100 = vector.broadcast %broadcast_in_dim3A_99 : f32 to vector<16xf32>
    %swap3A_101 = arith.constant 12 : i32
    %swap3A_102 = arith.index_cast %swap3A_101 : i32 to index
    %swap3A_103 = arith.constant 0 : index
    %swap3A_104 = tpu.vector_load %arg6[%swap3A_102, %swap3A_103] {strides = array<i32>} : memref<64x16xf32, #tpu.memory_space<vmem>>, vector<1x16xf32>,
    %swap3A_105 = vector.shape_cast %swap3A_104 : vector<1x16xf32> to vector<16xf32>
    %swap3A_106 = vector.shape_cast %broadcast_in_dim3A_100 : vector<16xf32> to vector<1x16xf32>
    tpu.vector_store %arg6[%swap3A_102, %swap3A_103], %swap3A_106 {strides = array<i32>} : memref<64x16xf32, #tpu.memory_space<vmem>>, vector<1x16xf32>,
    %broadcast_in_dim3A_107 = arith.constant 1.000000e+00 : f32
    %broadcast_in_dim3A_108 = vector.broadcast %broadcast_in_dim3A_107 : f32 to vector<16xf32>
    %swap3A_109 = arith.constant 13 : i32
    %swap3A_110 = arith.index_cast %swap3A_109 : i32 to index
    %swap3A_111 = arith.constant 0 : index
    %swap3A_112 = tpu.vector_load %arg6[%swap3A_110, %swap3A_111] {strides = array<i32>} : memref<64x16xf32, #tpu.memory_space<vmem>>, vector<1x16xf32>,
    %swap3A_113 = vector.shape_cast %swap3A_112 : vector<1x16xf32> to vector<16xf32>
    %swap3A_114 = vector.shape_cast %broadcast_in_dim3A_108 : vector<16xf32> to vector<1x16xf32>
    tpu.vector_store %arg6[%swap3A_110, %swap3A_111], %swap3A_114 {strides = array<i32>} : memref<64x16xf32, #tpu.memory_space<vmem>>, vector<1x16xf32>,
    %broadcast_in_dim3A_115 = arith.constant 1.000000e+00 : f32
    %broadcast_in_dim3A_116 = vector.broadcast %broadcast_in_dim3A_115 : f32 to vector<16xf32>
    %swap3A_117 = arith.constant 14 : i32
    %swap3A_118 = arith.index_cast %swap3A_117 : i32 to index
    %swap3A_119 = arith.constant 0 : index
    %swap3A_120 = tpu.vector_load %arg6[%swap3A_118, %swap3A_119] {strides = array<i32>} : memref<64x16xf32, #tpu.memory_space<vmem>>, vector<1x16xf32>,
    %swap3A_121 = vector.shape_cast %swap3A_120 : vector<1x16xf32> to vector<16xf32>
    %swap3A_122 = vector.shape_cast %broadcast_in_dim3A_116 : vector<16xf32> to vector<1x16xf32>
    tpu.vector_store %arg6[%swap3A_118, %swap3A_119], %swap3A_122 {strides = array<i32>} : memref<64x16xf32, #tpu.memory_space<vmem>>, vector<1x16xf32>,
    %broadcast_in_dim3A_123 = arith.constant 1.000000e+00 : f32
    %broadcast_in_dim3A_124 = vector.broadcast %broadcast_in_dim3A_123 : f32 to vector<16xf32>
    %swap3A_125 = arith.constant 15 : i32
    %swap3A_126 = arith.index_cast %swap3A_125 : i32 to index
    %swap3A_127 = arith.constant 0 : index
    %swap3A_128 = tpu.vector_load %arg6[%swap3A_126, %swap3A_127] {strides = array<i32>} : memref<64x16xf32, #tpu.memory_space<vmem>>, vector<1x16xf32>,
    %swap3A_129 = vector.shape_cast %swap3A_128 : vector<1x16xf32> to vector<16xf32>
    %swap3A_130 = vector.shape_cast %broadcast_in_dim3A_124 : vector<16xf32> to vector<1x16xf32>
    tpu.vector_store %arg6[%swap3A_126, %swap3A_127], %swap3A_130 {strides = array<i32>} : memref<64x16xf32, #tpu.memory_space<vmem>>, vector<1x16xf32>,
    %broadcast_in_dim3A_131 = arith.constant 1.000000e+00 : f32
    %broadcast_in_dim3A_132 = vector.broadcast %broadcast_in_dim3A_131 : f32 to vector<16xf32>
    %swap3A_133 = arith.constant 16 : i32
    %swap3A_134 = arith.index_cast %swap3A_133 : i32 to index
    %swap3A_135 = arith.constant 0 : index
    %swap3A_136 = tpu.vector_load %arg6[%swap3A_134, %swap3A_135] {strides = array<i32>} : memref<64x16xf32, #tpu.memory_space<vmem>>, vector<1x16xf32>,
    %swap3A_137 = vector.shape_cast %swap3A_136 : vector<1x16xf32> to vector<16xf32>
    %swap3A_138 = vector.shape_cast %broadcast_in_dim3A_132 : vector<16xf32> to vector<1x16xf32>
    tpu.vector_store %arg6[%swap3A_134, %swap3A_135], %swap3A_138 {strides = array<i32>} : memref<64x16xf32, #tpu.memory_space<vmem>>, vector<1x16xf32>,
    %broadcast_in_dim3A_139 = arith.constant 1.000000e+00 : f32
    %broadcast_in_dim3A_140 = vector.broadcast %broadcast_in_dim3A_139 : f32 to vector<16xf32>
    %swap3A_141 = arith.constant 17 : i32
    %swap3A_142 = arith.index_cast %swap3A_141 : i32 to index
    %swap3A_143 = arith.constant 0 : index
    %swap3A_144 = tpu.vector_load %arg6[%swap3A_142, %swap3A_143] {strides = array<i32>} : memref<64x16xf32, #tpu.memory_space<vmem>>, vector<1x16xf32>,
    %swap3A_145 = vector.shape_cast %swap3A_144 : vector<1x16xf32> to vector<16xf32>
    %swap3A_146 = vector.shape_cast %broadcast_in_dim3A_140 : vector<16xf32> to vector<1x16xf32>
    tpu.vector_store %arg6[%swap3A_142, %swap3A_143], %swap3A_146 {strides = array<i32>} : memref<64x16xf32, #tpu.memory_space<vmem>>, vector<1x16xf32>,
    %broadcast_in_dim3A_147 = arith.constant 1.000000e+00 : f32
    %broadcast_in_dim3A_148 = vector.broadcast %broadcast_in_dim3A_147 : f32 to vector<16xf32>
    %swap3A_149 = arith.constant 18 : i32
    %swap3A_150 = arith.index_cast %swap3A_149 : i32 to index
    %swap3A_151 = arith.constant 0 : index
    %swap3A_152 = tpu.vector_load %arg6[%swap3A_150, %swap3A_151] {strides = array<i32>} : memref<64x16xf32, #tpu.memory_space<vmem>>, vector<1x16xf32>,
    %swap3A_153 = vector.shape_cast %swap3A_152 : vector<1x16xf32> to vector<16xf32>
    %swap3A_154 = vector.shape_cast %broadcast_in_dim3A_148 : vector<16xf32> to vector<1x16xf32>
    tpu.vector_store %arg6[%swap3A_150, %swap3A_151], %swap3A_154 {strides = array<i32>} : memref<64x16xf32, #tpu.memory_space<vmem>>, vector<1x16xf32>,
    %broadcast_in_dim3A_155 = arith.constant 1.000000e+00 : f32
    %broadcast_in_dim3A_156 = vector.broadcast %broadcast_in_dim3A_155 : f32 to vector<16xf32>
    %swap3A_157 = arith.constant 19 : i32
    %swap3A_158 = arith.index_cast %swap3A_157 : i32 to index
    %swap3A_159 = arith.constant 0 : index
    %swap3A_160 = tpu.vector_load %arg6[%swap3A_158, %swap3A_159] {strides = array<i32>} : memref<64x16xf32, #tpu.memory_space<vmem>>, vector<1x16xf32>,
    %swap3A_161 = vector.shape_cast %swap3A_160 : vector<1x16xf32> to vector<16xf32>
    %swap3A_162 = vector.shape_cast %broadcast_in_dim3A_156 : vector<16xf32> to vector<1x16xf32>
    tpu.vector_store %arg6[%swap3A_158, %swap3A_159], %swap3A_162 {strides = array<i32>} : memref<64x16xf32, #tpu.memory_space<vmem>>, vector<1x16xf32>,
    %broadcast_in_dim3A_163 = arith.constant 1.000000e+00 : f32
    %broadcast_in_dim3A_164 = vector.broadcast %broadcast_in_dim3A_163 : f32 to vector<16xf32>
    %swap3A_165 = arith.constant 20 : i32
    %swap3A_166 = arith.index_cast %swap3A_165 : i32 to index
    %swap3A_167 = arith.constant 0 : index
    %swap3A_168 = tpu.vector_load %arg6[%swap3A_166, %swap3A_167] {strides = array<i32>} : memref<64x16xf32, #tpu.memory_space<vmem>>, vector<1x16xf32>,
    %swap3A_169 = vector.shape_cast %swap3A_168 : vector<1x16xf32> to vector<16xf32>
    %swap3A_170 = vector.shape_cast %broadcast_in_dim3A_164 : vector<16xf32> to vector<1x16xf32>
    tpu.vector_store %arg6[%swap3A_166, %swap3A_167], %swap3A_170 {strides = array<i32>} : memref<64x16xf32, #tpu.memory_space<vmem>>, vector<1x16xf32>,
    %broadcast_in_dim3A_171 = arith.constant 1.000000e+00 : f32
    %broadcast_in_dim3A_172 = vector.broadcast %broadcast_in_dim3A_171 : f32 to vector<16xf32>
    %swap3A_173 = arith.constant 21 : i32
    %swap3A_174 = arith.index_cast %swap3A_173 : i32 to index
    %swap3A_175 = arith.constant 0 : index
    %swap3A_176 = tpu.vector_load %arg6[%swap3A_174, %swap3A_175] {strides = array<i32>} : memref<64x16xf32, #tpu.memory_space<vmem>>, vector<1x16xf32>,
    %swap3A_177 = vector.shape_cast %swap3A_176 : vector<1x16xf32> to vector<16xf32>
    %swap3A_178 = vector.shape_cast %broadcast_in_dim3A_172 : vector<16xf32> to vector<1x16xf32>
    tpu.vector_store %arg6[%swap3A_174, %swap3A_175], %swap3A_178 {strides = array<i32>} : memref<64x16xf32, #tpu.memory_space<vmem>>, vector<1x16xf32>,
    %broadcast_in_dim3A_179 = arith.constant 1.000000e+00 : f32
    %broadcast_in_dim3A_180 = vector.broadcast %broadcast_in_dim3A_179 : f32 to vector<16xf32>
    %swap3A_181 = arith.constant 22 : i32
    %swap3A_182 = arith.index_cast %swap3A_181 : i32 to index
    %swap3A_183 = arith.constant 0 : index
    %swap3A_184 = tpu.vector_load %arg6[%swap3A_182, %swap3A_183] {strides = array<i32>} : memref<64x16xf32, #tpu.memory_space<vmem>>, vector<1x16xf32>,
    %swap3A_185 = vector.shape_cast %swap3A_184 : vector<1x16xf32> to vector<16xf32>
    %swap3A_186 = vector.shape_cast %broadcast_in_dim3A_180 : vector<16xf32> to vector<1x16xf32>
    tpu.vector_store %arg6[%swap3A_182, %swap3A_183], %swap3A_186 {strides = array<i32>} : memref<64x16xf32, #tpu.memory_space<vmem>>, vector<1x16xf32>,
    %broadcast_in_dim3A_187 = arith.constant 1.000000e+00 : f32
    %broadcast_in_dim3A_188 = vector.broadcast %broadcast_in_dim3A_187 : f32 to vector<16xf32>
    %swap3A_189 = arith.constant 23 : i32
    %swap3A_190 = arith.index_cast %swap3A_189 : i32 to index
    %swap3A_191 = arith.constant 0 : index
    %swap3A_192 = tpu.vector_load %arg6[%swap3A_190, %swap3A_191] {strides = array<i32>} : memref<64x16xf32, #tpu.memory_space<vmem>>, vector<1x16xf32>,
    %swap3A_193 = vector.shape_cast %swap3A_192 : vector<1x16xf32> to vector<16xf32>
    %swap3A_194 = vector.shape_cast %broadcast_in_dim3A_188 : vector<16xf32> to vector<1x16xf32>
    tpu.vector_store %arg6[%swap3A_190, %swap3A_191], %swap3A_194 {strides = array<i32>} : memref<64x16xf32, #tpu.memory_space<vmem>>, vector<1x16xf32>,
    %broadcast_in_dim3A_195 = arith.constant 1.000000e+00 : f32
    %broadcast_in_dim3A_196 = vector.broadcast %broadcast_in_dim3A_195 : f32 to vector<16xf32>
    %swap3A_197 = arith.constant 24 : i32
    %swap3A_198 = arith.index_cast %swap3A_197 : i32 to index
    %swap3A_199 = arith.constant 0 : index
    %swap3A_200 = tpu.vector_load %arg6[%swap3A_198, %swap3A_199] {strides = array<i32>} : memref<64x16xf32, #tpu.memory_space<vmem>>, vector<1x16xf32>,
    %swap3A_201 = vector.shape_cast %swap3A_200 : vector<1x16xf32> to vector<16xf32>
    %swap3A_202 = vector.shape_cast %broadcast_in_dim3A_196 : vector<16xf32> to vector<1x16xf32>
    tpu.vector_store %arg6[%swap3A_198, %swap3A_199], %swap3A_202 {strides = array<i32>} : memref<64x16xf32, #tpu.memory_space<vmem>>, vector<1x16xf32>,
    %broadcast_in_dim3A_203 = arith.constant 1.000000e+00 : f32
    %broadcast_in_dim3A_204 = vector.broadcast %broadcast_in_dim3A_203 : f32 to vector<16xf32>
    %swap3A_205 = arith.constant 25 : i32
    %swap3A_206 = arith.index_cast %swap3A_205 : i32 to index
    %swap3A_207 = arith.constant 0 : index
    %swap3A_208 = tpu.vector_load %arg6[%swap3A_206, %swap3A_207] {strides = array<i32>} : memref<64x16xf32, #tpu.memory_space<vmem>>, vector<1x16xf32>,
    %swap3A_209 = vector.shape_cast %swap3A_208 : vector<1x16xf32> to vector<16xf32>
    %swap3A_210 = vector.shape_cast %broadcast_in_dim3A_204 : vector<16xf32> to vector<1x16xf32>
    tpu.vector_store %arg6[%swap3A_206, %swap3A_207], %swap3A_210 {strides = array<i32>} : memref<64x16xf32, #tpu.memory_space<vmem>>, vector<1x16xf32>,
    %broadcast_in_dim3A_211 = arith.constant 1.000000e+00 : f32
    %broadcast_in_dim3A_212 = vector.broadcast %broadcast_in_dim3A_211 : f32 to vector<16xf32>
    %swap3A_213 = arith.constant 26 : i32
    %swap3A_214 = arith.index_cast %swap3A_213 : i32 to index
    %swap3A_215 = arith.constant 0 : index
    %swap3A_216 = tpu.vector_load %arg6[%swap3A_214, %swap3A_215] {strides = array<i32>} : memref<64x16xf32, #tpu.memory_space<vmem>>, vector<1x16xf32>,
    %swap3A_217 = vector.shape_cast %swap3A_216 : vector<1x16xf32> to vector<16xf32>
    %swap3A_218 = vector.shape_cast %broadcast_in_dim3A_212 : vector<16xf32> to vector<1x16xf32>
    tpu.vector_store %arg6[%swap3A_214, %swap3A_215], %swap3A_218 {strides = array<i32>} : memref<64x16xf32, #tpu.memory_space<vmem>>, vector<1x16xf32>,
    %broadcast_in_dim3A_219 = arith.constant 1.000000e+00 : f32
    %broadcast_in_dim3A_220 = vector.broadcast %broadcast_in_dim3A_219 : f32 to vector<16xf32>
    %swap3A_221 = arith.constant 27 : i32
    %swap3A_222 = arith.index_cast %swap3A_221 : i32 to index
    %swap3A_223 = arith.constant 0 : index
    %swap3A_224 = tpu.vector_load %arg6[%swap3A_222, %swap3A_223] {strides = array<i32>} : memref<64x16xf32, #tpu.memory_space<vmem>>, vector<1x16xf32>,
    %swap3A_225 = vector.shape_cast %swap3A_224 : vector<1x16xf32> to vector<16xf32>
    %swap3A_226 = vector.shape_cast %broadcast_in_dim3A_220 : vector<16xf32> to vector<1x16xf32>
    tpu.vector_store %arg6[%swap3A_222, %swap3A_223], %swap3A_226 {strides = array<i32>} : memref<64x16xf32, #tpu.memory_space<vmem>>, vector<1x16xf32>,
    %broadcast_in_dim3A_227 = arith.constant 1.000000e+00 : f32
    %broadcast_in_dim3A_228 = vector.broadcast %broadcast_in_dim3A_227 : f32 to vector<16xf32>
    %swap3A_229 = arith.constant 28 : i32
    %swap3A_230 = arith.index_cast %swap3A_229 : i32 to index
    %swap3A_231 = arith.constant 0 : index
    %swap3A_232 = tpu.vector_load %arg6[%swap3A_230, %swap3A_231] {strides = array<i32>} : memref<64x16xf32, #tpu.memory_space<vmem>>, vector<1x16xf32>,
    %swap3A_233 = vector.shape_cast %swap3A_232 : vector<1x16xf32> to vector<16xf32>
    %swap3A_234 = vector.shape_cast %broadcast_in_dim3A_228 : vector<16xf32> to vector<1x16xf32>
    tpu.vector_store %arg6[%swap3A_230, %swap3A_231], %swap3A_234 {strides = array<i32>} : memref<64x16xf32, #tpu.memory_space<vmem>>, vector<1x16xf32>,
    %broadcast_in_dim3A_235 = arith.constant 1.000000e+00 : f32
    %broadcast_in_dim3A_236 = vector.broadcast %broadcast_in_dim3A_235 : f32 to vector<16xf32>
    %swap3A_237 = arith.constant 29 : i32
    %swap3A_238 = arith.index_cast %swap3A_237 : i32 to index
    %swap3A_239 = arith.constant 0 : index
    %swap3A_240 = tpu.vector_load %arg6[%swap3A_238, %swap3A_239] {strides = array<i32>} : memref<64x16xf32, #tpu.memory_space<vmem>>, vector<1x16xf32>,
    %swap3A_241 = vector.shape_cast %swap3A_240 : vector<1x16xf32> to vector<16xf32>
    %swap3A_242 = vector.shape_cast %broadcast_in_dim3A_236 : vector<16xf32> to vector<1x16xf32>
    tpu.vector_store %arg6[%swap3A_238, %swap3A_239], %swap3A_242 {strides = array<i32>} : memref<64x16xf32, #tpu.memory_space<vmem>>, vector<1x16xf32>,
    %broadcast_in_dim3A_243 = arith.constant 1.000000e+00 : f32
    %broadcast_in_dim3A_244 = vector.broadcast %broadcast_in_dim3A_243 : f32 to vector<16xf32>
    %swap3A_245 = arith.constant 30 : i32
    %swap3A_246 = arith.index_cast %swap3A_245 : i32 to index
    %swap3A_247 = arith.constant 0 : index
    %swap3A_248 = tpu.vector_load %arg6[%swap3A_246, %swap3A_247] {strides = array<i32>} : memref<64x16xf32, #tpu.memory_space<vmem>>, vector<1x16xf32>,
    %swap3A_249 = vector.shape_cast %swap3A_248 : vector<1x16xf32> to vector<16xf32>
    %swap3A_250 = vector.shape_cast %broadcast_in_dim3A_244 : vector<16xf32> to vector<1x16xf32>
    tpu.vector_store %arg6[%swap3A_246, %swap3A_247], %swap3A_250 {strides = array<i32>} : memref<64x16xf32, #tpu.memory_space<vmem>>, vector<1x16xf32>,
    %broadcast_in_dim3A_251 = arith.constant 1.000000e+00 : f32
    %broadcast_in_dim3A_252 = vector.broadcast %broadcast_in_dim3A_251 : f32 to vector<16xf32>
    %swap3A_253 = arith.constant 31 : i32
    %swap3A_254 = arith.index_cast %swap3A_253 : i32 to index
    %swap3A_255 = arith.constant 0 : index
    %swap3A_256 = tpu.vector_load %arg6[%swap3A_254, %swap3A_255] {strides = array<i32>} : memref<64x16xf32, #tpu.memory_space<vmem>>, vector<1x16xf32>,
    %swap3A_257 = vector.shape_cast %swap3A_256 : vector<1x16xf32> to vector<16xf32>
    %swap3A_258 = vector.shape_cast %broadcast_in_dim3A_252 : vector<16xf32> to vector<1x16xf32>
    tpu.vector_store %arg6[%swap3A_254, %swap3A_255], %swap3A_258 {strides = array<i32>} : memref<64x16xf32, #tpu.memory_space<vmem>>, vector<1x16xf32>,
    %broadcast_in_dim3A_259 = arith.constant 1.000000e+00 : f32
    %broadcast_in_dim3A_260 = vector.broadcast %broadcast_in_dim3A_259 : f32 to vector<16xf32>
    %swap3A_261 = arith.constant 32 : i32
    %swap3A_262 = arith.index_cast %swap3A_261 : i32 to index
    %swap3A_263 = arith.constant 0 : index
    %swap3A_264 = tpu.vector_load %arg6[%swap3A_262, %swap3A_263] {strides = array<i32>} : memref<64x16xf32, #tpu.memory_space<vmem>>, vector<1x16xf32>,
    %swap3A_265 = vector.shape_cast %swap3A_264 : vector<1x16xf32> to vector<16xf32>
    %swap3A_266 = vector.shape_cast %broadcast_in_dim3A_260 : vector<16xf32> to vector<1x16xf32>
    tpu.vector_store %arg6[%swap3A_262, %swap3A_263], %swap3A_266 {strides = array<i32>} : memref<64x16xf32, #tpu.memory_space<vmem>>, vector<1x16xf32>,
    %broadcast_in_dim3A_267 = arith.constant 1.000000e+00 : f32
    %broadcast_in_dim3A_268 = vector.broadcast %broadcast_in_dim3A_267 : f32 to vector<16xf32>
    %swap3A_269 = arith.constant 33 : i32
    %swap3A_270 = arith.index_cast %swap3A_269 : i32 to index
    %swap3A_271 = arith.constant 0 : index
    %swap3A_272 = tpu.vector_load %arg6[%swap3A_270, %swap3A_271] {strides = array<i32>} : memref<64x16xf32, #tpu.memory_space<vmem>>, vector<1x16xf32>,
    %swap3A_273 = vector.shape_cast %swap3A_272 : vector<1x16xf32> to vector<16xf32>
    %swap3A_274 = vector.shape_cast %broadcast_in_dim3A_268 : vector<16xf32> to vector<1x16xf32>
    tpu.vector_store %arg6[%swap3A_270, %swap3A_271], %swap3A_274 {strides = array<i32>} : memref<64x16xf32, #tpu.memory_space<vmem>>, vector<1x16xf32>,
    %broadcast_in_dim3A_275 = arith.constant 1.000000e+00 : f32
    %broadcast_in_dim3A_276 = vector.broadcast %broadcast_in_dim3A_275 : f32 to vector<16xf32>
    %swap3A_277 = arith.constant 34 : i32
    %swap3A_278 = arith.index_cast %swap3A_277 : i32 to index
    %swap3A_279 = arith.constant 0 : index
    %swap3A_280 = tpu.vector_load %arg6[%swap3A_278, %swap3A_279] {strides = array<i32>} : memref<64x16xf32, #tpu.memory_space<vmem>>, vector<1x16xf32>,
    %swap3A_281 = vector.shape_cast %swap3A_280 : vector<1x16xf32> to vector<16xf32>
    %swap3A_282 = vector.shape_cast %broadcast_in_dim3A_276 : vector<16xf32> to vector<1x16xf32>
    tpu.vector_store %arg6[%swap3A_278, %swap3A_279], %swap3A_282 {strides = array<i32>} : memref<64x16xf32, #tpu.memory_space<vmem>>, vector<1x16xf32>,
    %broadcast_in_dim3A_283 = arith.constant 1.000000e+00 : f32
    %broadcast_in_dim3A_284 = vector.broadcast %broadcast_in_dim3A_283 : f32 to vector<16xf32>
    %swap3A_285 = arith.constant 35 : i32
    %swap3A_286 = arith.index_cast %swap3A_285 : i32 to index
    %swap3A_287 = arith.constant 0 : index
    %swap3A_288 = tpu.vector_load %arg6[%swap3A_286, %swap3A_287] {strides = array<i32>} : memref<64x16xf32, #tpu.memory_space<vmem>>, vector<1x16xf32>,
    %swap3A_289 = vector.shape_cast %swap3A_288 : vector<1x16xf32> to vector<16xf32>
    %swap3A_290 = vector.shape_cast %broadcast_in_dim3A_284 : vector<16xf32> to vector<1x16xf32>
    tpu.vector_store %arg6[%swap3A_286, %swap3A_287], %swap3A_290 {strides = array<i32>} : memref<64x16xf32, #tpu.memory_space<vmem>>, vector<1x16xf32>,
    %broadcast_in_dim3A_291 = arith.constant 1.000000e+00 : f32
    %broadcast_in_dim3A_292 = vector.broadcast %broadcast_in_dim3A_291 : f32 to vector<16xf32>
    %swap3A_293 = arith.constant 36 : i32
    %swap3A_294 = arith.index_cast %swap3A_293 : i32 to index
    %swap3A_295 = arith.constant 0 : index
    %swap3A_296 = tpu.vector_load %arg6[%swap3A_294, %swap3A_295] {strides = array<i32>} : memref<64x16xf32, #tpu.memory_space<vmem>>, vector<1x16xf32>,
    %swap3A_297 = vector.shape_cast %swap3A_296 : vector<1x16xf32> to vector<16xf32>
    %swap3A_298 = vector.shape_cast %broadcast_in_dim3A_292 : vector<16xf32> to vector<1x16xf32>
    tpu.vector_store %arg6[%swap3A_294, %swap3A_295], %swap3A_298 {strides = array<i32>} : memref<64x16xf32, #tpu.memory_space<vmem>>, vector<1x16xf32>,
    %broadcast_in_dim3A_299 = arith.constant 1.000000e+00 : f32
    %broadcast_in_dim3A_300 = vector.broadcast %broadcast_in_dim3A_299 : f32 to vector<16xf32>
    %swap3A_301 = arith.constant 37 : i32
    %swap3A_302 = arith.index_cast %swap3A_301 : i32 to index
    %swap3A_303 = arith.constant 0 : index
    %swap3A_304 = tpu.vector_load %arg6[%swap3A_302, %swap3A_303] {strides = array<i32>} : memref<64x16xf32, #tpu.memory_space<vmem>>, vector<1x16xf32>,
    %swap3A_305 = vector.shape_cast %swap3A_304 : vector<1x16xf32> to vector<16xf32>
    %swap3A_306 = vector.shape_cast %broadcast_in_dim3A_300 : vector<16xf32> to vector<1x16xf32>
    tpu.vector_store %arg6[%swap3A_302, %swap3A_303], %swap3A_306 {strides = array<i32>} : memref<64x16xf32, #tpu.memory_space<vmem>>, vector<1x16xf32>,
    %broadcast_in_dim3A_307 = arith.constant 1.000000e+00 : f32
    %broadcast_in_dim3A_308 = vector.broadcast %broadcast_in_dim3A_307 : f32 to vector<16xf32>
    %swap3A_309 = arith.constant 38 : i32
    %swap3A_310 = arith.index_cast %swap3A_309 : i32 to index
    %swap3A_311 = arith.constant 0 : index
    %swap3A_312 = tpu.vector_load %arg6[%swap3A_310, %swap3A_311] {strides = array<i32>} : memref<64x16xf32, #tpu.memory_space<vmem>>, vector<1x16xf32>,
    %swap3A_313 = vector.shape_cast %swap3A_312 : vector<1x16xf32> to vector<16xf32>
    %swap3A_314 = vector.shape_cast %broadcast_in_dim3A_308 : vector<16xf32> to vector<1x16xf32>
    tpu.vector_store %arg6[%swap3A_310, %swap3A_311], %swap3A_314 {strides = array<i32>} : memref<64x16xf32, #tpu.memory_space<vmem>>, vector<1x16xf32>,
    %broadcast_in_dim3A_315 = arith.constant 1.000000e+00 : f32
    %broadcast_in_dim3A_316 = vector.broadcast %broadcast_in_dim3A_315 : f32 to vector<16xf32>
    %swap3A_317 = arith.constant 39 : i32
    %swap3A_318 = arith.index_cast %swap3A_317 : i32 to index
    %swap3A_319 = arith.constant 0 : index
    %swap3A_320 = tpu.vector_load %arg6[%swap3A_318, %swap3A_319] {strides = array<i32>} : memref<64x16xf32, #tpu.memory_space<vmem>>, vector<1x16xf32>,
    %swap3A_321 = vector.shape_cast %swap3A_320 : vector<1x16xf32> to vector<16xf32>
    %swap3A_322 = vector.shape_cast %broadcast_in_dim3A_316 : vector<16xf32> to vector<1x16xf32>
    tpu.vector_store %arg6[%swap3A_318, %swap3A_319], %swap3A_322 {strides = array<i32>} : memref<64x16xf32, #tpu.memory_space<vmem>>, vector<1x16xf32>,
    %broadcast_in_dim3A_323 = arith.constant 1.000000e+00 : f32
    %broadcast_in_dim3A_324 = vector.broadcast %broadcast_in_dim3A_323 : f32 to vector<16xf32>
    %swap3A_325 = arith.constant 40 : i32
    %swap3A_326 = arith.index_cast %swap3A_325 : i32 to index
    %swap3A_327 = arith.constant 0 : index
    %swap3A_328 = tpu.vector_load %arg6[%swap3A_326, %swap3A_327] {strides = array<i32>} : memref<64x16xf32, #tpu.memory_space<vmem>>, vector<1x16xf32>,
    %swap3A_329 = vector.shape_cast %swap3A_328 : vector<1x16xf32> to vector<16xf32>
    %swap3A_330 = vector.shape_cast %broadcast_in_dim3A_324 : vector<16xf32> to vector<1x16xf32>
    tpu.vector_store %arg6[%swap3A_326, %swap3A_327], %swap3A_330 {strides = array<i32>} : memref<64x16xf32, #tpu.memory_space<vmem>>, vector<1x16xf32>,
    %broadcast_in_dim3A_331 = arith.constant 1.000000e+00 : f32
    %broadcast_in_dim3A_332 = vector.broadcast %broadcast_in_dim3A_331 : f32 to vector<16xf32>
    %swap3A_333 = arith.constant 41 : i32
    %swap3A_334 = arith.index_cast %swap3A_333 : i32 to index
    %swap3A_335 = arith.constant 0 : index
    %swap3A_336 = tpu.vector_load %arg6[%swap3A_334, %swap3A_335] {strides = array<i32>} : memref<64x16xf32, #tpu.memory_space<vmem>>, vector<1x16xf32>,
    %swap3A_337 = vector.shape_cast %swap3A_336 : vector<1x16xf32> to vector<16xf32>
    %swap3A_338 = vector.shape_cast %broadcast_in_dim3A_332 : vector<16xf32> to vector<1x16xf32>
    tpu.vector_store %arg6[%swap3A_334, %swap3A_335], %swap3A_338 {strides = array<i32>} : memref<64x16xf32, #tpu.memory_space<vmem>>, vector<1x16xf32>,
    %broadcast_in_dim3A_339 = arith.constant 1.000000e+00 : f32
    %broadcast_in_dim3A_340 = vector.broadcast %broadcast_in_dim3A_339 : f32 to vector<16xf32>
    %swap3A_341 = arith.constant 42 : i32
    %swap3A_342 = arith.index_cast %swap3A_341 : i32 to index
    %swap3A_343 = arith.constant 0 : index
    %swap3A_344 = tpu.vector_load %arg6[%swap3A_342, %swap3A_343] {strides = array<i32>} : memref<64x16xf32, #tpu.memory_space<vmem>>, vector<1x16xf32>,
    %swap3A_345 = vector.shape_cast %swap3A_344 : vector<1x16xf32> to vector<16xf32>
    %swap3A_346 = vector.shape_cast %broadcast_in_dim3A_340 : vector<16xf32> to vector<1x16xf32>
    tpu.vector_store %arg6[%swap3A_342, %swap3A_343], %swap3A_346 {strides = array<i32>} : memref<64x16xf32, #tpu.memory_space<vmem>>, vector<1x16xf32>,
    %broadcast_in_dim3A_347 = arith.constant 1.000000e+00 : f32
    %broadcast_in_dim3A_348 = vector.broadcast %broadcast_in_dim3A_347 : f32 to vector<16xf32>
    %swap3A_349 = arith.constant 43 : i32
    %swap3A_350 = arith.index_cast %swap3A_349 : i32 to index
    %swap3A_351 = arith.constant 0 : index
    %swap3A_352 = tpu.vector_load %arg6[%swap3A_350, %swap3A_351] {strides = array<i32>} : memref<64x16xf32, #tpu.memory_space<vmem>>, vector<1x16xf32>,
    %swap3A_353 = vector.shape_cast %swap3A_352 : vector<1x16xf32> to vector<16xf32>
    %swap3A_354 = vector.shape_cast %broadcast_in_dim3A_348 : vector<16xf32> to vector<1x16xf32>
    tpu.vector_store %arg6[%swap3A_350, %swap3A_351], %swap3A_354 {strides = array<i32>} : memref<64x16xf32, #tpu.memory_space<vmem>>, vector<1x16xf32>,
    %broadcast_in_dim3A_355 = arith.constant 1.000000e+00 : f32
    %broadcast_in_dim3A_356 = vector.broadcast %broadcast_in_dim3A_355 : f32 to vector<16xf32>
    %swap3A_357 = arith.constant 44 : i32
    %swap3A_358 = arith.index_cast %swap3A_357 : i32 to index
    %swap3A_359 = arith.constant 0 : index
    %swap3A_360 = tpu.vector_load %arg6[%swap3A_358, %swap3A_359] {strides = array<i32>} : memref<64x16xf32, #tpu.memory_space<vmem>>, vector<1x16xf32>,
    %swap3A_361 = vector.shape_cast %swap3A_360 : vector<1x16xf32> to vector<16xf32>
    %swap3A_362 = vector.shape_cast %broadcast_in_dim3A_356 : vector<16xf32> to vector<1x16xf32>
    tpu.vector_store %arg6[%swap3A_358, %swap3A_359], %swap3A_362 {strides = array<i32>} : memref<64x16xf32, #tpu.memory_space<vmem>>, vector<1x16xf32>,
    %broadcast_in_dim3A_363 = arith.constant 1.000000e+00 : f32
    %broadcast_in_dim3A_364 = vector.broadcast %broadcast_in_dim3A_363 : f32 to vector<16xf32>
    %swap3A_365 = arith.constant 45 : i32
    %swap3A_366 = arith.index_cast %swap3A_365 : i32 to index
    %swap3A_367 = arith.constant 0 : index
    %swap3A_368 = tpu.vector_load %arg6[%swap3A_366, %swap3A_367] {strides = array<i32>} : memref<64x16xf32, #tpu.memory_space<vmem>>, vector<1x16xf32>,
    %swap3A_369 = vector.shape_cast %swap3A_368 : vector<1x16xf32> to vector<16xf32>
    %swap3A_370 = vector.shape_cast %broadcast_in_dim3A_364 : vector<16xf32> to vector<1x16xf32>
    tpu.vector_store %arg6[%swap3A_366, %swap3A_367], %swap3A_370 {strides = array<i32>} : memref<64x16xf32, #tpu.memory_space<vmem>>, vector<1x16xf32>,
    %broadcast_in_dim3A_371 = arith.constant 1.000000e+00 : f32
    %broadcast_in_dim3A_372 = vector.broadcast %broadcast_in_dim3A_371 : f32 to vector<16xf32>
    %swap3A_373 = arith.constant 46 : i32
    %swap3A_374 = arith.index_cast %swap3A_373 : i32 to index
    %swap3A_375 = arith.constant 0 : index
    %swap3A_376 = tpu.vector_load %arg6[%swap3A_374, %swap3A_375] {strides = array<i32>} : memref<64x16xf32, #tpu.memory_space<vmem>>, vector<1x16xf32>,
    %swap3A_377 = vector.shape_cast %swap3A_376 : vector<1x16xf32> to vector<16xf32>
    %swap3A_378 = vector.shape_cast %broadcast_in_dim3A_372 : vector<16xf32> to vector<1x16xf32>
    tpu.vector_store %arg6[%swap3A_374, %swap3A_375], %swap3A_378 {strides = array<i32>} : memref<64x16xf32, #tpu.memory_space<vmem>>, vector<1x16xf32>,
    %broadcast_in_dim3A_379 = arith.constant 1.000000e+00 : f32
    %broadcast_in_dim3A_380 = vector.broadcast %broadcast_in_dim3A_379 : f32 to vector<16xf32>
    %swap3A_381 = arith.constant 47 : i32
    %swap3A_382 = arith.index_cast %swap3A_381 : i32 to index
    %swap3A_383 = arith.constant 0 : index
    %swap3A_384 = tpu.vector_load %arg6[%swap3A_382, %swap3A_383] {strides = array<i32>} : memref<64x16xf32, #tpu.memory_space<vmem>>, vector<1x16xf32>,
    %swap3A_385 = vector.shape_cast %swap3A_384 : vector<1x16xf32> to vector<16xf32>
    %swap3A_386 = vector.shape_cast %broadcast_in_dim3A_380 : vector<16xf32> to vector<1x16xf32>
    tpu.vector_store %arg6[%swap3A_382, %swap3A_383], %swap3A_386 {strides = array<i32>} : memref<64x16xf32, #tpu.memory_space<vmem>>, vector<1x16xf32>,
    %broadcast_in_dim3A_387 = arith.constant 1.000000e+00 : f32
    %broadcast_in_dim3A_388 = vector.broadcast %broadcast_in_dim3A_387 : f32 to vector<16xf32>
    %swap3A_389 = arith.constant 48 : i32
    %swap3A_390 = arith.index_cast %swap3A_389 : i32 to index
    %swap3A_391 = arith.constant 0 : index
    %swap3A_392 = tpu.vector_load %arg6[%swap3A_390, %swap3A_391] {strides = array<i32>} : memref<64x16xf32, #tpu.memory_space<vmem>>, vector<1x16xf32>,
    %swap3A_393 = vector.shape_cast %swap3A_392 : vector<1x16xf32> to vector<16xf32>
    %swap3A_394 = vector.shape_cast %broadcast_in_dim3A_388 : vector<16xf32> to vector<1x16xf32>
    tpu.vector_store %arg6[%swap3A_390, %swap3A_391], %swap3A_394 {strides = array<i32>} : memref<64x16xf32, #tpu.memory_space<vmem>>, vector<1x16xf32>,
    %broadcast_in_dim3A_395 = arith.constant 1.000000e+00 : f32
    %broadcast_in_dim3A_396 = vector.broadcast %broadcast_in_dim3A_395 : f32 to vector<16xf32>
    %swap3A_397 = arith.constant 49 : i32
    %swap3A_398 = arith.index_cast %swap3A_397 : i32 to index
    %swap3A_399 = arith.constant 0 : index
    %swap3A_400 = tpu.vector_load %arg6[%swap3A_398, %swap3A_399] {strides = array<i32>} : memref<64x16xf32, #tpu.memory_space<vmem>>, vector<1x16xf32>,
    %swap3A_401 = vector.shape_cast %swap3A_400 : vector<1x16xf32> to vector<16xf32>
    %swap3A_402 = vector.shape_cast %broadcast_in_dim3A_396 : vector<16xf32> to vector<1x16xf32>
    tpu.vector_store %arg6[%swap3A_398, %swap3A_399], %swap3A_402 {strides = array<i32>} : memref<64x16xf32, #tpu.memory_space<vmem>>, vector<1x16xf32>,
    %broadcast_in_dim3A_403 = arith.constant 1.000000e+00 : f32
    %broadcast_in_dim3A_404 = vector.broadcast %broadcast_in_dim3A_403 : f32 to vector<16xf32>
    %swap3A_405 = arith.constant 50 : i32
    %swap3A_406 = arith.index_cast %swap3A_405 : i32 to index
    %swap3A_407 = arith.constant 0 : index
    %swap3A_408 = tpu.vector_load %arg6[%swap3A_406, %swap3A_407] {strides = array<i32>} : memref<64x16xf32, #tpu.memory_space<vmem>>, vector<1x16xf32>,
    %swap3A_409 = vector.shape_cast %swap3A_408 : vector<1x16xf32> to vector<16xf32>
    %swap3A_410 = vector.shape_cast %broadcast_in_dim3A_404 : vector<16xf32> to vector<1x16xf32>
    tpu.vector_store %arg6[%swap3A_406, %swap3A_407], %swap3A_410 {strides = array<i32>} : memref<64x16xf32, #tpu.memory_space<vmem>>, vector<1x16xf32>,
    %broadcast_in_dim3A_411 = arith.constant 1.000000e+00 : f32
    %broadcast_in_dim3A_412 = vector.broadcast %broadcast_in_dim3A_411 : f32 to vector<16xf32>
    %swap3A_413 = arith.constant 51 : i32
    %swap3A_414 = arith.index_cast %swap3A_413 : i32 to index
    %swap3A_415 = arith.constant 0 : index
    %swap3A_416 = tpu.vector_load %arg6[%swap3A_414, %swap3A_415] {strides = array<i32>} : memref<64x16xf32, #tpu.memory_space<vmem>>, vector<1x16xf32>,
    %swap3A_417 = vector.shape_cast %swap3A_416 : vector<1x16xf32> to vector<16xf32>
    %swap3A_418 = vector.shape_cast %broadcast_in_dim3A_412 : vector<16xf32> to vector<1x16xf32>
    tpu.vector_store %arg6[%swap3A_414, %swap3A_415], %swap3A_418 {strides = array<i32>} : memref<64x16xf32, #tpu.memory_space<vmem>>, vector<1x16xf32>,
    %broadcast_in_dim3A_419 = arith.constant 1.000000e+00 : f32
    %broadcast_in_dim3A_420 = vector.broadcast %broadcast_in_dim3A_419 : f32 to vector<16xf32>
    %swap3A_421 = arith.constant 52 : i32
    %swap3A_422 = arith.index_cast %swap3A_421 : i32 to index
    %swap3A_423 = arith.constant 0 : index
    %swap3A_424 = tpu.vector_load %arg6[%swap3A_422, %swap3A_423] {strides = array<i32>} : memref<64x16xf32, #tpu.memory_space<vmem>>, vector<1x16xf32>,
    %swap3A_425 = vector.shape_cast %swap3A_424 : vector<1x16xf32> to vector<16xf32>
    %swap3A_426 = vector.shape_cast %broadcast_in_dim3A_420 : vector<16xf32> to vector<1x16xf32>
    tpu.vector_store %arg6[%swap3A_422, %swap3A_423], %swap3A_426 {strides = array<i32>} : memref<64x16xf32, #tpu.memory_space<vmem>>, vector<1x16xf32>,
    %broadcast_in_dim3A_427 = arith.constant 1.000000e+00 : f32
    %broadcast_in_dim3A_428 = vector.broadcast %broadcast_in_dim3A_427 : f32 to vector<16xf32>
    %swap3A_429 = arith.constant 53 : i32
    %swap3A_430 = arith.index_cast %swap3A_429 : i32 to index
    %swap3A_431 = arith.constant 0 : index
    %swap3A_432 = tpu.vector_load %arg6[%swap3A_430, %swap3A_431] {strides = array<i32>} : memref<64x16xf32, #tpu.memory_space<vmem>>, vector<1x16xf32>,
    %swap3A_433 = vector.shape_cast %swap3A_432 : vector<1x16xf32> to vector<16xf32>
    %swap3A_434 = vector.shape_cast %broadcast_in_dim3A_428 : vector<16xf32> to vector<1x16xf32>
    tpu.vector_store %arg6[%swap3A_430, %swap3A_431], %swap3A_434 {strides = array<i32>} : memref<64x16xf32, #tpu.memory_space<vmem>>, vector<1x16xf32>,
    %broadcast_in_dim3A_435 = arith.constant 1.000000e+00 : f32
    %broadcast_in_dim3A_436 = vector.broadcast %broadcast_in_dim3A_435 : f32 to vector<16xf32>
    %swap3A_437 = arith.constant 54 : i32
    %swap3A_438 = arith.index_cast %swap3A_437 : i32 to index
    %swap3A_439 = arith.constant 0 : index
    %swap3A_440 = tpu.vector_load %arg6[%swap3A_438, %swap3A_439] {strides = array<i32>} : memref<64x16xf32, #tpu.memory_space<vmem>>, vector<1x16xf32>,
    %swap3A_441 = vector.shape_cast %swap3A_440 : vector<1x16xf32> to vector<16xf32>
    %swap3A_442 = vector.shape_cast %broadcast_in_dim3A_436 : vector<16xf32> to vector<1x16xf32>
    tpu.vector_store %arg6[%swap3A_438, %swap3A_439], %swap3A_442 {strides = array<i32>} : memref<64x16xf32, #tpu.memory_space<vmem>>, vector<1x16xf32>,
    %broadcast_in_dim3A_443 = arith.constant 1.000000e+00 : f32
    %broadcast_in_dim3A_444 = vector.broadcast %broadcast_in_dim3A_443 : f32 to vector<16xf32>
    %swap3A_445 = arith.constant 55 : i32
    %swap3A_446 = arith.index_cast %swap3A_445 : i32 to index
    %swap3A_447 = arith.constant 0 : index
    %swap3A_448 = tpu.vector_load %arg6[%swap3A_446, %swap3A_447] {strides = array<i32>} : memref<64x16xf32, #tpu.memory_space<vmem>>, vector<1x16xf32>,
    %swap3A_449 = vector.shape_cast %swap3A_448 : vector<1x16xf32> to vector<16xf32>
    %swap3A_450 = vector.shape_cast %broadcast_in_dim3A_444 : vector<16xf32> to vector<1x16xf32>
    tpu.vector_store %arg6[%swap3A_446, %swap3A_447], %swap3A_450 {strides = array<i32>} : memref<64x16xf32, #tpu.memory_space<vmem>>, vector<1x16xf32>,
    %broadcast_in_dim3A_451 = arith.constant 1.000000e+00 : f32
    %broadcast_in_dim3A_452 = vector.broadcast %broadcast_in_dim3A_451 : f32 to vector<16xf32>
    %swap3A_453 = arith.constant 56 : i32
    %swap3A_454 = arith.index_cast %swap3A_453 : i32 to index
    %swap3A_455 = arith.constant 0 : index
    %swap3A_456 = tpu.vector_load %arg6[%swap3A_454, %swap3A_455] {strides = array<i32>} : memref<64x16xf32, #tpu.memory_space<vmem>>, vector<1x16xf32>,
    %swap3A_457 = vector.shape_cast %swap3A_456 : vector<1x16xf32> to vector<16xf32>
    %swap3A_458 = vector.shape_cast %broadcast_in_dim3A_452 : vector<16xf32> to vector<1x16xf32>
    tpu.vector_store %arg6[%swap3A_454, %swap3A_455], %swap3A_458 {strides = array<i32>} : memref<64x16xf32, #tpu.memory_space<vmem>>, vector<1x16xf32>,
    %broadcast_in_dim3A_459 = arith.constant 1.000000e+00 : f32
    %broadcast_in_dim3A_460 = vector.broadcast %broadcast_in_dim3A_459 : f32 to vector<16xf32>
    %swap3A_461 = arith.constant 57 : i32
    %swap3A_462 = arith.index_cast %swap3A_461 : i32 to index
    %swap3A_463 = arith.constant 0 : index
    %swap3A_464 = tpu.vector_load %arg6[%swap3A_462, %swap3A_463] {strides = array<i32>} : memref<64x16xf32, #tpu.memory_space<vmem>>, vector<1x16xf32>,
    %swap3A_465 = vector.shape_cast %swap3A_464 : vector<1x16xf32> to vector<16xf32>
    %swap3A_466 = vector.shape_cast %broadcast_in_dim3A_460 : vector<16xf32> to vector<1x16xf32>
    tpu.vector_store %arg6[%swap3A_462, %swap3A_463], %swap3A_466 {strides = array<i32>} : memref<64x16xf32, #tpu.memory_space<vmem>>, vector<1x16xf32>,
    %broadcast_in_dim3A_467 = arith.constant 1.000000e+00 : f32
    %broadcast_in_dim3A_468 = vector.broadcast %broadcast_in_dim3A_467 : f32 to vector<16xf32>
    %swap3A_469 = arith.constant 58 : i32
    %swap3A_470 = arith.index_cast %swap3A_469 : i32 to index
    %swap3A_471 = arith.constant 0 : index
    %swap3A_472 = tpu.vector_load %arg6[%swap3A_470, %swap3A_471] {strides = array<i32>} : memref<64x16xf32, #tpu.memory_space<vmem>>, vector<1x16xf32>,
    %swap3A_473 = vector.shape_cast %swap3A_472 : vector<1x16xf32> to vector<16xf32>
    %swap3A_474 = vector.shape_cast %broadcast_in_dim3A_468 : vector<16xf32> to vector<1x16xf32>
    tpu.vector_store %arg6[%swap3A_470, %swap3A_471], %swap3A_474 {strides = array<i32>} : memref<64x16xf32, #tpu.memory_space<vmem>>, vector<1x16xf32>,
    %broadcast_in_dim3A_475 = arith.constant 1.000000e+00 : f32
    %broadcast_in_dim3A_476 = vector.broadcast %broadcast_in_dim3A_475 : f32 to vector<16xf32>
    %swap3A_477 = arith.constant 59 : i32
    %swap3A_478 = arith.index_cast %swap3A_477 : i32 to index
    %swap3A_479 = arith.constant 0 : index
    %swap3A_480 = tpu.vector_load %arg6[%swap3A_478, %swap3A_479] {strides = array<i32>} : memref<64x16xf32, #tpu.memory_space<vmem>>, vector<1x16xf32>,
    %swap3A_481 = vector.shape_cast %swap3A_480 : vector<1x16xf32> to vector<16xf32>
    %swap3A_482 = vector.shape_cast %broadcast_in_dim3A_476 : vector<16xf32> to vector<1x16xf32>
    tpu.vector_store %arg6[%swap3A_478, %swap3A_479], %swap3A_482 {strides = array<i32>} : memref<64x16xf32, #tpu.memory_space<vmem>>, vector<1x16xf32>,
    %broadcast_in_dim3A_483 = arith.constant 1.000000e+00 : f32
    %broadcast_in_dim3A_484 = vector.broadcast %broadcast_in_dim3A_483 : f32 to vector<16xf32>
    %swap3A_485 = arith.constant 60 : i32
    %swap3A_486 = arith.index_cast %swap3A_485 : i32 to index
    %swap3A_487 = arith.constant 0 : index
    %swap3A_488 = tpu.vector_load %arg6[%swap3A_486, %swap3A_487] {strides = array<i32>} : memref<64x16xf32, #tpu.memory_space<vmem>>, vector<1x16xf32>,
    %swap3A_489 = vector.shape_cast %swap3A_488 : vector<1x16xf32> to vector<16xf32>
    %swap3A_490 = vector.shape_cast %broadcast_in_dim3A_484 : vector<16xf32> to vector<1x16xf32>
    tpu.vector_store %arg6[%swap3A_486, %swap3A_487], %swap3A_490 {strides = array<i32>} : memref<64x16xf32, #tpu.memory_space<vmem>>, vector<1x16xf32>,
    %broadcast_in_dim3A_491 = arith.constant 1.000000e+00 : f32
    %broadcast_in_dim3A_492 = vector.broadcast %broadcast_in_dim3A_491 : f32 to vector<16xf32>
    %swap3A_493 = arith.constant 61 : i32
    %swap3A_494 = arith.index_cast %swap3A_493 : i32 to index
    %swap3A_495 = arith.constant 0 : index
    %swap3A_496 = tpu.vector_load %arg6[%swap3A_494, %swap3A_495] {strides = array<i32>} : memref<64x16xf32, #tpu.memory_space<vmem>>, vector<1x16xf32>,
    %swap3A_497 = vector.shape_cast %swap3A_496 : vector<1x16xf32> to vector<16xf32>
    %swap3A_498 = vector.shape_cast %broadcast_in_dim3A_492 : vector<16xf32> to vector<1x16xf32>
    tpu.vector_store %arg6[%swap3A_494, %swap3A_495], %swap3A_498 {strides = array<i32>} : memref<64x16xf32, #tpu.memory_space<vmem>>, vector<1x16xf32>,
    %broadcast_in_dim3A_499 = arith.constant 1.000000e+00 : f32
    %broadcast_in_dim3A_500 = vector.broadcast %broadcast_in_dim3A_499 : f32 to vector<16xf32>
    %swap3A_501 = arith.constant 62 : i32
    %swap3A_502 = arith.index_cast %swap3A_501 : i32 to index
    %swap3A_503 = arith.constant 0 : index
    %swap3A_504 = tpu.vector_load %arg6[%swap3A_502, %swap3A_503] {strides = array<i32>} : memref<64x16xf32, #tpu.memory_space<vmem>>, vector<1x16xf32>,
    %swap3A_505 = vector.shape_cast %swap3A_504 : vector<1x16xf32> to vector<16xf32>
    %swap3A_506 = vector.shape_cast %broadcast_in_dim3A_500 : vector<16xf32> to vector<1x16xf32>
    tpu.vector_store %arg6[%swap3A_502, %swap3A_503], %swap3A_506 {strides = array<i32>} : memref<64x16xf32, #tpu.memory_space<vmem>>, vector<1x16xf32>,
    %broadcast_in_dim3A_507 = arith.constant 1.000000e+00 : f32
    %broadcast_in_dim3A_508 = vector.broadcast %broadcast_in_dim3A_507 : f32 to vector<16xf32>
    %swap3A_509 = arith.constant 63 : i32
    %swap3A_510 = arith.index_cast %swap3A_509 : i32 to index
    %swap3A_511 = arith.constant 0 : index
    %swap3A_512 = tpu.vector_load %arg6[%swap3A_510, %swap3A_511] {strides = array<i32>} : memref<64x16xf32, #tpu.memory_space<vmem>>, vector<1x16xf32>,
    %swap3A_513 = vector.shape_cast %swap3A_512 : vector<1x16xf32> to vector<16xf32>
    %swap3A_514 = vector.shape_cast %broadcast_in_dim3A_508 : vector<16xf32> to vector<1x16xf32>
    tpu.vector_store %arg6[%swap3A_510, %swap3A_511], %swap3A_514 {strides = array<i32>} : memref<64x16xf32, #tpu.memory_space<vmem>>, vector<1x16xf32>,
    %barrier3A = arith.constant 0 : index
    tpu.barrier barrier_id(%barrier3A)
    %scan3A = arith.constant 0 : i32
    %scan3A_515 = arith.constant 0 : i32
    %scan3A_516 = arith.constant 160 : i32
    %scan3A_517 = arith.addi %scan3A_515, %scan3A_516 : i32
    %scan3A_518 = arith.constant 1 : i32
    scf.for %scan3A_580 = %scan3A_515 to %scan3A_517 step %scan3A_518  : i32 {
      %dma_start3A = arith.constant 0 : i32
      %dma_start3A_581 = tpu.memref_slice %arg5[%scan3A_580, %dma_start3A] : memref<160x64xi32, #tpu.memory_space<vmem>> -> memref<1x64xi32, #tpu.memory_space<vmem>>
      %dma_start3A_582 = tpu.memref_squeeze %dma_start3A_581 : memref<1x64xi32, #tpu.memory_space<vmem>> -> memref<64xi32, #tpu.memory_space<vmem>>
      %dma_start3A_583 = arith.constant 0 : i32
      %dma_start3A_584 = arith.constant 0 : i32
      %dma_start3A_585 = tpu.memref_slice %arg7[%dma_start3A_583, %dma_start3A_584] : memref<10240x16xf32, #tpu.memory_space<vmem_shared>> -> memref<10240x16xf32, #tpu.memory_space<vmem_shared>>
      tpu.enqueue_indirect_dma source(%arg6 : memref<64x16xf32, #tpu.memory_space<vmem>>) target(%dma_start3A_585 : memref<10240x16xf32, #tpu.memory_space<vmem_shared>>) offsets(%dma_start3A_582 : memref<64xi32, #tpu.memory_space<vmem>>) semaphore(%arg8 : memref<!tpu.dma_semaphore, #tpu.memory_space<semaphore_mem>>) {add = true}
      %ge3A = arith.constant 8 : i32
      %ge3A_586 = arith.cmpi sge, %scan3A_580, %ge3A : i32
      %convert_element_type3A = arith.extui %ge3A_586 : i1 to i32
      %cond3A = arith.constant 0 : i32
      %cond3A_587 = arith.cmpi ne, %convert_element_type3A, %cond3A : i32
      scf.if %cond3A_587 {
        %dma_wait3A_588 = arith.constant 0 : i32
        %dma_wait3A_589 = arith.constant 0 : i32
        %dma_wait3A_590 = tpu.memref_slice %arg5[%dma_wait3A_588, %dma_wait3A_589] : memref<160x64xi32, #tpu.memory_space<vmem>> -> memref<1x64xi32, #tpu.memory_space<vmem>>
        %dma_wait3A_591 = tpu.memref_squeeze %dma_wait3A_590 : memref<1x64xi32, #tpu.memory_space<vmem>> -> memref<64xi32, #tpu.memory_space<vmem>>
        %dma_wait3A_592 = arith.constant 0 : i32
        %dma_wait3A_593 = arith.constant 0 : i32
        %dma_wait3A_594 = tpu.memref_slice %arg7[%dma_wait3A_592, %dma_wait3A_593] : memref<10240x16xf32, #tpu.memory_space<vmem_shared>> -> memref<10240x16xf32, #tpu.memory_space<vmem_shared>>
        tpu.wait_indirect_dma semaphore(%arg8 : memref<!tpu.dma_semaphore, #tpu.memory_space<semaphore_mem>>) src(%arg6 : memref<64x16xf32, #tpu.memory_space<vmem>>) dst(%dma_wait3A_594 : memref<10240x16xf32, #tpu.memory_space<vmem_shared>>)
      } else {
      }
    }
    %scan3A_519 = arith.constant 160 : i32
    %dma_wait3A = arith.constant 0 : i32
    %dma_wait3A_520 = arith.constant 0 : i32
    %dma_wait3A_521 = tpu.memref_slice %arg5[%dma_wait3A, %dma_wait3A_520] : memref<160x64xi32, #tpu.memory_space<vmem>> -> memref<1x64xi32, #tpu.memory_space<vmem>>
    %dma_wait3A_522 = tpu.memref_squeeze %dma_wait3A_521 : memref<1x64xi32, #tpu.memory_space<vmem>> -> memref<64xi32, #tpu.memory_space<vmem>>
    %dma_wait3A_523 = arith.constant 0 : i32
    %dma_wait3A_524 = arith.constant 0 : i32
    %dma_wait3A_525 = tpu.memref_slice %arg7[%dma_wait3A_523, %dma_wait3A_524] : memref<10240x16xf32, #tpu.memory_space<vmem_shared>> -> memref<10240x16xf32, #tpu.memory_space<vmem_shared>>
    tpu.wait_indirect_dma semaphore(%arg8 : memref<!tpu.dma_semaphore, #tpu.memory_space<semaphore_mem>>) src(%arg6 : memref<64x16xf32, #tpu.memory_space<vmem>>) dst(%dma_wait3A_525 : memref<10240x16xf32, #tpu.memory_space<vmem_shared>>)
    %dma_wait3A_526 = arith.constant 0 : i32
    %dma_wait3A_527 = arith.constant 0 : i32
    %dma_wait3A_528 = tpu.memref_slice %arg5[%dma_wait3A_526, %dma_wait3A_527] : memref<160x64xi32, #tpu.memory_space<vmem>> -> memref<1x64xi32, #tpu.memory_space<vmem>>
    %dma_wait3A_529 = tpu.memref_squeeze %dma_wait3A_528 : memref<1x64xi32, #tpu.memory_space<vmem>> -> memref<64xi32, #tpu.memory_space<vmem>>
    %dma_wait3A_530 = arith.constant 0 : i32
    %dma_wait3A_531 = arith.constant 0 : i32
    %dma_wait3A_532 = tpu.memref_slice %arg7[%dma_wait3A_530, %dma_wait3A_531] : memref<10240x16xf32, #tpu.memory_space<vmem_shared>> -> memref<10240x16xf32, #tpu.memory_space<vmem_shared>>
    tpu.wait_indirect_dma semaphore(%arg8 : memref<!tpu.dma_semaphore, #tpu.memory_space<semaphore_mem>>) src(%arg6 : memref<64x16xf32, #tpu.memory_space<vmem>>) dst(%dma_wait3A_532 : memref<10240x16xf32, #tpu.memory_space<vmem_shared>>)
    %dma_wait3A_533 = arith.constant 0 : i32
    %dma_wait3A_534 = arith.constant 0 : i32
    %dma_wait3A_535 = tpu.memref_slice %arg5[%dma_wait3A_533, %dma_wait3A_534] : memref<160x64xi32, #tpu.memory_space<vmem>> -> memref<1x64xi32, #tpu.memory_space<vmem>>
    %dma_wait3A_536 = tpu.memref_squeeze %dma_wait3A_535 : memref<1x64xi32, #tpu.memory_space<vmem>> -> memref<64xi32, #tpu.memory_space<vmem>>
    %dma_wait3A_537 = arith.constant 0 : i32
    %dma_wait3A_538 = arith.constant 0 : i32
    %dma_wait3A_539 = tpu.memref_slice %arg7[%dma_wait3A_537, %dma_wait3A_538] : memref<10240x16xf32, #tpu.memory_space<vmem_shared>> -> memref<10240x16xf32, #tpu.memory_space<vmem_shared>>
    tpu.wait_indirect_dma semaphore(%arg8 : memref<!tpu.dma_semaphore, #tpu.memory_space<semaphore_mem>>) src(%arg6 : memref<64x16xf32, #tpu.memory_space<vmem>>) dst(%dma_wait3A_539 : memref<10240x16xf32, #tpu.memory_space<vmem_shared>>)
    %dma_wait3A_540 = arith.constant 0 : i32
    %dma_wait3A_541 = arith.constant 0 : i32
    %dma_wait3A_542 = tpu.memref_slice %arg5[%dma_wait3A_540, %dma_wait3A_541] : memref<160x64xi32, #tpu.memory_space<vmem>> -> memref<1x64xi32, #tpu.memory_space<vmem>>
    %dma_wait3A_543 = tpu.memref_squeeze %dma_wait3A_542 : memref<1x64xi32, #tpu.memory_space<vmem>> -> memref<64xi32, #tpu.memory_space<vmem>>
    %dma_wait3A_544 = arith.constant 0 : i32
    %dma_wait3A_545 = arith.constant 0 : i32
    %dma_wait3A_546 = tpu.memref_slice %arg7[%dma_wait3A_544, %dma_wait3A_545] : memref<10240x16xf32, #tpu.memory_space<vmem_shared>> -> memref<10240x16xf32, #tpu.memory_space<vmem_shared>>
    tpu.wait_indirect_dma semaphore(%arg8 : memref<!tpu.dma_semaphore, #tpu.memory_space<semaphore_mem>>) src(%arg6 : memref<64x16xf32, #tpu.memory_space<vmem>>) dst(%dma_wait3A_546 : memref<10240x16xf32, #tpu.memory_space<vmem_shared>>)
    %dma_wait3A_547 = arith.constant 0 : i32
    %dma_wait3A_548 = arith.constant 0 : i32
    %dma_wait3A_549 = tpu.memref_slice %arg5[%dma_wait3A_547, %dma_wait3A_548] : memref<160x64xi32, #tpu.memory_space<vmem>> -> memref<1x64xi32, #tpu.memory_space<vmem>>
    %dma_wait3A_550 = tpu.memref_squeeze %dma_wait3A_549 : memref<1x64xi32, #tpu.memory_space<vmem>> -> memref<64xi32, #tpu.memory_space<vmem>>
    %dma_wait3A_551 = arith.constant 0 : i32
    %dma_wait3A_552 = arith.constant 0 : i32
    %dma_wait3A_553 = tpu.memref_slice %arg7[%dma_wait3A_551, %dma_wait3A_552] : memref<10240x16xf32, #tpu.memory_space<vmem_shared>> -> memref<10240x16xf32, #tpu.memory_space<vmem_shared>>
    tpu.wait_indirect_dma semaphore(%arg8 : memref<!tpu.dma_semaphore, #tpu.memory_space<semaphore_mem>>) src(%arg6 : memref<64x16xf32, #tpu.memory_space<vmem>>) dst(%dma_wait3A_553 : memref<10240x16xf32, #tpu.memory_space<vmem_shared>>)
    %dma_wait3A_554 = arith.constant 0 : i32
    %dma_wait3A_555 = arith.constant 0 : i32
    %dma_wait3A_556 = tpu.memref_slice %arg5[%dma_wait3A_554, %dma_wait3A_555] : memref<160x64xi32, #tpu.memory_space<vmem>> -> memref<1x64xi32, #tpu.memory_space<vmem>>
    %dma_wait3A_557 = tpu.memref_squeeze %dma_wait3A_556 : memref<1x64xi32, #tpu.memory_space<vmem>> -> memref<64xi32, #tpu.memory_space<vmem>>
    %dma_wait3A_558 = arith.constant 0 : i32
    %dma_wait3A_559 = arith.constant 0 : i32
    %dma_wait3A_560 = tpu.memref_slice %arg7[%dma_wait3A_558, %dma_wait3A_559] : memref<10240x16xf32, #tpu.memory_space<vmem_shared>> -> memref<10240x16xf32, #tpu.memory_space<vmem_shared>>
    tpu.wait_indirect_dma semaphore(%arg8 : memref<!tpu.dma_semaphore, #tpu.memory_space<semaphore_mem>>) src(%arg6 : memref<64x16xf32, #tpu.memory_space<vmem>>) dst(%dma_wait3A_560 : memref<10240x16xf32, #tpu.memory_space<vmem_shared>>)
    %dma_wait3A_561 = arith.constant 0 : i32
    %dma_wait3A_562 = arith.constant 0 : i32
    %dma_wait3A_563 = tpu.memref_slice %arg5[%dma_wait3A_561, %dma_wait3A_562] : memref<160x64xi32, #tpu.memory_space<vmem>> -> memref<1x64xi32, #tpu.memory_space<vmem>>
    %dma_wait3A_564 = tpu.memref_squeeze %dma_wait3A_563 : memref<1x64xi32, #tpu.memory_space<vmem>> -> memref<64xi32, #tpu.memory_space<vmem>>
    %dma_wait3A_565 = arith.constant 0 : i32
    %dma_wait3A_566 = arith.constant 0 : i32
    %dma_wait3A_567 = tpu.memref_slice %arg7[%dma_wait3A_565, %dma_wait3A_566] : memref<10240x16xf32, #tpu.memory_space<vmem_shared>> -> memref<10240x16xf32, #tpu.memory_space<vmem_shared>>
    tpu.wait_indirect_dma semaphore(%arg8 : memref<!tpu.dma_semaphore, #tpu.memory_space<semaphore_mem>>) src(%arg6 : memref<64x16xf32, #tpu.memory_space<vmem>>) dst(%dma_wait3A_567 : memref<10240x16xf32, #tpu.memory_space<vmem_shared>>)
    %dma_wait3A_568 = arith.constant 0 : i32
    %dma_wait3A_569 = arith.constant 0 : i32
    %dma_wait3A_570 = tpu.memref_slice %arg5[%dma_wait3A_568, %dma_wait3A_569] : memref<160x64xi32, #tpu.memory_space<vmem>> -> memref<1x64xi32, #tpu.memory_space<vmem>>
    %dma_wait3A_571 = tpu.memref_squeeze %dma_wait3A_570 : memref<1x64xi32, #tpu.memory_space<vmem>> -> memref<64xi32, #tpu.memory_space<vmem>>
    %dma_wait3A_572 = arith.constant 0 : i32
    %dma_wait3A_573 = arith.constant 0 : i32
    %dma_wait3A_574 = tpu.memref_slice %arg7[%dma_wait3A_572, %dma_wait3A_573] : memref<10240x16xf32, #tpu.memory_space<vmem_shared>> -> memref<10240x16xf32, #tpu.memory_space<vmem_shared>>
    tpu.wait_indirect_dma semaphore(%arg8 : memref<!tpu.dma_semaphore, #tpu.memory_space<semaphore_mem>>) src(%arg6 : memref<64x16xf32, #tpu.memory_space<vmem>>) dst(%dma_wait3A_574 : memref<10240x16xf32, #tpu.memory_space<vmem_shared>>)
    %barrier3A_575 = arith.constant 0 : index
    tpu.barrier barrier_id(%barrier3A_575)
    %mul3A_576 = arith.constant 640 : i32
    %mul3A_577 = arith.muli %arg1, %mul3A_576 : i32
    %mul3A_578 = arith.constant 640 : i32
    %mul3A_579 = arith.muli %arg1, %mul3A_578 : i32
    "tpu.region"() ({
      %run_scoped3A = tpu.sem_alloc : memref<!tpu.dma_semaphore, #tpu.memory_space<semaphore_mem>>
      %dma_start3A = arith.constant 0 : i32
      %dma_start3A_580 = tpu.memref_slice %arg4[%arg0, %mul3A_579, %dma_start3A] : memref<2x10240x16xf32, #tpu.memory_space<hbm>> -> memref<1x640x16xf32, #tpu.memory_space<hbm>>
      %dma_start3A_581 = tpu.memref_squeeze %dma_start3A_580 : memref<1x640x16xf32, #tpu.memory_space<hbm>> -> memref<640x16xf32, #tpu.memory_space<hbm>>
      %dma_start3A_582 = arith.constant 0 : i32
      %dma_start3A_583 = tpu.memref_slice %arg7[%mul3A_577, %dma_start3A_582] : memref<10240x16xf32, #tpu.memory_space<vmem_shared>> -> memref<640x16xf32, #tpu.memory_space<vmem_shared>>
      tpu.enqueue_dma source(%dma_start3A_583 : memref<640x16xf32, #tpu.memory_space<vmem_shared>>) target(%dma_start3A_581 : memref<640x16xf32, #tpu.memory_space<hbm>>) target_semaphore(%run_scoped3A : memref<!tpu.dma_semaphore, #tpu.memory_space<semaphore_mem>>)
      %dma_wait3A_584 = arith.constant 0 : i32
      %dma_wait3A_585 = tpu.memref_slice %arg4[%arg0, %mul3A_579, %dma_wait3A_584] : memref<2x10240x16xf32, #tpu.memory_space<hbm>> -> memref<1x640x16xf32, #tpu.memory_space<hbm>>
      %dma_wait3A_586 = tpu.memref_squeeze %dma_wait3A_585 : memref<1x640x16xf32, #tpu.memory_space<hbm>> -> memref<640x16xf32, #tpu.memory_space<hbm>>
      %dma_wait3A_587 = arith.constant 0 : i32
      %dma_wait3A_588 = tpu.memref_slice %arg7[%mul3A_577, %dma_wait3A_587] : memref<10240x16xf32, #tpu.memory_space<vmem_shared>> -> memref<640x16xf32, #tpu.memory_space<vmem_shared>>
      tpu.wait_dma2 semaphore(%run_scoped3A : memref<!tpu.dma_semaphore, #tpu.memory_space<semaphore_mem>>) src(%dma_wait3A_588 : memref<640x16xf32, #tpu.memory_space<vmem_shared>>) dst(%dma_wait3A_586 : memref<640x16xf32, #tpu.memory_space<hbm>>)
      tpu.yield
    }) : () -> ()
    return
  }
}

module attributes {stable_mosaic.version = 14 : i64} {
  func.func @_tc1_body(%arg0: i32, %arg1: memref<1024x128xf32, #tpu.memory_space<vmem>>, %arg2: memref<128x256xf32, #tpu.memory_space<vmem>>, %arg3: memref<2x1024x16xf32, #tpu.memory_space<vmem>>, %arg4: memref<2x1024x128xf32, #tpu.memory_space<vmem>>) attributes {dimension_semantics = [#tpu.dimension_semantics<arbitrary>], iteration_bounds = array<i64: 10>, scalar_prefetch = 0 : i64, scratch_operands = 0 : i64, tpu.core_type = #tpu.core_type<tc>, window_params = [{transform_indices = @transform_0, window_bounds = array<i64: 1024, 128>}, {pipeline_mode = #tpu.pipeline_mode<synchronous>, transform_indices = @transform_1, window_bounds = array<i64: 128, 256>}, {transform_indices = @transform_2, window_bounds = array<i64: 2, 1024, 16>}, {transform_indices = @transform_3, window_bounds = array<i64: 2, 1024, 128>}]} {
    %get3A = arith.constant 0 : index
    %get3A_0 = arith.constant 0 : index
    %get3A_1 = arith.constant 0 : index
    %get3A_2 = vector.load %arg3[%get3A, %get3A_0, %get3A_1] : memref<2x1024x16xf32, #tpu.memory_space<vmem>>, vector<2x1024x16xf32>
    %slice3A = vector.extract_strided_slice %get3A_2 {offsets = [0, 0, 0], sizes = [1, 1024, 1], strides = [1, 1, 1]} : vector<2x1024x16xf32> to vector<1x1024x1xf32>
    %squeeze3A = vector.shape_cast %slice3A : vector<1x1024x1xf32> to vector<1024xf32>
    %slice3A_3 = vector.extract_strided_slice %get3A_2 {offsets = [1, 0, 0], sizes = [1, 1024, 1], strides = [1, 1, 1]} : vector<2x1024x16xf32> to vector<1x1024x1xf32>
    %squeeze3A_4 = vector.shape_cast %slice3A_3 : vector<1x1024x1xf32> to vector<1024xf32>
    %add3A = arith.addf %squeeze3A, %squeeze3A_4 : vector<1024xf32>
    %add3A_5 = arith.constant 1.000000e+00 : f32
    %add3A_6 = vector.broadcast %add3A_5 : f32 to vector<1024xf32>
    %add3A_7 = arith.addf %add3A, %add3A_6 : vector<1024xf32>
    %sqrt3A = math.sqrt %add3A_7 : vector<1024xf32>
    %div3A = arith.constant 1.000000e+00 : f32
    %div3A_8 = vector.broadcast %div3A : f32 to vector<1024xf32>
    %div3A_9 = arith.divf %div3A_8, %sqrt3A : vector<1024xf32>
    %broadcast_in_dim3A = vector.shape_cast %div3A_9 : vector<1024xf32> to vector<1024x1xf32>
    %get3A_10 = arith.constant 0 : index
    %get3A_11 = arith.constant 0 : index
    %get3A_12 = vector.load %arg1[%get3A_10, %get3A_11] : memref<1024x128xf32, #tpu.memory_space<vmem>>, vector<1024x128xf32>
    %get3A_13 = arith.constant 0 : index
    %get3A_14 = arith.constant 0 : index
    %get3A_15 = vector.load %arg2[%get3A_13, %get3A_14] : memref<128x256xf32, #tpu.memory_space<vmem>>, vector<128x256xf32>
    %dot_general3A = arith.constant dense<0.000000e+00> : vector<1024x256xf32>
    %dot_general3A_16 = tpu.matmul %get3A_12, %get3A_15, %dot_general3A {dimension_numbers = #tpu.dot_dimension_numbers<[1], [0], [0], [1], [0, 0, 1, 1], [], []>, transpose_lhs_hint = false} : vector<1024x128xf32>, vector<128x256xf32>, vector<1024x256xf32> -> vector<1024x256xf32>
    %mul3A = vector.broadcast %broadcast_in_dim3A : vector<1024x1xf32> to vector<1024x256xf32>
    %mul3A_17 = arith.mulf %mul3A, %dot_general3A_16 : vector<1024x256xf32>
    %slice3A_18 = vector.extract_strided_slice %mul3A_17 {offsets = [0, 0], sizes = [1024, 128], strides = [1, 1]} : vector<1024x256xf32> to vector<1024x128xf32>
    %swap3A = arith.constant 0 : index
    %swap3A_19 = arith.constant 0 : index
    %swap3A_20 = arith.constant 0 : index
    %swap3A_21 = vector.load %arg4[%swap3A, %swap3A_19, %swap3A_20] : memref<2x1024x128xf32, #tpu.memory_space<vmem>>, vector<1x1024x128xf32>
    %swap3A_22 = vector.shape_cast %swap3A_21 : vector<1x1024x128xf32> to vector<1024x128xf32>
    %swap3A_23 = vector.shape_cast %slice3A_18 : vector<1024x128xf32> to vector<1x1024x128xf32>
    tpu.vector_store %arg4[%swap3A, %swap3A_19, %swap3A_20], %swap3A_23 {strides = array<i32>} : memref<2x1024x128xf32, #tpu.memory_space<vmem>>, vector<1x1024x128xf32>,
    %slice3A_24 = vector.extract_strided_slice %mul3A_17 {offsets = [0, 128], sizes = [1024, 128], strides = [1, 1]} : vector<1024x256xf32> to vector<1024x128xf32>
    %swap3A_25 = arith.constant 1 : index
    %swap3A_26 = arith.constant 0 : index
    %swap3A_27 = arith.constant 0 : index
    %swap3A_28 = vector.load %arg4[%swap3A_25, %swap3A_26, %swap3A_27] : memref<2x1024x128xf32, #tpu.memory_space<vmem>>, vector<1x1024x128xf32>
    %swap3A_29 = vector.shape_cast %swap3A_28 : vector<1x1024x128xf32> to vector<1024x128xf32>
    %swap3A_30 = vector.shape_cast %slice3A_24 : vector<1024x128xf32> to vector<1x1024x128xf32>
    tpu.vector_store %arg4[%swap3A_25, %swap3A_26, %swap3A_27], %swap3A_30 {strides = array<i32>} : memref<2x1024x128xf32, #tpu.memory_space<vmem>>, vector<1x1024x128xf32>,
    return
  }
  func.func @transform_0(%arg0: i32) -> (i32, i32) {
    %c0_i32 = arith.constant 0 : i32
    %c0_i32_0 = arith.constant 0 : i32
    return %arg0, %c0_i32 : i32, i32
  }
  func.func @transform_1(%arg0: i32) -> (i32, i32) {
    %c0_i32 = arith.constant 0 : i32
    %c0_i32_0 = arith.constant 0 : i32
    %c0_i32_1 = arith.constant 0 : i32
    return %c0_i32, %c0_i32_0 : i32, i32
  }
  func.func @transform_2(%arg0: i32) -> (i32, i32, i32) {
    %c0_i32 = arith.constant 0 : i32
    %c0_i32_0 = arith.constant 0 : i32
    %c0_i32_1 = arith.constant 0 : i32
    return %c0_i32, %arg0, %c0_i32_0 : i32, i32, i32
  }
  func.func @transform_3(%arg0: i32) -> (i32, i32, i32) {
    %c0_i32 = arith.constant 0 : i32
    %c0_i32_0 = arith.constant 0 : i32
    %c0_i32_1 = arith.constant 0 : i32
    return %c0_i32, %arg0, %c0_i32_0 : i32, i32, i32
  }
}

module attributes {stable_mosaic.version = 14 : i64} {
  func.func @_tc_mid_body(%arg0: i32, %arg1: memref<2x1024x128xf32, #tpu.memory_space<vmem>>, %arg2: memref<2x1024x128xf32, #tpu.memory_space<vmem>>, %arg3: memref<2x1024x16xf32, #tpu.memory_space<vmem>>, %arg4: memref<256x256xf32, #tpu.memory_space<vmem>>, %arg5: memref<1x256xf32, #tpu.memory_space<vmem>>, %arg6: memref<2x1024x128xf32, #tpu.memory_space<vmem>>) attributes {dimension_semantics = [#tpu.dimension_semantics<arbitrary>], iteration_bounds = array<i64: 10>, scalar_prefetch = 0 : i64, scratch_operands = 0 : i64, tpu.core_type = #tpu.core_type<tc>, window_params = [{transform_indices = @transform_0, window_bounds = array<i64: 2, 1024, 128>}, {transform_indices = @transform_1, window_bounds = array<i64: 2, 1024, 128>}, {transform_indices = @transform_2, window_bounds = array<i64: 2, 1024, 16>}, {pipeline_mode = #tpu.pipeline_mode<synchronous>, transform_indices = @transform_3, window_bounds = array<i64: 256, 256>}, {pipeline_mode = #tpu.pipeline_mode<synchronous>, transform_indices = @transform_4, window_bounds = array<i64: 1, 256>}, {transform_indices = @transform_5, window_bounds = array<i64: 2, 1024, 128>}]} {
    %get3A = arith.constant 0 : index
    %get3A_0 = arith.constant 0 : index
    %get3A_1 = arith.constant 0 : index
    %get3A_2 = vector.load %arg3[%get3A, %get3A_0, %get3A_1] : memref<2x1024x16xf32, #tpu.memory_space<vmem>>, vector<2x1024x16xf32>
    %slice3A = vector.extract_strided_slice %get3A_2 {offsets = [0, 0, 0], sizes = [1, 1024, 1], strides = [1, 1, 1]} : vector<2x1024x16xf32> to vector<1x1024x1xf32>
    %squeeze3A = vector.shape_cast %slice3A : vector<1x1024x1xf32> to vector<1024xf32>
    %slice3A_3 = vector.extract_strided_slice %get3A_2 {offsets = [1, 0, 0], sizes = [1, 1024, 1], strides = [1, 1, 1]} : vector<2x1024x16xf32> to vector<1x1024x1xf32>
    %squeeze3A_4 = vector.shape_cast %slice3A_3 : vector<1x1024x1xf32> to vector<1024xf32>
    %add3A = arith.addf %squeeze3A, %squeeze3A_4 : vector<1024xf32>
    %add3A_5 = arith.constant 1.000000e+00 : f32
    %add3A_6 = vector.broadcast %add3A_5 : f32 to vector<1024xf32>
    %add3A_7 = arith.addf %add3A, %add3A_6 : vector<1024xf32>
    %sqrt3A = math.sqrt %add3A_7 : vector<1024xf32>
    %div3A = arith.constant 1.000000e+00 : f32
    %div3A_8 = vector.broadcast %div3A : f32 to vector<1024xf32>
    %div3A_9 = arith.divf %div3A_8, %sqrt3A : vector<1024xf32>
    %broadcast_in_dim3A = vector.shape_cast %div3A_9 : vector<1024xf32> to vector<1024x1xf32>
    %get3A_10 = arith.constant 0 : index
    %get3A_11 = arith.constant 0 : index
    %get3A_12 = arith.constant 0 : index
    %get3A_13 = vector.load %arg1[%get3A_10, %get3A_11, %get3A_12] : memref<2x1024x128xf32, #tpu.memory_space<vmem>>, vector<1x1024x128xf32>
    %get3A_14 = vector.shape_cast %get3A_13 : vector<1x1024x128xf32> to vector<1024x128xf32>
    %get3A_15 = arith.constant 0 : index
    %get3A_16 = arith.constant 0 : index
    %get3A_17 = arith.constant 0 : index
    %get3A_18 = vector.load %arg2[%get3A_15, %get3A_16, %get3A_17] : memref<2x1024x128xf32, #tpu.memory_space<vmem>>, vector<1x1024x128xf32>
    %get3A_19 = vector.shape_cast %get3A_18 : vector<1x1024x128xf32> to vector<1024x128xf32>
    %add3A_20 = arith.addf %get3A_14, %get3A_19 : vector<1024x128xf32>
    %get3A_21 = arith.constant 1 : index
    %get3A_22 = arith.constant 0 : index
    %get3A_23 = arith.constant 0 : index
    %get3A_24 = vector.load %arg1[%get3A_21, %get3A_22, %get3A_23] : memref<2x1024x128xf32, #tpu.memory_space<vmem>>, vector<1x1024x128xf32>
    %get3A_25 = vector.shape_cast %get3A_24 : vector<1x1024x128xf32> to vector<1024x128xf32>
    %get3A_26 = arith.constant 1 : index
    %get3A_27 = arith.constant 0 : index
    %get3A_28 = arith.constant 0 : index
    %get3A_29 = vector.load %arg2[%get3A_26, %get3A_27, %get3A_28] : memref<2x1024x128xf32, #tpu.memory_space<vmem>>, vector<1x1024x128xf32>
    %get3A_30 = vector.shape_cast %get3A_29 : vector<1x1024x128xf32> to vector<1024x128xf32>
    %add3A_31 = arith.addf %get3A_25, %get3A_30 : vector<1024x128xf32>
    %concatenate3A = tpu.concatenate %add3A_20, %add3A_31 in 1 : vector<1024x128xf32>, vector<1024x128xf32> -> vector<1024x256xf32>
    %mul3A = vector.broadcast %broadcast_in_dim3A : vector<1024x1xf32> to vector<1024x256xf32>
    %mul3A_32 = arith.mulf %mul3A, %concatenate3A : vector<1024x256xf32>
    %get3A_33 = arith.constant 0 : index
    %get3A_34 = arith.constant 0 : index
    %get3A_35 = vector.load %arg5[%get3A_33, %get3A_34] : memref<1x256xf32, #tpu.memory_space<vmem>>, vector<1x256xf32>
    %get3A_36 = vector.shape_cast %get3A_35 : vector<1x256xf32> to vector<256xf32>
    %broadcast_in_dim3A_37 = vector.shape_cast %get3A_36 : vector<256xf32> to vector<1x256xf32>
    %add3A_38 = vector.broadcast %broadcast_in_dim3A_37 : vector<1x256xf32> to vector<1024x256xf32>
    %add3A_39 = arith.addf %mul3A_32, %add3A_38 : vector<1024x256xf32>
    %max3A = arith.constant 0.000000e+00 : f32
    %max3A_40 = vector.broadcast %max3A : f32 to vector<1024x256xf32>
    %max3A_41 = arith.maximumf %add3A_39, %max3A_40 : vector<1024x256xf32>
    %get3A_42 = arith.constant 0 : index
    %get3A_43 = arith.constant 0 : index
    %get3A_44 = vector.load %arg4[%get3A_42, %get3A_43] : memref<256x256xf32, #tpu.memory_space<vmem>>, vector<256x256xf32>
    %dot_general3A = arith.constant dense<0.000000e+00> : vector<1024x256xf32>
    %dot_general3A_45 = tpu.matmul %max3A_41, %get3A_44, %dot_general3A {dimension_numbers = #tpu.dot_dimension_numbers<[1], [0], [0], [1], [0, 0, 1, 1], [], []>, transpose_lhs_hint = false} : vector<1024x256xf32>, vector<256x256xf32>, vector<1024x256xf32> -> vector<1024x256xf32>
    %mul3A_46 = vector.broadcast %broadcast_in_dim3A : vector<1024x1xf32> to vector<1024x256xf32>
    %mul3A_47 = arith.mulf %mul3A_46, %dot_general3A_45 : vector<1024x256xf32>
    %slice3A_48 = vector.extract_strided_slice %mul3A_47 {offsets = [0, 0], sizes = [1024, 128], strides = [1, 1]} : vector<1024x256xf32> to vector<1024x128xf32>
    %swap3A = arith.constant 0 : index
    %swap3A_49 = arith.constant 0 : index
    %swap3A_50 = arith.constant 0 : index
    %swap3A_51 = vector.load %arg6[%swap3A, %swap3A_49, %swap3A_50] : memref<2x1024x128xf32, #tpu.memory_space<vmem>>, vector<1x1024x128xf32>
    %swap3A_52 = vector.shape_cast %swap3A_51 : vector<1x1024x128xf32> to vector<1024x128xf32>
    %swap3A_53 = vector.shape_cast %slice3A_48 : vector<1024x128xf32> to vector<1x1024x128xf32>
    tpu.vector_store %arg6[%swap3A, %swap3A_49, %swap3A_50], %swap3A_53 {strides = array<i32>} : memref<2x1024x128xf32, #tpu.memory_space<vmem>>, vector<1x1024x128xf32>,
    %slice3A_54 = vector.extract_strided_slice %mul3A_47 {offsets = [0, 128], sizes = [1024, 128], strides = [1, 1]} : vector<1024x256xf32> to vector<1024x128xf32>
    %swap3A_55 = arith.constant 1 : index
    %swap3A_56 = arith.constant 0 : index
    %swap3A_57 = arith.constant 0 : index
    %swap3A_58 = vector.load %arg6[%swap3A_55, %swap3A_56, %swap3A_57] : memref<2x1024x128xf32, #tpu.memory_space<vmem>>, vector<1x1024x128xf32>
    %swap3A_59 = vector.shape_cast %swap3A_58 : vector<1x1024x128xf32> to vector<1024x128xf32>
    %swap3A_60 = vector.shape_cast %slice3A_54 : vector<1024x128xf32> to vector<1x1024x128xf32>
    tpu.vector_store %arg6[%swap3A_55, %swap3A_56, %swap3A_57], %swap3A_60 {strides = array<i32>} : memref<2x1024x128xf32, #tpu.memory_space<vmem>>, vector<1x1024x128xf32>,
    return
  }
  func.func @transform_0(%arg0: i32) -> (i32, i32, i32) {
    %c0_i32 = arith.constant 0 : i32
    %c0_i32_0 = arith.constant 0 : i32
    %c0_i32_1 = arith.constant 0 : i32
    return %c0_i32, %arg0, %c0_i32_0 : i32, i32, i32
  }
  func.func @transform_1(%arg0: i32) -> (i32, i32, i32) {
    %c0_i32 = arith.constant 0 : i32
    %c0_i32_0 = arith.constant 0 : i32
    %c0_i32_1 = arith.constant 0 : i32
    return %c0_i32, %arg0, %c0_i32_0 : i32, i32, i32
  }
  func.func @transform_2(%arg0: i32) -> (i32, i32, i32) {
    %c0_i32 = arith.constant 0 : i32
    %c0_i32_0 = arith.constant 0 : i32
    %c0_i32_1 = arith.constant 0 : i32
    return %c0_i32, %arg0, %c0_i32_0 : i32, i32, i32
  }
  func.func @transform_3(%arg0: i32) -> (i32, i32) {
    %c0_i32 = arith.constant 0 : i32
    %c0_i32_0 = arith.constant 0 : i32
    %c0_i32_1 = arith.constant 0 : i32
    return %c0_i32, %c0_i32_0 : i32, i32
  }
  func.func @transform_4(%arg0: i32) -> (i32, i32) {
    %c0_i32 = arith.constant 0 : i32
    %c0_i32_0 = arith.constant 0 : i32
    %c0_i32_1 = arith.constant 0 : i32
    return %c0_i32, %c0_i32_0 : i32, i32
  }
  func.func @transform_5(%arg0: i32) -> (i32, i32, i32) {
    %c0_i32 = arith.constant 0 : i32
    %c0_i32_0 = arith.constant 0 : i32
    %c0_i32_1 = arith.constant 0 : i32
    return %c0_i32, %arg0, %c0_i32_0 : i32, i32, i32
  }
}

module attributes {stable_mosaic.version = 14 : i64} {
  func.func @_tc_out_body(%arg0: i32, %arg1: memref<2x1024x128xf32, #tpu.memory_space<vmem>>, %arg2: memref<2x1024x128xf32, #tpu.memory_space<vmem>>, %arg3: memref<2x1024x16xf32, #tpu.memory_space<vmem>>, %arg4: memref<256x128xf32, #tpu.memory_space<vmem>>, %arg5: memref<1x256xf32, #tpu.memory_space<vmem>>, %arg6: memref<1x128xf32, #tpu.memory_space<vmem>>, %arg7: memref<1024x128xf32, #tpu.memory_space<vmem>>) attributes {dimension_semantics = [#tpu.dimension_semantics<arbitrary>], iteration_bounds = array<i64: 10>, scalar_prefetch = 0 : i64, scratch_operands = 0 : i64, tpu.core_type = #tpu.core_type<tc>, window_params = [{transform_indices = @transform_0, window_bounds = array<i64: 2, 1024, 128>}, {transform_indices = @transform_1, window_bounds = array<i64: 2, 1024, 128>}, {transform_indices = @transform_2, window_bounds = array<i64: 2, 1024, 16>}, {pipeline_mode = #tpu.pipeline_mode<synchronous>, transform_indices = @transform_3, window_bounds = array<i64: 256, 128>}, {pipeline_mode = #tpu.pipeline_mode<synchronous>, transform_indices = @transform_4, window_bounds = array<i64: 1, 256>}, {pipeline_mode = #tpu.pipeline_mode<synchronous>, transform_indices = @transform_5, window_bounds = array<i64: 1, 128>}, {transform_indices = @transform_6, window_bounds = array<i64: 1024, 128>}]} {
    %get3A = arith.constant 0 : index
    %get3A_0 = arith.constant 0 : index
    %get3A_1 = arith.constant 0 : index
    %get3A_2 = vector.load %arg3[%get3A, %get3A_0, %get3A_1] : memref<2x1024x16xf32, #tpu.memory_space<vmem>>, vector<2x1024x16xf32>
    %slice3A = vector.extract_strided_slice %get3A_2 {offsets = [0, 0, 0], sizes = [1, 1024, 1], strides = [1, 1, 1]} : vector<2x1024x16xf32> to vector<1x1024x1xf32>
    %squeeze3A = vector.shape_cast %slice3A : vector<1x1024x1xf32> to vector<1024xf32>
    %slice3A_3 = vector.extract_strided_slice %get3A_2 {offsets = [1, 0, 0], sizes = [1, 1024, 1], strides = [1, 1, 1]} : vector<2x1024x16xf32> to vector<1x1024x1xf32>
    %squeeze3A_4 = vector.shape_cast %slice3A_3 : vector<1x1024x1xf32> to vector<1024xf32>
    %add3A = arith.addf %squeeze3A, %squeeze3A_4 : vector<1024xf32>
    %add3A_5 = arith.constant 1.000000e+00 : f32
    %add3A_6 = vector.broadcast %add3A_5 : f32 to vector<1024xf32>
    %add3A_7 = arith.addf %add3A, %add3A_6 : vector<1024xf32>
    %sqrt3A = math.sqrt %add3A_7 : vector<1024xf32>
    %div3A = arith.constant 1.000000e+00 : f32
    %div3A_8 = vector.broadcast %div3A : f32 to vector<1024xf32>
    %div3A_9 = arith.divf %div3A_8, %sqrt3A : vector<1024xf32>
    %broadcast_in_dim3A = vector.shape_cast %div3A_9 : vector<1024xf32> to vector<1024x1xf32>
    %get3A_10 = arith.constant 0 : index
    %get3A_11 = arith.constant 0 : index
    %get3A_12 = arith.constant 0 : index
    %get3A_13 = vector.load %arg1[%get3A_10, %get3A_11, %get3A_12] : memref<2x1024x128xf32, #tpu.memory_space<vmem>>, vector<1x1024x128xf32>
    %get3A_14 = vector.shape_cast %get3A_13 : vector<1x1024x128xf32> to vector<1024x128xf32>
    %get3A_15 = arith.constant 0 : index
    %get3A_16 = arith.constant 0 : index
    %get3A_17 = arith.constant 0 : index
    %get3A_18 = vector.load %arg2[%get3A_15, %get3A_16, %get3A_17] : memref<2x1024x128xf32, #tpu.memory_space<vmem>>, vector<1x1024x128xf32>
    %get3A_19 = vector.shape_cast %get3A_18 : vector<1x1024x128xf32> to vector<1024x128xf32>
    %add3A_20 = arith.addf %get3A_14, %get3A_19 : vector<1024x128xf32>
    %get3A_21 = arith.constant 1 : index
    %get3A_22 = arith.constant 0 : index
    %get3A_23 = arith.constant 0 : index
    %get3A_24 = vector.load %arg1[%get3A_21, %get3A_22, %get3A_23] : memref<2x1024x128xf32, #tpu.memory_space<vmem>>, vector<1x1024x128xf32>
    %get3A_25 = vector.shape_cast %get3A_24 : vector<1x1024x128xf32> to vector<1024x128xf32>
    %get3A_26 = arith.constant 1 : index
    %get3A_27 = arith.constant 0 : index
    %get3A_28 = arith.constant 0 : index
    %get3A_29 = vector.load %arg2[%get3A_26, %get3A_27, %get3A_28] : memref<2x1024x128xf32, #tpu.memory_space<vmem>>, vector<1x1024x128xf32>
    %get3A_30 = vector.shape_cast %get3A_29 : vector<1x1024x128xf32> to vector<1024x128xf32>
    %add3A_31 = arith.addf %get3A_25, %get3A_30 : vector<1024x128xf32>
    %concatenate3A = tpu.concatenate %add3A_20, %add3A_31 in 1 : vector<1024x128xf32>, vector<1024x128xf32> -> vector<1024x256xf32>
    %mul3A = vector.broadcast %broadcast_in_dim3A : vector<1024x1xf32> to vector<1024x256xf32>
    %mul3A_32 = arith.mulf %mul3A, %concatenate3A : vector<1024x256xf32>
    %get3A_33 = arith.constant 0 : index
    %get3A_34 = arith.constant 0 : index
    %get3A_35 = vector.load %arg5[%get3A_33, %get3A_34] : memref<1x256xf32, #tpu.memory_space<vmem>>, vector<1x256xf32>
    %get3A_36 = vector.shape_cast %get3A_35 : vector<1x256xf32> to vector<256xf32>
    %broadcast_in_dim3A_37 = vector.shape_cast %get3A_36 : vector<256xf32> to vector<1x256xf32>
    %add3A_38 = vector.broadcast %broadcast_in_dim3A_37 : vector<1x256xf32> to vector<1024x256xf32>
    %add3A_39 = arith.addf %mul3A_32, %add3A_38 : vector<1024x256xf32>
    %max3A = arith.constant 0.000000e+00 : f32
    %max3A_40 = vector.broadcast %max3A : f32 to vector<1024x256xf32>
    %max3A_41 = arith.maximumf %add3A_39, %max3A_40 : vector<1024x256xf32>
    %get3A_42 = arith.constant 0 : index
    %get3A_43 = arith.constant 0 : index
    %get3A_44 = vector.load %arg4[%get3A_42, %get3A_43] : memref<256x128xf32, #tpu.memory_space<vmem>>, vector<256x128xf32>
    %dot_general3A = arith.constant dense<0.000000e+00> : vector<1024x128xf32>
    %dot_general3A_45 = tpu.matmul %max3A_41, %get3A_44, %dot_general3A {dimension_numbers = #tpu.dot_dimension_numbers<[1], [0], [0], [1], [0, 0, 1, 1], [], []>, transpose_lhs_hint = false} : vector<1024x256xf32>, vector<256x128xf32>, vector<1024x128xf32> -> vector<1024x128xf32>
    %get3A_46 = arith.constant 0 : index
    %get3A_47 = arith.constant 0 : index
    %get3A_48 = vector.load %arg6[%get3A_46, %get3A_47] : memref<1x128xf32, #tpu.memory_space<vmem>>, vector<1x128xf32>
    %get3A_49 = vector.shape_cast %get3A_48 : vector<1x128xf32> to vector<128xf32>
    %broadcast_in_dim3A_50 = vector.shape_cast %get3A_49 : vector<128xf32> to vector<1x128xf32>
    %add3A_51 = vector.broadcast %broadcast_in_dim3A_50 : vector<1x128xf32> to vector<1024x128xf32>
    %add3A_52 = arith.addf %dot_general3A_45, %add3A_51 : vector<1024x128xf32>
    %logistic3A = arith.negf %add3A_52 : vector<1024x128xf32>
    %logistic3A_53 = math.exp %logistic3A : vector<1024x128xf32>
    %logistic3A_54 = arith.constant 1.000000e+00 : f32
    %logistic3A_55 = vector.broadcast %logistic3A_54 : f32 to vector<1024x128xf32>
    %logistic3A_56 = arith.addf %logistic3A_55, %logistic3A_53 : vector<1024x128xf32>
    %logistic3A_57 = arith.divf %logistic3A_55, %logistic3A_56 : vector<1024x128xf32>
    %swap3A = arith.constant 0 : index
    %swap3A_58 = arith.constant 0 : index
    %swap3A_59 = vector.load %arg7[%swap3A, %swap3A_58] : memref<1024x128xf32, #tpu.memory_space<vmem>>, vector<1024x128xf32>
    tpu.vector_store %arg7[%swap3A, %swap3A_58], %logistic3A_57 {strides = array<i32>} : memref<1024x128xf32, #tpu.memory_space<vmem>>, vector<1024x128xf32>,
    return
  }
  func.func @transform_0(%arg0: i32) -> (i32, i32, i32) {
    %c0_i32 = arith.constant 0 : i32
    %c0_i32_0 = arith.constant 0 : i32
    %c0_i32_1 = arith.constant 0 : i32
    return %c0_i32, %arg0, %c0_i32_0 : i32, i32, i32
  }
  func.func @transform_1(%arg0: i32) -> (i32, i32, i32) {
    %c0_i32 = arith.constant 0 : i32
    %c0_i32_0 = arith.constant 0 : i32
    %c0_i32_1 = arith.constant 0 : i32
    return %c0_i32, %arg0, %c0_i32_0 : i32, i32, i32
  }
  func.func @transform_2(%arg0: i32) -> (i32, i32, i32) {
    %c0_i32 = arith.constant 0 : i32
    %c0_i32_0 = arith.constant 0 : i32
    %c0_i32_1 = arith.constant 0 : i32
    return %c0_i32, %arg0, %c0_i32_0 : i32, i32, i32
  }
  func.func @transform_3(%arg0: i32) -> (i32, i32) {
    %c0_i32 = arith.constant 0 : i32
    %c0_i32_0 = arith.constant 0 : i32
    %c0_i32_1 = arith.constant 0 : i32
    return %c0_i32, %c0_i32_0 : i32, i32
  }
  func.func @transform_4(%arg0: i32) -> (i32, i32) {
    %c0_i32 = arith.constant 0 : i32
    %c0_i32_0 = arith.constant 0 : i32
    %c0_i32_1 = arith.constant 0 : i32
    return %c0_i32, %c0_i32_0 : i32, i32
  }
  func.func @transform_5(%arg0: i32) -> (i32, i32) {
    %c0_i32 = arith.constant 0 : i32
    %c0_i32_0 = arith.constant 0 : i32
    %c0_i32_1 = arith.constant 0 : i32
    return %c0_i32, %c0_i32_0 : i32, i32
  }
  func.func @transform_6(%arg0: i32) -> (i32, i32) {
    %c0_i32 = arith.constant 0 : i32
    %c0_i32_0 = arith.constant 0 : i32
    return %arg0, %c0_i32 : i32, i32
  }
}

</mosaic_0001>

<sc_bundles>
// kernel: kernel.11.cloned.1.call-start
scs
__scs_entry_jumppad:
0x0: {  	(pc) =	sbr.rel $0x88, $3  }
0x1: {  	(tag) =	ssettag $0x0;
	lr =	simm.s32 $0x1  }
0x2: {  	[smem:$0x3F99] =	sst lr;
	_ =	strace $0xD0000000  }
0x3: {  	_ = 	snop  }
0x4: {  	_ = 	snop  }
0x5: {  	_ = 	snop  }
0x6: {  	_ = 	snop  }
0x7: {  	_ = 	snop  }
__scs_overlays_trampoline_lowered:
0x8: {  	[smem:$0x3FA8] =	sst s0  }
0x9: {  	[smem:$0x3FA9] =	sst s1  }
0xa: {  	[smem:$0x3FAA] =	sst s2  }
0xb: {  	[smem:$0x3FAB] =	sst s3  }
0xc: {  	[smem:$0x3FAC] =	sst s4  }
0xd: {  	[smem:$0x3FAD] =	sst s5  }
0xe: {  	[smem:$0x3FAE] =	sst s6  }
0xf: {  	[smem:$0x3FAF] =	sst s7  }
0x10: {  	[smem:$0x3FB0] =	sst s8  }
0x11: {  	[smem:$0x3FB1] =	sst s9;
	s0 =	simm.s32 @!p0 $0x0  }
0x12: {  	s1 =	sld [smem:$0x3F97];
	s0 =	simm.s32 @p0 $0x1  }
0x13: {  	[smem:$0x3FB2] =	sst s0;
	s0 =	simm.s32 @!p1 $0x0  }
0x14: {  	s2 =	sld [smem:$0x3F96];
	s0 =	simm.s32 @p1 $0x1  }
0x15: {  	[smem:$0x3FB3] =	sst s0;
	s0 =	simm.s32 @!p2 $0x0  }
0x16: {  	s3 =	sld [smem:$0x3FDB];
	s0 =	simm.s32 @p2 $0x1  }
0x17: {  	s4 =	simm.s32 $0x1BF5;
	[smem:$0x3FB5] =	sst s0  }
0x18: {  	s0 =	sld [smem:$0x3F98];
	_ =	swait.ge [sflag:s4], $0x0  }
0x19: {  	s7 =	sld [smem:$0x3F99]  }
0x1a: {  	s8 =	sadd.s32 $0xFFFFE003, lr  }
0x1b: {  	s9 =	sadd.s32 $0xFFFFFEF7, lr;
	s5 =	simm.s32 $0xFFFFFFFF;
	p2 =	slt.u32 s8, $0xFFFFF086  }
0x1c: {  	p1 =	slt.u32 s9, $0xF7A;
	s5 =	simm.s32 @!p2 $0x0  }
0x1d: {  	s5 =	simm.s32 @p1 $0x1;
	p0 =	seq.s32 s7, s2  }
0x1e: {  	s7 =	smul.u32 @!p0 $0xF7A, s2;
	p2 =	seq.s32 @!p0 s5, $0x0  }
0x1f: {  	s9 =	smul.u32 $0xF7A, s1;
	s8 =	simm.s32 @!p0 $0x1BF5;
	p2 =	por !p2, p0  }
0x20: {  	[sflag:s8] =	ssyncset.s32 @!p0 $0xFFFFF086;
	s6 =	sadd.s32 @!p0 s3, s7;
	s7 =	simm.s32 @!p0 $0x108  }
0x21: {  	s3 =	sadd.s32 s3, s9;
	s6 =	sadd.s32 @!p0 $0x88, s6;
	s7 =	simm.s32 @p2 $0x1082  }
0x22: {  	[simem:s7], [sflag:s8] =	dma.local @!p0 [hbm:s6], $0xF7A  }
0x23: {  	s9 =	sor.u32 $0xD0000000, s2;
	s6 =	simm.s32 $0x108;
	_ =	swait.ge @!p0 [sflag:s8], $0x0  }
0x24: {  	s3 =	sadd.s32 $0x88, s3;
	s6 =	simm.s32 @!p1 $0x1082;
	[sflag:s4] =	ssyncset.s32 $0xFFFFF086  }
0x25: {  	[simem:s6], [sflag:s4] =	dma.local [hbm:s3], $0xF7A  }
0x26: {  	[smem:$0x3F99] =	sst s1;
	(tag) =	ssettag s2;
	_ =	strace s9  }
0x27: {  	s1 =	sld [smem:$0x3FA9]  }
0x28: {  	s2 =	sld [smem:$0x3FAA]  }
0x29: {  	s4 =	sld [smem:$0x3FAC]  }
0x2a: {  	p0 =	seq.s32 s5, $0x0;
	s5 =	sld [smem:$0x3FAD]  }
0x2b: {  	s6 =	sld [smem:$0x3FAE]  }
0x2c: {  	s7 =	sld [smem:$0x3FAF]  }
0x2d: {  	s3 =	simm.s32 $0x108;
	s8 =	sld [smem:$0x3FB0]  }
0x2e: {  	s3 =	simm.s32 @!p0 $0x1082;
	s9 =	sld [smem:$0x3FB1]  }
0x2f: {  	lr =	sadd.s32 s0, s3;
	s0 =	sld [smem:$0x3FA8]  }
0x30: {  	s3 =	sld [smem:$0x3FAB]  }
0x31: {  	[smem:$0x3FB4] =	sst s10  }
0x32: {  	s10 =	sld [smem:$0x3FB2];
	_ =	sdelay $0x3  }
0x33: {  	p0 =	seq.s32 s10, $0x1;
	s10 =	sld [smem:$0x3FB4];
	_ =	sdelay $0x3  }
0x34: {  	[smem:$0x3FB4] =	sst s10  }
0x35: {  	s10 =	sld [smem:$0x3FB3];
	_ =	sdelay $0x3  }
0x36: {  	p1 =	seq.s32 s10, $0x1;
	s10 =	sld [smem:$0x3FB4];
	_ =	sdelay $0x3  }
0x37: {  	[smem:$0x3FB4] =	sst s10  }
0x38: {  	s10 =	sld [smem:$0x3FB5]  }
0x39: {  	_ = 	snop;
	(pc) =	sbr.ind lr, $3  }
0x3a: {  	_ = 	snop  }
0x3b: {  	_ = 	snop  }
0x3c: {  	p2 =	seq.s32 s10, $0x1;
	s10 =	sld [smem:$0x3FB4]  }
0x3d: {  	_ =	shalt  }
0x3e: {  	_ =	shalt  }
0x3f: {  	_ =	shalt  }
0x40: {  	_ =	shalt  }
0x41: {  	_ =	shalt  }
0x42: {  	_ =	shalt  }
0x43: {  	_ =	shalt  }
0x44: {  	_ =	shalt  }
0x45: {  	_ =	shalt  }
0x46: {  	_ =	shalt  }
0x47: {  	_ =	shalt  }
0x48: {  	_ =	shalt  }
0x49: {  	_ =	shalt  }
0x4a: {  	_ =	shalt  }
0x4b: {  	_ =	shalt  }
0x4c: {  	_ =	shalt  }
0x4d: {  	_ =	shalt  }
0x4e: {  	_ =	shalt  }
0x4f: {  	_ =	shalt  }
0x50: {  	_ =	shalt  }
0x51: {  	_ =	shalt  }
0x52: {  	_ =	shalt  }
0x53: {  	_ =	shalt  }
0x54: {  	_ =	shalt  }
0x55: {  	_ =	shalt  }
0x56: {  	_ =	shalt  }
0x57: {  	_ =	shalt  }
0x58: {  	_ =	shalt  }
0x59: {  	_ =	shalt  }
0x5a: {  	_ =	shalt  }
0x5b: {  	_ =	shalt  }
0x5c: {  	_ =	shalt  }
0x5d: {  	_ =	shalt  }
0x5e: {  	_ =	shalt  }
0x5f: {  	_ =	shalt  }
0x60: {  	_ =	shalt  }
0x61: {  	_ =	shalt  }
0x62: {  	_ =	shalt  }
0x63: {  	_ =	shalt  }
0x64: {  	_ =	shalt  }
0x65: {  	_ =	shalt  }
0x66: {  	_ =	shalt  }
0x67: {  	_ =	shalt  }
0x68: {  	_ =	shalt  }
0x69: {  	_ =	shalt  }
0x6a: {  	_ =	shalt  }
0x6b: {  	_ =	shalt  }
0x6c: {  	_ =	shalt  }
0x6d: {  	_ =	shalt  }
0x6e: {  	_ =	shalt  }
0x6f: {  	_ =	shalt  }
0x70: {  	_ =	shalt  }
0x71: {  	_ =	shalt  }
0x72: {  	_ =	shalt  }
0x73: {  	_ =	shalt  }
0x74: {  	_ =	shalt  }
0x75: {  	_ =	shalt  }
0x76: {  	_ =	shalt  }
0x77: {  	_ =	shalt  }
0x78: {  	_ =	shalt  }
0x79: {  	_ =	shalt  }
0x7a: {  	_ =	shalt  }
0x7b: {  	_ =	shalt  }
0x7c: {  	_ =	shalt  }
0x7d: {  	_ =	shalt  }
0x7e: {  	_ =	shalt  }
0x7f: {  	_ =	shalt  }
0x80: {  	_ =	shalt  }
0x81: {  	_ =	shalt  }
0x82: {  	_ =	shalt  }
0x83: {  	_ =	shalt  }
0x84: {  	_ =	shalt  }
0x85: {  	_ =	shalt  }
0x86: {  	_ =	shalt  }
0x87: {  	_ =	shalt  }
.Lfunc_end0:
.L_simem_size_0:
called_computation.1_lowered:
.L_overlay_start_0:
0x88: {  	s2 =	sld [smem:$0x3FD9]  }
0x89: {  	s3 =	sld [smem:$0x3FFE];
	_ =	sdelay $0x1  }
0x8a: {  	s1 =	srdreg.scid  }
0x8b: {  	s0 =	sand.u32 $0x1, s1  }
0x8c: {  	s17 =	sshll.u32 s0, $0xA;
	s2 =	sadd.s32 s3, s2  }
0x8d: {  	s2 =	sadd.s32 s2, s17  }
0x8e: {  	[smem:$0x3FC0] =	sst s2  }
0x8f: {  	_ = 	snop  }
0x90: {  	s2 =	sld [smem:$0x3FD0];
	(tm) =	ssettm $0x1  }
0x91: {  	s18 =	sld [smem:$0x3FFB];
	_ =	sdelay $0x3  }
0x92: {  	_ =	strace s18  }
0x93: {  	s3 =	sld [smem:$0x3FFC];
	_ =	sdelay $0x3  }
0x94: {  	_ =	strace s3  }
0x95: {  	s3 =	sld [smem:$0x3FFD];
	_ =	sdelay $0x3  }
0x96: {  	_ =	strace s3  }
0x97: {  	_ =	strace $0x8FFFFFFF  }
0x98: {  	s19 =	sld [smem:$0x3FDB];
	_ =	sdelay $0x1  }
0x99: {  	s4 =	simm.s32 $_scs_section_size  }
0x9a: {  	s5 =	simm.s32 $_size__tile_overlayer_lowered;
	s6 =	simm.s32 $_tile_overlayer_lowered  }
0x9b: {  	s22 =	simm.s32 $0x1BFF;
	s21 =	sshll.u32 s6, $0x1;
	s3 =	sadd.s32 s4, s19  }
0x9c: {  	s7 =	simm.s32 $0x0;
	s20 =	sshll.u32 s5, $0x1;
	s5 =	sadd.s32 s21, s3  }
0x9d: {  	[timem:s7], [sflag:s22] =	dma.local [hbm:s5], s20  }
0x9e: {  	_ =	swait.ge [sflag:s22], s20  }
0x9f: {  	s4 =	ssub.s32 $0x0, s20;
	[sflag:s22] =	ssyncset.done $0x0  }
0xa0: {  	[sflag:s22] =	ssyncadd.s32 s4;
	_ =	sdelay $0x1  }
0xa1: {  	s23 =	simm.s32 $0x1B8B  }
0xa2: {  	_ =	swait.ge [sflag:s23], $0x1  }
0xa3: {  	[sflag:s23] =	ssyncset.done $0x0  }
0xa4: {  	s25 =	simm.s32 $0x1B8E;
	s24 =	sld [smem:$0x3FFE];
	[sflag:s23] =	ssyncadd.s32 $0xFFFFFFFF  }
0xa5: {  	s26 =	simm.s32 $execute0_lowered;
	[smem:$0x3FD2] =	sst s25  }
0xa6: {  	s5 =	sshll.u32 s26, $0x1;
	_ =	strace $0x80000049;
	[dreg:$0x1] =	wrdreg $0xFFFFFFFF  }
0xa7: {  	s28 =	simm.s32 $_size_execute0_lowered;
	s3 =	sadd.s32 s3, s5;
	[dreg:$0x0] =	wrdreg $0x0  }
0xa8: {  	s5 =	sshll.u32 s28, $0x1;
	[dreg:$0x2] =	wrdreg s3  }
0xa9: {  	[dreg:$0x3] =	wrdreg s5  }
0xaa: {  	[dreg:$0x4] =	wrdreg $0xC0  }
0xab: {  	_ =	task [dreg:s7], $0x5FFFF  }
0xac: {  	[dreg:$0x1] =	wrdreg $0xFFFFFFFF  }
0xad: {  	[dreg:$0x0] =	wrdreg $0x60  }
0xae: {  	[dreg:$0x2] =	wrdreg s24  }
0xaf: {  	[dreg:$0x3] =	wrdreg s2  }
0xb0: {  	[dreg:$0x4] =	wrdreg $0xB7000  }
0xb1: {  	[dreg:$0x5] =	wrdreg $0x9  }
0xb2: {  	_ =	task.clear_ibuf [dreg:s7], $0x6FFFF;
	_ =	strace $0x90000049  }
0xb3: {  	s29 =	simm.s32 $0x9;
	_ =	strace $0x8000004B  }
0xb4: {  	_ =	swait.ge [sflag:s29], $0x1  }
0xb5: {  	[sflag:s29] =	ssyncadd.s32 $0xFFFFFFFF  }
0xb6: {  	_ =	strace $0x9000004B  }
0xb7: {  	_ =	sfence  }
0xb8: {  	s30 =	sld [smem:$0x0];
	_ =	sdelay $0x2  }
0xb9: {  	s31 =	sshll.u32 s1, $0xD;
	s1 =	sshrl.u32 s1, $0x2  }
0xba: {  	s3 =	sand.u32 $0x4000, s31;
	s1 =	sadd.s32 s1, s30  }
0xbb: {  	s0 =	sor.u32 s3, s0;
	s1 =	sshll.u32 s1, $0x11  }
0xbc: {  	s0 =	sor.u32 s1, s0  }
0xbd: {  	s0 =	sadd.s32 $0x8F2B, s0  }
0xbe: {  	[sflag:s0] =	ssyncadd.remote.s32 $0x1  }
0xbf: {  	_ =	sfence.sel $0xFFFF  }
0xc0: {  	[dreg:$0x0] =	wrdreg $0xFFFFFFFF;
	(pc) =	sbr.abs _section_cstart, $3  }
0xc1: {  	[dreg:$0x1] =	wrdreg $0xFFFFFFFF  }
0xc2: {  	_ =	task.clear_ibuf [dreg:s7], $0x2FFFF;
	_ =	strace $0x9FFFFFFF  }
0xc3: {  	(tm) =	ssettm $0x7FFFFFFF  }
tec
execute0_lowered:
.L_overlay_start_1:
0x0: {  	(tag) =	ssettag $0x1  }
0x1: {  	s5 =	rddreg [dreg:$0x0]  }
0x2: {  	s6 =	rddreg [dreg:$0x1]  }
0x3: {  	s1 =	rddreg [dreg:$0x2];
	s2 =	srdreg.scid  }
0x4: {  	s0 =	rddreg [dreg:$0x3];
	s3 =	simm.s32 $0x0;
	s14 =	simm.s32 $0x1  }
0x5: {  	s15 =	simm.s32 $0x100;
	s16 =	simm.s32 $0x3F00;
	s17 =	simm.s32 $0x80  }
0x6: {  	s18 =	simm.s32 $0x2;
	s19 =	simm.s32 $0x200;
	s20 =	simm.s32 $0x7B00  }
0x7: {  	s21 =	simm.s32 $0x180;
	s22 =	simm.s32 $0x3;
	s7 =	sand.u32 $0x1, s2  }
0x8: {  	s23 =	simm.s32 $0x280;
	s2 =	stileid.u32;
	s8 =	smul.u32 $0x140000, s7  }
0x9: {  	s24 =	simm.s32 $0x0;
	[smem:$0x7FF] =	sst s3;
	s9 =	smul.u32 $0x14000, s2  }
0xa: {  	_ =	strace $0x8000004A;
	s7 =	ssub.s32 $0x2, s7;
	s28 =	smul.u32 $0x50000, s2  }
0xb: {  	s11 =	smul.u32 $0x1560, s2;
	s31 =	sshll.u32 s2, $0x6;
	s29 =	sshrl.u32 s7, $0x1  }
0xc: {  	s4 =	sshrl.u32 s8, $0x3;
	s8 =	sadd.s32 s9, s8;
	s12 =	ssub.s32 s7, s29  }
0xd: {  	s30 =	sshrl.u32 s28, $0x2;
	s6 =	sadd.s32 s6, s11;
	s11 =	simm.s32 $0x4  }
0xe: {  	s10 =	sadd.s32 s4, s5;
	s4 =	sadd.s32 $0x2200, s5;
	s8 =	sshrl.u32 s8, $0x3  }
0xf: {  	s13 =	sadd.s32 s30, s1;
	s9 =	smax.u32 s12, $0x1;
	s12 =	simm.s32 $0x78  }
0x10: {  	s8 =	sadd.s32 s8, s5;
	s5 =	sor.u32 $0x1C04, s31;
	s7 =	sadd.s32 $0x68A00, s10  }
0x11: {  	s10 =	sshrl.u32 s13, $0x3;
	s13 =	simm.s32 $0x300;
	s8 =	sadd.s32 $0xB8A00, s8  }
.LBB2_1:
0x12: {  	[spmem:s10], [sflag:s5] =	dma.local [hbm:s4], $0x2800  }
0x13: {  	_ =	swait.ge [sflag:s11], $0x2800  }
0x14: {  	[sflag:s11] =	ssyncset.done $0x0  }
0x15: {  	[sflag:s11] =	ssyncadd.s32 $0xFFFFD800  }
0x16: {  	[bflag:$0x0] =	sbarrier.arrive $0xFFFF  }
0x17: {  	[tilespmem:s3], [sflag:$0x4] =	stream.linear.gather [hbm4b:s6+s3], $0x100, $0x38;
	[tilespmem:$0x1F700] =	vst v63  }
0x18: {  	_ =	swait.ge [sflag:s11], $0x100  }
0x19: {  	[sflag:s11] =	ssyncset.done $0x0  }
0x1a: {  	[sflag:s11] =	ssyncadd.s32 $0xFFFFFF00  }
0x1b: {  	[tilespmem:s13], [sflag:$0x1] =	stream.indirect.gather [hbm4b:s7+s12], $0x80, s3, s12, $0xb8;
	[tilespmem:$0x1F700] =	vst v63  }
0x1c: {  	_ =	swait.ge [sflag:s14], $0x3C00  }
0x1d: {  	s25 =	sadd.s32 $0xFFFFEAA0, s6;
	[sflag:s14] =	ssyncset.done $0x0  }
0x1e: {  	s26 =	sadd.s32 $0x1580, s25;
	[sflag:s14] =	ssyncadd.s32 $0xFFFFC400  }
0x1f: {  	[tilespmem:s15], [sflag:$0x4] =	stream.linear.gather [hbm4b:s26+s3], $0x100, $0x38;
	[tilespmem:$0x1F700] =	vst v63  }
0x20: {  	_ =	swait.ge [sflag:s11], $0x100  }
0x21: {  	[sflag:s11] =	ssyncset.done $0x0  }
0x22: {  	[sflag:s11] =	ssyncadd.s32 $0xFFFFFF00  }
0x23: {  	[tilespmem:s16], [sflag:$0x2] =	stream.indirect.gather [hbm4b:s7+s12], $0x80, s15, s12, $0xb8;
	[tilespmem:$0x1F700] =	vst v63  }
0x24: {  	_ = 	snop  }
0x25: {  	[spmem:s1] =	stream.indirect.scatter.add.f32 [tilespmem:s13], [sflag:$0x4], $0x80, s17, s12, $0xb8;
	[tilespmem:$0x1F700] =	vst v63  }
0x26: {  	_ =	swait.ge [sflag:s11], $0x3C00  }
0x27: {  	[sflag:s11] =	ssyncset.done $0x0  }
0x28: {  	[sflag:s11] =	ssyncadd.s32 $0xFFFFC400  }
0x29: {  	_ =	swait.ge [sflag:s18], $0x3C00  }
0x2a: {  	[sflag:s18] =	ssyncset.done $0x0  }
0x2b: {  	s31 =	sadd.s32 $0x15A0, s25;
	[sflag:s18] =	ssyncadd.s32 $0xFFFFC400  }
0x2c: {  	[tilespmem:s19], [sflag:$0x4] =	stream.linear.gather [hbm4b:s31+s3], $0x100, $0x38;
	[tilespmem:$0x1F700] =	vst v63  }
0x2d: {  	_ =	swait.ge [sflag:s11], $0x100  }
0x2e: {  	[sflag:s11] =	ssyncset.done $0x0  }
0x2f: {  	[sflag:s11] =	ssyncadd.s32 $0xFFFFFF00  }
0x30: {  	[tilespmem:s20], [sflag:$0x3] =	stream.indirect.gather [hbm4b:s7+s12], $0x80, s19, s12, $0xb8;
	[tilespmem:$0x1F700] =	vst v63  }
0x31: {  	_ = 	snop  }
0x32: {  	[spmem:s1] =	stream.indirect.scatter.add.f32 [tilespmem:s16], [sflag:$0x4], $0x80, s21, s12, $0xb8;
	[tilespmem:$0x1F700] =	vst v63  }
0x33: {  	_ =	swait.ge [sflag:s11], $0x3C00  }
0x34: {  	[sflag:s11] =	ssyncset.done $0x0  }
0x35: {  	[sflag:s11] =	ssyncadd.s32 $0xFFFFC400  }
0x36: {  	_ =	swait.ge [sflag:s22], $0x3C00  }
0x37: {  	[sflag:s22] =	ssyncset.done $0x0  }
0x38: {  	s25 =	sadd.s32 $0x15C0, s25;
	[sflag:s22] =	ssyncadd.s32 $0xFFFFC400  }
0x39: {  	[tilespmem:s3], [sflag:$0x4] =	stream.linear.gather [hbm4b:s25+s3], $0x100, $0x38;
	[tilespmem:$0x1F700] =	vst v63  }
0x3a: {  	_ =	swait.ge [sflag:s11], $0x100  }
0x3b: {  	[sflag:s11] =	ssyncset.done $0x0  }
0x3c: {  	[sflag:s11] =	ssyncadd.s32 $0xFFFFFF00  }
0x3d: {  	[tilespmem:s13], [sflag:$0x1] =	stream.indirect.gather [hbm4b:s7+s12], $0x80, s3, s12, $0xb8;
	[tilespmem:$0x1F700] =	vst v63  }
0x3e: {  	_ = 	snop  }
0x3f: {  	[spmem:s1] =	stream.indirect.scatter.add.f32 [tilespmem:s20], [sflag:$0x4], $0x80, s23, s12, $0xb8;
	[tilespmem:$0x1F700] =	vst v63  }
0x40: {  	_ =	swait.ge [sflag:s11], $0x3C00  }
0x41: {  	s25 =	simm.s32 $0xFFFFEB00;
	[sflag:s11] =	ssyncset.done $0x0  }
.LBB2_2:
0x42: {  	p0 =	sne.s32 s25, $0xFFFFFFA0  }
0x43: {  	[sflag:s11] =	ssyncadd.s32 $0xFFFFC400;
	s26 =	smov.u32 s25;
	s25 =	sadd.s32 $0x60, s25  }
0x44: {  	_ = 	snop  }
0x45: {  	_ =	swait.ge [sflag:s14], $0x3C00  }
0x46: {  	s26 =	sadd.s32 s26, s6;
	[sflag:s14] =	ssyncset.done $0x0  }
0x47: {  	s28 =	sadd.s32 $0x1580, s26;
	[sflag:s14] =	ssyncadd.s32 $0xFFFFC400  }
0x48: {  	[tilespmem:s15], [sflag:$0x4] =	stream.linear.gather [hbm4b:s28+s3], $0x100, $0x38;
	[tilespmem:$0x1F700] =	vst v63  }
0x49: {  	_ =	swait.ge [sflag:s11], $0x100  }
0x4a: {  	[sflag:s11] =	ssyncset.done $0x0  }
0x4b: {  	[sflag:s11] =	ssyncadd.s32 $0xFFFFFF00  }
0x4c: {  	[tilespmem:s16], [sflag:$0x2] =	stream.indirect.gather [hbm4b:s7+s12], $0x80, s15, s12, $0xb8;
	[tilespmem:$0x1F700] =	vst v63  }
0x4d: {  	_ = 	snop  }
0x4e: {  	[spmem:s1] =	stream.indirect.scatter.add.f32 [tilespmem:s13], [sflag:$0x4], $0x80, s17, s12, $0xb8;
	[tilespmem:$0x1F700] =	vst v63  }
0x4f: {  	_ =	swait.ge [sflag:s11], $0x3C00  }
0x50: {  	[sflag:s11] =	ssyncset.done $0x0  }
0x51: {  	[sflag:s11] =	ssyncadd.s32 $0xFFFFC400  }
0x52: {  	_ =	swait.ge [sflag:s18], $0x3C00  }
0x53: {  	[sflag:s18] =	ssyncset.done $0x0  }
0x54: {  	s28 =	sadd.s32 $0x15A0, s26;
	[sflag:s18] =	ssyncadd.s32 $0xFFFFC400  }
0x55: {  	[tilespmem:s19], [sflag:$0x4] =	stream.linear.gather [hbm4b:s28+s3], $0x100, $0x38;
	[tilespmem:$0x1F700] =	vst v63  }
0x56: {  	_ =	swait.ge [sflag:s11], $0x100  }
0x57: {  	[sflag:s11] =	ssyncset.done $0x0  }
0x58: {  	[sflag:s11] =	ssyncadd.s32 $0xFFFFFF00  }
0x59: {  	[tilespmem:s20], [sflag:$0x3] =	stream.indirect.gather [hbm4b:s7+s12], $0x80, s19, s12, $0xb8;
	[tilespmem:$0x1F700] =	vst v63  }
0x5a: {  	_ = 	snop  }
0x5b: {  	[spmem:s1] =	stream.indirect.scatter.add.f32 [tilespmem:s16], [sflag:$0x4], $0x80, s21, s12, $0xb8;
	[tilespmem:$0x1F700] =	vst v63  }
0x5c: {  	_ =	swait.ge [sflag:s11], $0x3C00  }
0x5d: {  	[sflag:s11] =	ssyncset.done $0x0  }
0x5e: {  	[sflag:s11] =	ssyncadd.s32 $0xFFFFC400  }
0x5f: {  	_ =	swait.ge [sflag:s22], $0x3C00  }
0x60: {  	[sflag:s22] =	ssyncset.done $0x0  }
0x61: {  	s26 =	sadd.s32 $0x15C0, s26;
	[sflag:s22] =	ssyncadd.s32 $0xFFFFC400  }
0x62: {  	[tilespmem:s3], [sflag:$0x4] =	stream.linear.gather [hbm4b:s26+s3], $0x100, $0x38;
	[tilespmem:$0x1F700] =	vst v63  }
0x63: {  	_ =	swait.ge [sflag:s11], $0x100  }
0x64: {  	[sflag:s11] =	ssyncset.done $0x0  }
0x65: {  	[sflag:s11] =	ssyncadd.s32 $0xFFFFFF00  }
0x66: {  	[tilespmem:s13], [sflag:$0x1] =	stream.indirect.gather [hbm4b:s7+s12], $0x80, s3, s12, $0xb8;
	[tilespmem:$0x1F700] =	vst v63  }
.Ltmp0:
0x67: {  	_ = 	snop;
	(pc) =	sbr.rel @p0 .LBB2_2-.Ltmp0, $4  }
0x68: {  	_ = 	snop  }
0x69: {  	[spmem:s1] =	stream.indirect.scatter.add.f32 [tilespmem:s20], [sflag:$0x4], $0x80, s23, s12, $0xb8;
	[tilespmem:$0x1F700] =	vst v63  }
0x6a: {  	_ =	swait.ge [sflag:s11], $0x3C00  }
0x6b: {  	[sflag:s11] =	ssyncset.done $0x0  }
0x6c: {  	[sflag:s11] =	ssyncadd.s32 $0xFFFFC400  }
0x6d: {  	_ =	swait.ge [sflag:s14], $0x3C00  }
0x6e: {  	s24 =	sadd.s32 $0x1, s24;
	[sflag:s14] =	ssyncset.done $0x0  }
0x6f: {  	p0 =	sne.s32 s24, s9;
	[sflag:s14] =	ssyncadd.s32 $0xFFFFC400  }
.Ltmp1:
0x70: {  	[bflag:$0x0] =	sbarrier.arrive $0xFFFF;
	(pc) =	sbr.rel @p0 .LBB2_1-.Ltmp1, $4  }
0x71: {  	[hbm:s8], [sflag:s5] =	dma.local [spmem:s10], $0x2800  }
0x72: {  	_ =	swait.ge [sflag:s11], $0x2800  }
0x73: {  	[sflag:s11] =	ssyncset.done $0x0  }
0x74: {  	[sflag:s11] =	ssyncadd.s32 $0xFFFFD800  }
0x75: {  	_ =	sfence.sel $0x180000  }
0x76: {  	[bflag:$0x0] =	sbarrier.arrive $0xFFFF  }
0x77: {  	p0 =	sne.s32 s2, $0x0;
	_ =	strace $0x9000004A  }
0x78: {  	s0 =	sadd.s32 @!p0 $0x100000, s0;
	[bflag:$0x2] =	sbarrier.arrive $0xFFFF  }
0x79: {  	[sflag:s0] =	ssyncadd.tile.s32 @!p0 $0x1;
	_ =	shalt  }
.Lfunc_end2:
_tile_overlayer_lowered:
.L_overlay_start_2:
0x7a: {  	(tag) =	ssettag $0x2  }
0x7b: {  	s0 =	rddreg [dreg:$0x0];
	s2 =	stileid.u32  }
0x7c: {  	s1 =	rddreg [dreg:$0x1];
	p0 =	sne.s32 s2, $0x0  }
0x7d: {  	s3 =	rddreg [dreg:$0x2];
	[bflag:$0x3] =	sbarrier.arrive $0xFFFF;
	s2 =	simm.s32 @!p0 $0x1C04  }
0x7e: {  	[timem:s3], [sflag:s2] =	dma.local @!p0 [hbm:s0], s1  }
0x7f: {  	s0 =	simm.s32 @!p0 $0x4  }
0x80: {  	_ =	swait.ge @!p0 [sflag:s0], s1  }
0x81: {  	s1 =	ssub.s32 @!p0 $0x0, s1;
	[sflag:s0] =	ssyncset.done @!p0 $0x0  }
0x82: {  	[sflag:s0] =	ssyncadd.s32 @!p0 s1  }
0x83: {  	[bflag:$0x3] =	sbarrier.arrive $0xFFFF  }
0x84: {  	_ =	shalt  }

// kernel: kernel.14.cloned.1.call-start
scs
__scs_entry_jumppad:
0x0: {  	(pc) =	sbr.rel $0x88, $3  }
0x1: {  	(tag) =	ssettag $0x0;
	lr =	simm.s32 $0x1  }
0x2: {  	[smem:$0x3F99] =	sst lr;
	_ =	strace $0xD0000000  }
0x3: {  	_ = 	snop  }
0x4: {  	_ = 	snop  }
0x5: {  	_ = 	snop  }
0x6: {  	_ = 	snop  }
0x7: {  	_ = 	snop  }
__scs_overlays_trampoline_lowered:
0x8: {  	[smem:$0x3FA8] =	sst s0  }
0x9: {  	[smem:$0x3FA9] =	sst s1  }
0xa: {  	[smem:$0x3FAA] =	sst s2  }
0xb: {  	[smem:$0x3FAB] =	sst s3  }
0xc: {  	[smem:$0x3FAC] =	sst s4  }
0xd: {  	[smem:$0x3FAD] =	sst s5  }
0xe: {  	[smem:$0x3FAE] =	sst s6  }
0xf: {  	[smem:$0x3FAF] =	sst s7  }
0x10: {  	[smem:$0x3FB0] =	sst s8  }
0x11: {  	[smem:$0x3FB1] =	sst s9;
	s0 =	simm.s32 @!p0 $0x0  }
0x12: {  	s1 =	sld [smem:$0x3F97];
	s0 =	simm.s32 @p0 $0x1  }
0x13: {  	[smem:$0x3FB2] =	sst s0;
	s0 =	simm.s32 @!p1 $0x0  }
0x14: {  	s2 =	sld [smem:$0x3F96];
	s0 =	simm.s32 @p1 $0x1  }
0x15: {  	[smem:$0x3FB3] =	sst s0;
	s0 =	simm.s32 @!p2 $0x0  }
0x16: {  	s3 =	sld [smem:$0x3FDB];
	s0 =	simm.s32 @p2 $0x1  }
0x17: {  	s4 =	simm.s32 $0x1BF5;
	[smem:$0x3FB5] =	sst s0  }
0x18: {  	s0 =	sld [smem:$0x3F98];
	_ =	swait.ge [sflag:s4], $0x0  }
0x19: {  	s7 =	sld [smem:$0x3F99]  }
0x1a: {  	s8 =	sadd.s32 $0xFFFFE003, lr  }
0x1b: {  	s9 =	sadd.s32 $0xFFFFFEF7, lr;
	s5 =	simm.s32 $0xFFFFFFFF;
	p2 =	slt.u32 s8, $0xFFFFF086  }
0x1c: {  	p1 =	slt.u32 s9, $0xF7A;
	s5 =	simm.s32 @!p2 $0x0  }
0x1d: {  	s5 =	simm.s32 @p1 $0x1;
	p0 =	seq.s32 s7, s2  }
0x1e: {  	s7 =	smul.u32 @!p0 $0xF7A, s2;
	p2 =	seq.s32 @!p0 s5, $0x0  }
0x1f: {  	s9 =	smul.u32 $0xF7A, s1;
	s8 =	simm.s32 @!p0 $0x1BF5;
	p2 =	por !p2, p0  }
0x20: {  	[sflag:s8] =	ssyncset.s32 @!p0 $0xFFFFF086;
	s6 =	sadd.s32 @!p0 s3, s7;
	s7 =	simm.s32 @!p0 $0x108  }
0x21: {  	s3 =	sadd.s32 s3, s9;
	s6 =	sadd.s32 @!p0 $0x88, s6;
	s7 =	simm.s32 @p2 $0x1082  }
0x22: {  	[simem:s7], [sflag:s8] =	dma.local @!p0 [hbm:s6], $0xF7A  }
0x23: {  	s9 =	sor.u32 $0xD0000000, s2;
	s6 =	simm.s32 $0x108;
	_ =	swait.ge @!p0 [sflag:s8], $0x0  }
0x24: {  	s3 =	sadd.s32 $0x88, s3;
	s6 =	simm.s32 @!p1 $0x1082;
	[sflag:s4] =	ssyncset.s32 $0xFFFFF086  }
0x25: {  	[simem:s6], [sflag:s4] =	dma.local [hbm:s3], $0xF7A  }
0x26: {  	[smem:$0x3F99] =	sst s1;
	(tag) =	ssettag s2;
	_ =	strace s9  }
0x27: {  	s1 =	sld [smem:$0x3FA9]  }
0x28: {  	s2 =	sld [smem:$0x3FAA]  }
0x29: {  	s4 =	sld [smem:$0x3FAC]  }
0x2a: {  	p0 =	seq.s32 s5, $0x0;
	s5 =	sld [smem:$0x3FAD]  }
0x2b: {  	s6 =	sld [smem:$0x3FAE]  }
0x2c: {  	s7 =	sld [smem:$0x3FAF]  }
0x2d: {  	s3 =	simm.s32 $0x108;
	s8 =	sld [smem:$0x3FB0]  }
0x2e: {  	s3 =	simm.s32 @!p0 $0x1082;
	s9 =	sld [smem:$0x3FB1]  }
0x2f: {  	lr =	sadd.s32 s0, s3;
	s0 =	sld [smem:$0x3FA8]  }
0x30: {  	s3 =	sld [smem:$0x3FAB]  }
0x31: {  	[smem:$0x3FB4] =	sst s10  }
0x32: {  	s10 =	sld [smem:$0x3FB2];
	_ =	sdelay $0x3  }
0x33: {  	p0 =	seq.s32 s10, $0x1;
	s10 =	sld [smem:$0x3FB4];
	_ =	sdelay $0x3  }
0x34: {  	[smem:$0x3FB4] =	sst s10  }
0x35: {  	s10 =	sld [smem:$0x3FB3];
	_ =	sdelay $0x3  }
0x36: {  	p1 =	seq.s32 s10, $0x1;
	s10 =	sld [smem:$0x3FB4];
	_ =	sdelay $0x3  }
0x37: {  	[smem:$0x3FB4] =	sst s10  }
0x38: {  	s10 =	sld [smem:$0x3FB5]  }
0x39: {  	_ = 	snop;
	(pc) =	sbr.ind lr, $3  }
0x3a: {  	_ = 	snop  }
0x3b: {  	_ = 	snop  }
0x3c: {  	p2 =	seq.s32 s10, $0x1;
	s10 =	sld [smem:$0x3FB4]  }
0x3d: {  	_ =	shalt  }
0x3e: {  	_ =	shalt  }
0x3f: {  	_ =	shalt  }
0x40: {  	_ =	shalt  }
0x41: {  	_ =	shalt  }
0x42: {  	_ =	shalt  }
0x43: {  	_ =	shalt  }
0x44: {  	_ =	shalt  }
0x45: {  	_ =	shalt  }
0x46: {  	_ =	shalt  }
0x47: {  	_ =	shalt  }
0x48: {  	_ =	shalt  }
0x49: {  	_ =	shalt  }
0x4a: {  	_ =	shalt  }
0x4b: {  	_ =	shalt  }
0x4c: {  	_ =	shalt  }
0x4d: {  	_ =	shalt  }
0x4e: {  	_ =	shalt  }
0x4f: {  	_ =	shalt  }
0x50: {  	_ =	shalt  }
0x51: {  	_ =	shalt  }
0x52: {  	_ =	shalt  }
0x53: {  	_ =	shalt  }
0x54: {  	_ =	shalt  }
0x55: {  	_ =	shalt  }
0x56: {  	_ =	shalt  }
0x57: {  	_ =	shalt  }
0x58: {  	_ =	shalt  }
0x59: {  	_ =	shalt  }
0x5a: {  	_ =	shalt  }
0x5b: {  	_ =	shalt  }
0x5c: {  	_ =	shalt  }
0x5d: {  	_ =	shalt  }
0x5e: {  	_ =	shalt  }
0x5f: {  	_ =	shalt  }
0x60: {  	_ =	shalt  }
0x61: {  	_ =	shalt  }
0x62: {  	_ =	shalt  }
0x63: {  	_ =	shalt  }
0x64: {  	_ =	shalt  }
0x65: {  	_ =	shalt  }
0x66: {  	_ =	shalt  }
0x67: {  	_ =	shalt  }
0x68: {  	_ =	shalt  }
0x69: {  	_ =	shalt  }
0x6a: {  	_ =	shalt  }
0x6b: {  	_ =	shalt  }
0x6c: {  	_ =	shalt  }
0x6d: {  	_ =	shalt  }
0x6e: {  	_ =	shalt  }
0x6f: {  	_ =	shalt  }
0x70: {  	_ =	shalt  }
0x71: {  	_ =	shalt  }
0x72: {  	_ =	shalt  }
0x73: {  	_ =	shalt  }
0x74: {  	_ =	shalt  }
0x75: {  	_ =	shalt  }
0x76: {  	_ =	shalt  }
0x77: {  	_ =	shalt  }
0x78: {  	_ =	shalt  }
0x79: {  	_ =	shalt  }
0x7a: {  	_ =	shalt  }
0x7b: {  	_ =	shalt  }
0x7c: {  	_ =	shalt  }
0x7d: {  	_ =	shalt  }
0x7e: {  	_ =	shalt  }
0x7f: {  	_ =	shalt  }
0x80: {  	_ =	shalt  }
0x81: {  	_ =	shalt  }
0x82: {  	_ =	shalt  }
0x83: {  	_ =	shalt  }
0x84: {  	_ =	shalt  }
0x85: {  	_ =	shalt  }
0x86: {  	_ =	shalt  }
0x87: {  	_ =	shalt  }
.Lfunc_end0:
.L_simem_size_0:
called_computation.2_lowered:
.L_overlay_start_0:
0x88: {  	s2 =	sld [smem:$0x3FD9]  }
0x89: {  	s3 =	sld [smem:$0x3FFE];
	_ =	sdelay $0x1  }
0x8a: {  	s1 =	srdreg.scid  }
0x8b: {  	s0 =	sand.u32 $0x1, s1  }
0x8c: {  	s17 =	sshll.u32 s0, $0xA;
	s2 =	sadd.s32 s3, s2  }
0x8d: {  	s2 =	sadd.s32 s2, s17  }
0x8e: {  	[smem:$0x3FC0] =	sst s2  }
0x8f: {  	_ = 	snop  }
0x90: {  	s2 =	sld [smem:$0x3FD0];
	(tm) =	ssettm $0x1  }
0x91: {  	s18 =	sld [smem:$0x3FFB];
	_ =	sdelay $0x3  }
0x92: {  	_ =	strace s18  }
0x93: {  	s3 =	sld [smem:$0x3FFC];
	_ =	sdelay $0x3  }
0x94: {  	_ =	strace s3  }
0x95: {  	s3 =	sld [smem:$0x3FFD];
	_ =	sdelay $0x3  }
0x96: {  	_ =	strace s3  }
0x97: {  	_ =	strace $0x8FFFFFFF  }
0x98: {  	s19 =	sld [smem:$0x3FDB];
	_ =	sdelay $0x1  }
0x99: {  	s4 =	simm.s32 $_scs_section_size  }
0x9a: {  	s5 =	simm.s32 $_size__tile_overlayer_lowered;
	s6 =	simm.s32 $_tile_overlayer_lowered  }
0x9b: {  	s22 =	simm.s32 $0x1BFF;
	s21 =	sshll.u32 s6, $0x1;
	s3 =	sadd.s32 s4, s19  }
0x9c: {  	s7 =	simm.s32 $0x0;
	s20 =	sshll.u32 s5, $0x1;
	s5 =	sadd.s32 s21, s3  }
0x9d: {  	[timem:s7], [sflag:s22] =	dma.local [hbm:s5], s20  }
0x9e: {  	_ =	swait.ge [sflag:s22], s20  }
0x9f: {  	s4 =	ssub.s32 $0x0, s20;
	[sflag:s22] =	ssyncset.done $0x0  }
0xa0: {  	[sflag:s22] =	ssyncadd.s32 s4;
	_ =	sdelay $0x1  }
0xa1: {  	s23 =	simm.s32 $0x1B8B  }
0xa2: {  	_ =	swait.ge [sflag:s23], $0x1  }
0xa3: {  	[sflag:s23] =	ssyncset.done $0x0  }
0xa4: {  	s25 =	simm.s32 $0x1B8E;
	s24 =	sld [smem:$0x3FFE];
	[sflag:s23] =	ssyncadd.s32 $0xFFFFFFFF  }
0xa5: {  	s26 =	simm.s32 $execute0_lowered;
	[smem:$0x3FD2] =	sst s25  }
0xa6: {  	s5 =	sshll.u32 s26, $0x1;
	_ =	strace $0x8000004C;
	[dreg:$0x1] =	wrdreg $0xFFFFFFFF  }
0xa7: {  	s28 =	simm.s32 $_size_execute0_lowered;
	s3 =	sadd.s32 s3, s5;
	[dreg:$0x0] =	wrdreg $0x0  }
0xa8: {  	s5 =	sshll.u32 s28, $0x1;
	[dreg:$0x2] =	wrdreg s3  }
0xa9: {  	[dreg:$0x3] =	wrdreg s5  }
0xaa: {  	[dreg:$0x4] =	wrdreg $0xC0  }
0xab: {  	_ =	task [dreg:s7], $0x5FFFF  }
0xac: {  	[dreg:$0x1] =	wrdreg $0xFFFFFFFF  }
0xad: {  	[dreg:$0x0] =	wrdreg $0x60  }
0xae: {  	[dreg:$0x2] =	wrdreg s24  }
0xaf: {  	[dreg:$0x3] =	wrdreg s2  }
0xb0: {  	[dreg:$0x4] =	wrdreg $0xB7000  }
0xb1: {  	[dreg:$0x5] =	wrdreg $0x9  }
0xb2: {  	_ =	task.clear_ibuf [dreg:s7], $0x6FFFF;
	_ =	strace $0x9000004C  }
0xb3: {  	s29 =	simm.s32 $0x9;
	_ =	strace $0x8000004E  }
0xb4: {  	_ =	swait.ge [sflag:s29], $0x1  }
0xb5: {  	[sflag:s29] =	ssyncadd.s32 $0xFFFFFFFF  }
0xb6: {  	_ =	strace $0x9000004E  }
0xb7: {  	_ =	sfence  }
0xb8: {  	s30 =	sld [smem:$0x0];
	_ =	sdelay $0x2  }
0xb9: {  	s31 =	sshll.u32 s1, $0xD;
	s1 =	sshrl.u32 s1, $0x2  }
0xba: {  	s3 =	sand.u32 $0x4000, s31;
	s1 =	sadd.s32 s1, s30  }
0xbb: {  	s0 =	sor.u32 s3, s0;
	s1 =	sshll.u32 s1, $0x11  }
0xbc: {  	s0 =	sor.u32 s1, s0  }
0xbd: {  	s0 =	sadd.s32 $0x8F2B, s0  }
0xbe: {  	[sflag:s0] =	ssyncadd.remote.s32 $0x1  }
0xbf: {  	_ =	sfence.sel $0xFFFF  }
0xc0: {  	[dreg:$0x0] =	wrdreg $0xFFFFFFFF;
	(pc) =	sbr.abs _section_cstart, $3  }
0xc1: {  	[dreg:$0x1] =	wrdreg $0xFFFFFFFF  }
0xc2: {  	_ =	task.clear_ibuf [dreg:s7], $0x2FFFF;
	_ =	strace $0x9FFFFFFF  }
0xc3: {  	(tm) =	ssettm $0x7FFFFFFF  }
tec
execute0_lowered:
.L_overlay_start_1:
0x0: {  	(tag) =	ssettag $0x1  }
0x1: {  	s5 =	rddreg [dreg:$0x0]  }
0x2: {  	s6 =	rddreg [dreg:$0x1]  }
0x3: {  	s1 =	rddreg [dreg:$0x2];
	s2 =	srdreg.scid  }
0x4: {  	s0 =	rddreg [dreg:$0x3];
	s3 =	simm.s32 $0x0;
	s14 =	simm.s32 $0x1  }
0x5: {  	s15 =	simm.s32 $0x100;
	s16 =	simm.s32 $0x3F00;
	s17 =	simm.s32 $0x80  }
0x6: {  	s18 =	simm.s32 $0x2;
	s19 =	simm.s32 $0x200;
	s20 =	simm.s32 $0x7B00  }
0x7: {  	s21 =	simm.s32 $0x180;
	s22 =	simm.s32 $0x3;
	s7 =	sand.u32 $0x1, s2  }
0x8: {  	s23 =	simm.s32 $0x280;
	s2 =	stileid.u32;
	s8 =	smul.u32 $0x140000, s7  }
0x9: {  	s24 =	simm.s32 $0x0;
	[smem:$0x7FF] =	sst s3;
	s9 =	smul.u32 $0x14000, s2  }
0xa: {  	_ =	strace $0x8000004D;
	s7 =	ssub.s32 $0x2, s7;
	s28 =	smul.u32 $0x50000, s2  }
0xb: {  	s11 =	smul.u32 $0x1560, s2;
	s31 =	sshll.u32 s2, $0x6;
	s29 =	sshrl.u32 s7, $0x1  }
0xc: {  	s4 =	sshrl.u32 s8, $0x3;
	s8 =	sadd.s32 s9, s8;
	s12 =	ssub.s32 s7, s29  }
0xd: {  	s30 =	sshrl.u32 s28, $0x2;
	s6 =	sadd.s32 s6, s11;
	s11 =	simm.s32 $0x4  }
0xe: {  	s10 =	sadd.s32 s4, s5;
	s4 =	sadd.s32 $0x2200, s5;
	s8 =	sshrl.u32 s8, $0x3  }
0xf: {  	s13 =	sadd.s32 s30, s1;
	s9 =	smax.u32 s12, $0x1;
	s12 =	simm.s32 $0x78  }
0x10: {  	s8 =	sadd.s32 s8, s5;
	s5 =	sor.u32 $0x1C04, s31;
	s7 =	sadd.s32 $0x68A00, s10  }
0x11: {  	s10 =	sshrl.u32 s13, $0x3;
	s13 =	simm.s32 $0x300;
	s8 =	sadd.s32 $0xB8A00, s8  }
.LBB2_1:
0x12: {  	[spmem:s10], [sflag:s5] =	dma.local [hbm:s4], $0x2800  }
0x13: {  	_ =	swait.ge [sflag:s11], $0x2800  }
0x14: {  	[sflag:s11] =	ssyncset.done $0x0  }
0x15: {  	[sflag:s11] =	ssyncadd.s32 $0xFFFFD800  }
0x16: {  	[bflag:$0x0] =	sbarrier.arrive $0xFFFF  }
0x17: {  	[tilespmem:s3], [sflag:$0x4] =	stream.linear.gather [hbm4b:s6+s3], $0x100, $0x38;
	[tilespmem:$0x1F700] =	vst v63  }
0x18: {  	_ =	swait.ge [sflag:s11], $0x100  }
0x19: {  	[sflag:s11] =	ssyncset.done $0x0  }
0x1a: {  	[sflag:s11] =	ssyncadd.s32 $0xFFFFFF00  }
0x1b: {  	[tilespmem:s13], [sflag:$0x1] =	stream.indirect.gather [hbm4b:s7+s12], $0x80, s3, s12, $0xb8;
	[tilespmem:$0x1F700] =	vst v63  }
0x1c: {  	_ =	swait.ge [sflag:s14], $0x3C00  }
0x1d: {  	s25 =	sadd.s32 $0xFFFFEAA0, s6;
	[sflag:s14] =	ssyncset.done $0x0  }
0x1e: {  	s26 =	sadd.s32 $0x1580, s25;
	[sflag:s14] =	ssyncadd.s32 $0xFFFFC400  }
0x1f: {  	[tilespmem:s15], [sflag:$0x4] =	stream.linear.gather [hbm4b:s26+s3], $0x100, $0x38;
	[tilespmem:$0x1F700] =	vst v63  }
0x20: {  	_ =	swait.ge [sflag:s11], $0x100  }
0x21: {  	[sflag:s11] =	ssyncset.done $0x0  }
0x22: {  	[sflag:s11] =	ssyncadd.s32 $0xFFFFFF00  }
0x23: {  	[tilespmem:s16], [sflag:$0x2] =	stream.indirect.gather [hbm4b:s7+s12], $0x80, s15, s12, $0xb8;
	[tilespmem:$0x1F700] =	vst v63  }
0x24: {  	_ = 	snop  }
0x25: {  	[spmem:s1] =	stream.indirect.scatter.add.f32 [tilespmem:s13], [sflag:$0x4], $0x80, s17, s12, $0xb8;
	[tilespmem:$0x1F700] =	vst v63  }
0x26: {  	_ =	swait.ge [sflag:s11], $0x3C00  }
0x27: {  	[sflag:s11] =	ssyncset.done $0x0  }
0x28: {  	[sflag:s11] =	ssyncadd.s32 $0xFFFFC400  }
0x29: {  	_ =	swait.ge [sflag:s18], $0x3C00  }
0x2a: {  	[sflag:s18] =	ssyncset.done $0x0  }
0x2b: {  	s31 =	sadd.s32 $0x15A0, s25;
	[sflag:s18] =	ssyncadd.s32 $0xFFFFC400  }
0x2c: {  	[tilespmem:s19], [sflag:$0x4] =	stream.linear.gather [hbm4b:s31+s3], $0x100, $0x38;
	[tilespmem:$0x1F700] =	vst v63  }
0x2d: {  	_ =	swait.ge [sflag:s11], $0x100  }
0x2e: {  	[sflag:s11] =	ssyncset.done $0x0  }
0x2f: {  	[sflag:s11] =	ssyncadd.s32 $0xFFFFFF00  }
0x30: {  	[tilespmem:s20], [sflag:$0x3] =	stream.indirect.gather [hbm4b:s7+s12], $0x80, s19, s12, $0xb8;
	[tilespmem:$0x1F700] =	vst v63  }
0x31: {  	_ = 	snop  }
0x32: {  	[spmem:s1] =	stream.indirect.scatter.add.f32 [tilespmem:s16], [sflag:$0x4], $0x80, s21, s12, $0xb8;
	[tilespmem:$0x1F700] =	vst v63  }
0x33: {  	_ =	swait.ge [sflag:s11], $0x3C00  }
0x34: {  	[sflag:s11] =	ssyncset.done $0x0  }
0x35: {  	[sflag:s11] =	ssyncadd.s32 $0xFFFFC400  }
0x36: {  	_ =	swait.ge [sflag:s22], $0x3C00  }
0x37: {  	[sflag:s22] =	ssyncset.done $0x0  }
0x38: {  	s25 =	sadd.s32 $0x15C0, s25;
	[sflag:s22] =	ssyncadd.s32 $0xFFFFC400  }
0x39: {  	[tilespmem:s3], [sflag:$0x4] =	stream.linear.gather [hbm4b:s25+s3], $0x100, $0x38;
	[tilespmem:$0x1F700] =	vst v63  }
0x3a: {  	_ =	swait.ge [sflag:s11], $0x100  }
0x3b: {  	[sflag:s11] =	ssyncset.done $0x0  }
0x3c: {  	[sflag:s11] =	ssyncadd.s32 $0xFFFFFF00  }
0x3d: {  	[tilespmem:s13], [sflag:$0x1] =	stream.indirect.gather [hbm4b:s7+s12], $0x80, s3, s12, $0xb8;
	[tilespmem:$0x1F700] =	vst v63  }
0x3e: {  	_ = 	snop  }
0x3f: {  	[spmem:s1] =	stream.indirect.scatter.add.f32 [tilespmem:s20], [sflag:$0x4], $0x80, s23, s12, $0xb8;
	[tilespmem:$0x1F700] =	vst v63  }
0x40: {  	_ =	swait.ge [sflag:s11], $0x3C00  }
0x41: {  	s25 =	simm.s32 $0xFFFFEB00;
	[sflag:s11] =	ssyncset.done $0x0  }
.LBB2_2:
0x42: {  	p0 =	sne.s32 s25, $0xFFFFFFA0  }
0x43: {  	[sflag:s11] =	ssyncadd.s32 $0xFFFFC400;
	s26 =	smov.u32 s25;
	s25 =	sadd.s32 $0x60, s25  }
0x44: {  	_ = 	snop  }
0x45: {  	_ =	swait.ge [sflag:s14], $0x3C00  }
0x46: {  	s26 =	sadd.s32 s26, s6;
	[sflag:s14] =	ssyncset.done $0x0  }
0x47: {  	s28 =	sadd.s32 $0x1580, s26;
	[sflag:s14] =	ssyncadd.s32 $0xFFFFC400  }
0x48: {  	[tilespmem:s15], [sflag:$0x4] =	stream.linear.gather [hbm4b:s28+s3], $0x100, $0x38;
	[tilespmem:$0x1F700] =	vst v63  }
0x49: {  	_ =	swait.ge [sflag:s11], $0x100  }
0x4a: {  	[sflag:s11] =	ssyncset.done $0x0  }
0x4b: {  	[sflag:s11] =	ssyncadd.s32 $0xFFFFFF00  }
0x4c: {  	[tilespmem:s16], [sflag:$0x2] =	stream.indirect.gather [hbm4b:s7+s12], $0x80, s15, s12, $0xb8;
	[tilespmem:$0x1F700] =	vst v63  }
0x4d: {  	_ = 	snop  }
0x4e: {  	[spmem:s1] =	stream.indirect.scatter.add.f32 [tilespmem:s13], [sflag:$0x4], $0x80, s17, s12, $0xb8;
	[tilespmem:$0x1F700] =	vst v63  }
0x4f: {  	_ =	swait.ge [sflag:s11], $0x3C00  }
0x50: {  	[sflag:s11] =	ssyncset.done $0x0  }
0x51: {  	[sflag:s11] =	ssyncadd.s32 $0xFFFFC400  }
0x52: {  	_ =	swait.ge [sflag:s18], $0x3C00  }
0x53: {  	[sflag:s18] =	ssyncset.done $0x0  }
0x54: {  	s28 =	sadd.s32 $0x15A0, s26;
	[sflag:s18] =	ssyncadd.s32 $0xFFFFC400  }
0x55: {  	[tilespmem:s19], [sflag:$0x4] =	stream.linear.gather [hbm4b:s28+s3], $0x100, $0x38;
	[tilespmem:$0x1F700] =	vst v63  }
0x56: {  	_ =	swait.ge [sflag:s11], $0x100  }
0x57: {  	[sflag:s11] =	ssyncset.done $0x0  }
0x58: {  	[sflag:s11] =	ssyncadd.s32 $0xFFFFFF00  }
0x59: {  	[tilespmem:s20], [sflag:$0x3] =	stream.indirect.gather [hbm4b:s7+s12], $0x80, s19, s12, $0xb8;
	[tilespmem:$0x1F700] =	vst v63  }
0x5a: {  	_ = 	snop  }
0x5b: {  	[spmem:s1] =	stream.indirect.scatter.add.f32 [tilespmem:s16], [sflag:$0x4], $0x80, s21, s12, $0xb8;
	[tilespmem:$0x1F700] =	vst v63  }
0x5c: {  	_ =	swait.ge [sflag:s11], $0x3C00  }
0x5d: {  	[sflag:s11] =	ssyncset.done $0x0  }
0x5e: {  	[sflag:s11] =	ssyncadd.s32 $0xFFFFC400  }
0x5f: {  	_ =	swait.ge [sflag:s22], $0x3C00  }
0x60: {  	[sflag:s22] =	ssyncset.done $0x0  }
0x61: {  	s26 =	sadd.s32 $0x15C0, s26;
	[sflag:s22] =	ssyncadd.s32 $0xFFFFC400  }
0x62: {  	[tilespmem:s3], [sflag:$0x4] =	stream.linear.gather [hbm4b:s26+s3], $0x100, $0x38;
	[tilespmem:$0x1F700] =	vst v63  }
0x63: {  	_ =	swait.ge [sflag:s11], $0x100  }
0x64: {  	[sflag:s11] =	ssyncset.done $0x0  }
0x65: {  	[sflag:s11] =	ssyncadd.s32 $0xFFFFFF00  }
0x66: {  	[tilespmem:s13], [sflag:$0x1] =	stream.indirect.gather [hbm4b:s7+s12], $0x80, s3, s12, $0xb8;
	[tilespmem:$0x1F700] =	vst v63  }
.Ltmp0:
0x67: {  	_ = 	snop;
	(pc) =	sbr.rel @p0 .LBB2_2-.Ltmp0, $4  }
0x68: {  	_ = 	snop  }
0x69: {  	[spmem:s1] =	stream.indirect.scatter.add.f32 [tilespmem:s20], [sflag:$0x4], $0x80, s23, s12, $0xb8;
	[tilespmem:$0x1F700] =	vst v63  }
0x6a: {  	_ =	swait.ge [sflag:s11], $0x3C00  }
0x6b: {  	[sflag:s11] =	ssyncset.done $0x0  }
0x6c: {  	[sflag:s11] =	ssyncadd.s32 $0xFFFFC400  }
0x6d: {  	_ =	swait.ge [sflag:s14], $0x3C00  }
0x6e: {  	s24 =	sadd.s32 $0x1, s24;
	[sflag:s14] =	ssyncset.done $0x0  }
0x6f: {  	p0 =	sne.s32 s24, s9;
	[sflag:s14] =	ssyncadd.s32 $0xFFFFC400  }
.Ltmp1:
0x70: {  	[bflag:$0x0] =	sbarrier.arrive $0xFFFF;
	(pc) =	sbr.rel @p0 .LBB2_1-.Ltmp1, $4  }
0x71: {  	[hbm:s8], [sflag:s5] =	dma.local [spmem:s10], $0x2800  }
0x72: {  	_ =	swait.ge [sflag:s11], $0x2800  }
0x73: {  	[sflag:s11] =	ssyncset.done $0x0  }
0x74: {  	[sflag:s11] =	ssyncadd.s32 $0xFFFFD800  }
0x75: {  	_ =	sfence.sel $0x180000  }
0x76: {  	[bflag:$0x0] =	sbarrier.arrive $0xFFFF  }
0x77: {  	p0 =	sne.s32 s2, $0x0;
	_ =	strace $0x9000004D  }
0x78: {  	s0 =	sadd.s32 @!p0 $0x100000, s0;
	[bflag:$0x2] =	sbarrier.arrive $0xFFFF  }
0x79: {  	[sflag:s0] =	ssyncadd.tile.s32 @!p0 $0x1;
	_ =	shalt  }
.Lfunc_end2:
_tile_overlayer_lowered:
.L_overlay_start_2:
0x7a: {  	(tag) =	ssettag $0x2  }
0x7b: {  	s0 =	rddreg [dreg:$0x0];
	s2 =	stileid.u32  }
0x7c: {  	s1 =	rddreg [dreg:$0x1];
	p0 =	sne.s32 s2, $0x0  }
0x7d: {  	s3 =	rddreg [dreg:$0x2];
	[bflag:$0x3] =	sbarrier.arrive $0xFFFF;
	s2 =	simm.s32 @!p0 $0x1C04  }
0x7e: {  	[timem:s3], [sflag:s2] =	dma.local @!p0 [hbm:s0], s1  }
0x7f: {  	s0 =	simm.s32 @!p0 $0x4  }
0x80: {  	_ =	swait.ge @!p0 [sflag:s0], s1  }
0x81: {  	s1 =	ssub.s32 @!p0 $0x0, s1;
	[sflag:s0] =	ssyncset.done @!p0 $0x0  }
0x82: {  	[sflag:s0] =	ssyncadd.s32 @!p0 s1  }
0x83: {  	[bflag:$0x3] =	sbarrier.arrive $0xFFFF  }
0x84: {  	_ =	shalt  }

// kernel: kernel.8.cloned.1.call-start
scs
__scs_entry_jumppad:
0x0: {  	(pc) =	sbr.rel $0x88, $3  }
0x1: {  	(tag) =	ssettag $0x0;
	lr =	simm.s32 $0x1  }
0x2: {  	[smem:$0x3F99] =	sst lr;
	_ =	strace $0xD0000000  }
0x3: {  	_ = 	snop  }
0x4: {  	_ = 	snop  }
0x5: {  	_ = 	snop  }
0x6: {  	_ = 	snop  }
0x7: {  	_ = 	snop  }
__scs_overlays_trampoline_lowered:
0x8: {  	[smem:$0x3FA8] =	sst s0  }
0x9: {  	[smem:$0x3FA9] =	sst s1  }
0xa: {  	[smem:$0x3FAA] =	sst s2  }
0xb: {  	[smem:$0x3FAB] =	sst s3  }
0xc: {  	[smem:$0x3FAC] =	sst s4  }
0xd: {  	[smem:$0x3FAD] =	sst s5  }
0xe: {  	[smem:$0x3FAE] =	sst s6  }
0xf: {  	[smem:$0x3FAF] =	sst s7  }
0x10: {  	[smem:$0x3FB0] =	sst s8  }
0x11: {  	[smem:$0x3FB1] =	sst s9;
	s0 =	simm.s32 @!p0 $0x0  }
0x12: {  	s1 =	sld [smem:$0x3F97];
	s0 =	simm.s32 @p0 $0x1  }
0x13: {  	[smem:$0x3FB2] =	sst s0;
	s0 =	simm.s32 @!p1 $0x0  }
0x14: {  	s2 =	sld [smem:$0x3F96];
	s0 =	simm.s32 @p1 $0x1  }
0x15: {  	[smem:$0x3FB3] =	sst s0;
	s0 =	simm.s32 @!p2 $0x0  }
0x16: {  	s3 =	sld [smem:$0x3FDB];
	s0 =	simm.s32 @p2 $0x1  }
0x17: {  	s4 =	simm.s32 $0x1BF5;
	[smem:$0x3FB5] =	sst s0  }
0x18: {  	s0 =	sld [smem:$0x3F98];
	_ =	swait.ge [sflag:s4], $0x0  }
0x19: {  	s7 =	sld [smem:$0x3F99]  }
0x1a: {  	s8 =	sadd.s32 $0xFFFFE003, lr  }
0x1b: {  	s9 =	sadd.s32 $0xFFFFFEF7, lr;
	s5 =	simm.s32 $0xFFFFFFFF;
	p2 =	slt.u32 s8, $0xFFFFF086  }
0x1c: {  	p1 =	slt.u32 s9, $0xF7A;
	s5 =	simm.s32 @!p2 $0x0  }
0x1d: {  	s5 =	simm.s32 @p1 $0x1;
	p0 =	seq.s32 s7, s2  }
0x1e: {  	s7 =	smul.u32 @!p0 $0xF7A, s2;
	p2 =	seq.s32 @!p0 s5, $0x0  }
0x1f: {  	s9 =	smul.u32 $0xF7A, s1;
	s8 =	simm.s32 @!p0 $0x1BF5;
	p2 =	por !p2, p0  }
0x20: {  	[sflag:s8] =	ssyncset.s32 @!p0 $0xFFFFF086;
	s6 =	sadd.s32 @!p0 s3, s7;
	s7 =	simm.s32 @!p0 $0x108  }
0x21: {  	s3 =	sadd.s32 s3, s9;
	s6 =	sadd.s32 @!p0 $0x88, s6;
	s7 =	simm.s32 @p2 $0x1082  }
0x22: {  	[simem:s7], [sflag:s8] =	dma.local @!p0 [hbm:s6], $0xF7A  }
0x23: {  	s9 =	sor.u32 $0xD0000000, s2;
	s6 =	simm.s32 $0x108;
	_ =	swait.ge @!p0 [sflag:s8], $0x0  }
0x24: {  	s3 =	sadd.s32 $0x88, s3;
	s6 =	simm.s32 @!p1 $0x1082;
	[sflag:s4] =	ssyncset.s32 $0xFFFFF086  }
0x25: {  	[simem:s6], [sflag:s4] =	dma.local [hbm:s3], $0xF7A  }
0x26: {  	[smem:$0x3F99] =	sst s1;
	(tag) =	ssettag s2;
	_ =	strace s9  }
0x27: {  	s1 =	sld [smem:$0x3FA9]  }
0x28: {  	s2 =	sld [smem:$0x3FAA]  }
0x29: {  	s4 =	sld [smem:$0x3FAC]  }
0x2a: {  	p0 =	seq.s32 s5, $0x0;
	s5 =	sld [smem:$0x3FAD]  }
0x2b: {  	s6 =	sld [smem:$0x3FAE]  }
0x2c: {  	s7 =	sld [smem:$0x3FAF]  }
0x2d: {  	s3 =	simm.s32 $0x108;
	s8 =	sld [smem:$0x3FB0]  }
0x2e: {  	s3 =	simm.s32 @!p0 $0x1082;
	s9 =	sld [smem:$0x3FB1]  }
0x2f: {  	lr =	sadd.s32 s0, s3;
	s0 =	sld [smem:$0x3FA8]  }
0x30: {  	s3 =	sld [smem:$0x3FAB]  }
0x31: {  	[smem:$0x3FB4] =	sst s10  }
0x32: {  	s10 =	sld [smem:$0x3FB2];
	_ =	sdelay $0x3  }
0x33: {  	p0 =	seq.s32 s10, $0x1;
	s10 =	sld [smem:$0x3FB4];
	_ =	sdelay $0x3  }
0x34: {  	[smem:$0x3FB4] =	sst s10  }
0x35: {  	s10 =	sld [smem:$0x3FB3];
	_ =	sdelay $0x3  }
0x36: {  	p1 =	seq.s32 s10, $0x1;
	s10 =	sld [smem:$0x3FB4];
	_ =	sdelay $0x3  }
0x37: {  	[smem:$0x3FB4] =	sst s10  }
0x38: {  	s10 =	sld [smem:$0x3FB5]  }
0x39: {  	_ = 	snop;
	(pc) =	sbr.ind lr, $3  }
0x3a: {  	_ = 	snop  }
0x3b: {  	_ = 	snop  }
0x3c: {  	p2 =	seq.s32 s10, $0x1;
	s10 =	sld [smem:$0x3FB4]  }
0x3d: {  	_ =	shalt  }
0x3e: {  	_ =	shalt  }
0x3f: {  	_ =	shalt  }
0x40: {  	_ =	shalt  }
0x41: {  	_ =	shalt  }
0x42: {  	_ =	shalt  }
0x43: {  	_ =	shalt  }
0x44: {  	_ =	shalt  }
0x45: {  	_ =	shalt  }
0x46: {  	_ =	shalt  }
0x47: {  	_ =	shalt  }
0x48: {  	_ =	shalt  }
0x49: {  	_ =	shalt  }
0x4a: {  	_ =	shalt  }
0x4b: {  	_ =	shalt  }
0x4c: {  	_ =	shalt  }
0x4d: {  	_ =	shalt  }
0x4e: {  	_ =	shalt  }
0x4f: {  	_ =	shalt  }
0x50: {  	_ =	shalt  }
0x51: {  	_ =	shalt  }
0x52: {  	_ =	shalt  }
0x53: {  	_ =	shalt  }
0x54: {  	_ =	shalt  }
0x55: {  	_ =	shalt  }
0x56: {  	_ =	shalt  }
0x57: {  	_ =	shalt  }
0x58: {  	_ =	shalt  }
0x59: {  	_ =	shalt  }
0x5a: {  	_ =	shalt  }
0x5b: {  	_ =	shalt  }
0x5c: {  	_ =	shalt  }
0x5d: {  	_ =	shalt  }
0x5e: {  	_ =	shalt  }
0x5f: {  	_ =	shalt  }
0x60: {  	_ =	shalt  }
0x61: {  	_ =	shalt  }
0x62: {  	_ =	shalt  }
0x63: {  	_ =	shalt  }
0x64: {  	_ =	shalt  }
0x65: {  	_ =	shalt  }
0x66: {  	_ =	shalt  }
0x67: {  	_ =	shalt  }
0x68: {  	_ =	shalt  }
0x69: {  	_ =	shalt  }
0x6a: {  	_ =	shalt  }
0x6b: {  	_ =	shalt  }
0x6c: {  	_ =	shalt  }
0x6d: {  	_ =	shalt  }
0x6e: {  	_ =	shalt  }
0x6f: {  	_ =	shalt  }
0x70: {  	_ =	shalt  }
0x71: {  	_ =	shalt  }
0x72: {  	_ =	shalt  }
0x73: {  	_ =	shalt  }
0x74: {  	_ =	shalt  }
0x75: {  	_ =	shalt  }
0x76: {  	_ =	shalt  }
0x77: {  	_ =	shalt  }
0x78: {  	_ =	shalt  }
0x79: {  	_ =	shalt  }
0x7a: {  	_ =	shalt  }
0x7b: {  	_ =	shalt  }
0x7c: {  	_ =	shalt  }
0x7d: {  	_ =	shalt  }
0x7e: {  	_ =	shalt  }
0x7f: {  	_ =	shalt  }
0x80: {  	_ =	shalt  }
0x81: {  	_ =	shalt  }
0x82: {  	_ =	shalt  }
0x83: {  	_ =	shalt  }
0x84: {  	_ =	shalt  }
0x85: {  	_ =	shalt  }
0x86: {  	_ =	shalt  }
0x87: {  	_ =	shalt  }
.Lfunc_end0:
.L_simem_size_0:
called_computation_lowered:
.L_overlay_start_0:
0x88: {  	s2 =	sld [smem:$0x3FD9]  }
0x89: {  	s3 =	sld [smem:$0x3FFE];
	_ =	sdelay $0x1  }
0x8a: {  	s1 =	srdreg.scid  }
0x8b: {  	s0 =	sand.u32 $0x1, s1  }
0x8c: {  	s16 =	sshll.u32 s0, $0xA;
	s2 =	sadd.s32 s3, s2  }
0x8d: {  	s2 =	sadd.s32 s2, s16  }
0x8e: {  	[smem:$0x3FC0] =	sst s2  }
0x8f: {  	_ = 	snop  }
0x90: {  	(tm) =	ssettm $0x1  }
0x91: {  	s17 =	sld [smem:$0x3FFB];
	_ =	sdelay $0x3  }
0x92: {  	_ =	strace s17  }
0x93: {  	s2 =	sld [smem:$0x3FFC];
	_ =	sdelay $0x3  }
0x94: {  	_ =	strace s2  }
0x95: {  	s2 =	sld [smem:$0x3FFD];
	_ =	sdelay $0x3  }
0x96: {  	_ =	strace s2  }
0x97: {  	_ =	strace $0x8FFFFFFF  }
0x98: {  	s18 =	sld [smem:$0x3FDB];
	_ =	sdelay $0x1  }
0x99: {  	s19 =	simm.s32 $_scs_section_size  }
0x9a: {  	s4 =	simm.s32 $_size__tile_overlayer_lowered;
	s5 =	simm.s32 $_tile_overlayer_lowered  }
0x9b: {  	s22 =	simm.s32 $0x1BFF;
	s21 =	sshll.u32 s5, $0x1;
	s2 =	sadd.s32 s19, s18  }
0x9c: {  	s6 =	simm.s32 $0x0;
	s20 =	sshll.u32 s4, $0x1;
	s4 =	sadd.s32 s21, s2  }
0x9d: {  	[timem:s6], [sflag:s22] =	dma.local [hbm:s4], s20  }
0x9e: {  	_ =	swait.ge [sflag:s22], s20  }
0x9f: {  	s3 =	ssub.s32 $0x0, s20;
	[sflag:s22] =	ssyncset.done $0x0  }
0xa0: {  	[sflag:s22] =	ssyncadd.s32 s3;
	_ =	sdelay $0x1  }
0xa1: {  	s23 =	simm.s32 $0x1B8B  }
0xa2: {  	_ =	swait.ge [sflag:s23], $0x1  }
0xa3: {  	[sflag:s23] =	ssyncset.done $0x0  }
0xa4: {  	s25 =	simm.s32 $0x1B8E;
	s24 =	sld [smem:$0x3FFE];
	[sflag:s23] =	ssyncadd.s32 $0xFFFFFFFF  }
0xa5: {  	s26 =	simm.s32 $execute0_lowered;
	[smem:$0x3FD2] =	sst s25  }
0xa6: {  	s4 =	sshll.u32 s26, $0x1;
	_ =	strace $0x80000046;
	[dreg:$0x1] =	wrdreg $0xFFFFFFFF  }
0xa7: {  	s28 =	simm.s32 $_size_execute0_lowered;
	s2 =	sadd.s32 s2, s4;
	[dreg:$0x0] =	wrdreg $0x0  }
0xa8: {  	s4 =	sshll.u32 s28, $0x1;
	[dreg:$0x2] =	wrdreg s2  }
0xa9: {  	[dreg:$0x3] =	wrdreg s4  }
0xaa: {  	[dreg:$0x4] =	wrdreg $0xC0  }
0xab: {  	_ =	task [dreg:s6], $0x5FFFF  }
0xac: {  	[dreg:$0x1] =	wrdreg $0xFFFFFFFF  }
0xad: {  	[dreg:$0x0] =	wrdreg $0x60  }
0xae: {  	[dreg:$0x2] =	wrdreg s24  }
0xaf: {  	[dreg:$0x3] =	wrdreg $0x70000  }
0xb0: {  	[dreg:$0x4] =	wrdreg $0x9  }
0xb1: {  	_ =	task.clear_ibuf [dreg:s6], $0x5FFFF;
	_ =	strace $0x90000046  }
0xb2: {  	s29 =	simm.s32 $0x9;
	_ =	strace $0x80000048  }
0xb3: {  	_ =	swait.ge [sflag:s29], $0x1  }
0xb4: {  	[sflag:s29] =	ssyncadd.s32 $0xFFFFFFFF  }
0xb5: {  	_ =	strace $0x90000048  }
0xb6: {  	_ =	sfence  }
0xb7: {  	s30 =	sld [smem:$0x0];
	_ =	sdelay $0x2  }
0xb8: {  	s31 =	sshll.u32 s1, $0xD;
	s1 =	sshrl.u32 s1, $0x2  }
0xb9: {  	s3 =	sand.u32 $0x4000, s31;
	s1 =	sadd.s32 s1, s30  }
0xba: {  	s0 =	sor.u32 s3, s0;
	s1 =	sshll.u32 s1, $0x11  }
0xbb: {  	s0 =	sor.u32 s1, s0  }
0xbc: {  	s0 =	sadd.s32 $0x8F2B, s0  }
0xbd: {  	[sflag:s0] =	ssyncadd.remote.s32 $0x1  }
0xbe: {  	_ =	sfence.sel $0xFFFF  }
0xbf: {  	[dreg:$0x0] =	wrdreg $0xFFFFFFFF;
	(pc) =	sbr.abs _section_cstart, $3  }
0xc0: {  	[dreg:$0x1] =	wrdreg $0xFFFFFFFF  }
0xc1: {  	_ =	task.clear_ibuf [dreg:s6], $0x2FFFF;
	_ =	strace $0x9FFFFFFF  }
0xc2: {  	(tm) =	ssettm $0x7FFFFFFF  }
0xc3: {  	_ =	shalt  }
tec
execute0_lowered:
.L_overlay_start_1:
0x0: {  	(tag) =	ssettag $0x1  }
0x1: {  	s5 =	rddreg [dreg:$0x0]  }
0x2: {  	s0 =	srdreg.scid;
	s2 =	rddreg [dreg:$0x1]  }
0x3: {  	s1 =	stileid.u32;
	s3 =	simm.s32 $0x0;
	s12 =	simm.s32 $0x5000  }
0x4: {  	s13 =	simm.s32 $0x1;
	s14 =	simm.s32 $0x0;
	s6 =	sand.u32 $0x1, s0  }
0x5: {  	s0 =	rddreg [dreg:$0x2];
	s4 =	sshll.u32 s1, $0x1;
	s8 =	smul.u32 $0x14000, s1  }
0x6: {  	[smem:$0x7FF] =	sst s3;
	s9 =	smul.u32 $0x50000, s1;
	s10 =	sshll.u32 s1, $0x6  }
0x7: {  	s7 =	smul.u32 $0x140000, s6;
	s4 =	sor.u32 s6, s4;
	s31 =	ssub.s32 $0x2, s6  }
0x8: {  	_ =	strace $0x80000047;
	s4 =	smul.u32 $0xA00, s4;
	s6 =	sshrl.u32 s31, $0x1  }
0x9: {  	s9 =	sshrl.u32 s9, $0x2;
	s7 =	sadd.s32 s8, s7;
	s11 =	ssub.s32 s31, s6  }
0xa: {  	s9 =	sadd.s32 s9, s2;
	s30 =	sadd.s32 s4, s5;
	s7 =	sshrl.u32 s7, $0x3  }
0xb: {  	s4 =	sadd.s32 $0x16200, s5;
	s8 =	smax.u32 s11, $0x1;
	s9 =	sshrl.u32 s9, $0x3  }
0xc: {  	s11 =	simm.s32 $0x40;
	s7 =	sadd.s32 s7, s5;
	s5 =	sor.u32 $0x1C02, s10  }
0xd: {  	v0 =	vimm.f32 $1.000000000e+00;
	s6 =	sadd.s32 $0x2200, s30;
	s10 =	simm.s32 $0x2;
	s7 =	sadd.s32 $0x18A00, s7  }
.LBB2_1:
0xe: {  	[spmem:s9], [sflag:s5] =	dma.local [hbm:s4], $0x2800  }
0xf: {  	_ =	swait.ge [sflag:s10], $0x2800  }
0x10: {  	[sflag:s10] =	ssyncset.done $0x0  }
0x11: {  	[sflag:s10] =	ssyncadd.s32 $0xFFFFD800  }
0x12: {  	[tilespmem:s3], [sflag:$0x2] =	stream.linear.gather [hbm4b:s6+s3], $0x5000, $0x38;
	[tilespmem:$0x9800] =	vst v63  }
0x13: {  	_ =	swait.ge [sflag:s10], $0x5000  }
0x14: {  	[sflag:s10] =	ssyncset.done $0x0  }
0x15: {  	[sflag:s10] =	ssyncadd.s32 $0xFFFFB000  }
0x16: {  	[tilespmem:$0x5000] =	vst v0  }
0x17: {  	[tilespmem:$0x5080] =	vst v0  }
0x18: {  	[tilespmem:$0x5100] =	vst v0  }
0x19: {  	[tilespmem:$0x5180] =	vst v0  }
0x1a: {  	[tilespmem:$0x5200] =	vst v0  }
0x1b: {  	[tilespmem:$0x5280] =	vst v0  }
0x1c: {  	[tilespmem:$0x5300] =	vst v0  }
0x1d: {  	[tilespmem:$0x5380] =	vst v0  }
0x1e: {  	[tilespmem:$0x5400] =	vst v0  }
0x1f: {  	[tilespmem:$0x5480] =	vst v0  }
0x20: {  	[tilespmem:$0x5500] =	vst v0  }
0x21: {  	[tilespmem:$0x5580] =	vst v0  }
0x22: {  	[tilespmem:$0x5600] =	vst v0  }
0x23: {  	[tilespmem:$0x5680] =	vst v0  }
0x24: {  	[tilespmem:$0x5700] =	vst v0  }
0x25: {  	[tilespmem:$0x5780] =	vst v0  }
0x26: {  	[tilespmem:$0x5800] =	vst v0  }
0x27: {  	[tilespmem:$0x5880] =	vst v0  }
0x28: {  	[tilespmem:$0x5900] =	vst v0  }
0x29: {  	[tilespmem:$0x5980] =	vst v0  }
0x2a: {  	[tilespmem:$0x5A00] =	vst v0  }
0x2b: {  	[tilespmem:$0x5A80] =	vst v0  }
0x2c: {  	[tilespmem:$0x5B00] =	vst v0  }
0x2d: {  	[tilespmem:$0x5B80] =	vst v0  }
0x2e: {  	[tilespmem:$0x5C00] =	vst v0  }
0x2f: {  	[tilespmem:$0x5C80] =	vst v0  }
0x30: {  	[tilespmem:$0x5D00] =	vst v0  }
0x31: {  	[tilespmem:$0x5D80] =	vst v0  }
0x32: {  	[tilespmem:$0x5E00] =	vst v0  }
0x33: {  	[tilespmem:$0x5E80] =	vst v0  }
0x34: {  	[tilespmem:$0x5F00] =	vst v0  }
0x35: {  	[tilespmem:$0x5F80] =	vst v0  }
0x36: {  	[tilespmem:$0x6000] =	vst v0  }
0x37: {  	[tilespmem:$0x6080] =	vst v0  }
0x38: {  	[tilespmem:$0x6100] =	vst v0  }
0x39: {  	[tilespmem:$0x6180] =	vst v0  }
0x3a: {  	[tilespmem:$0x6200] =	vst v0  }
0x3b: {  	[tilespmem:$0x6280] =	vst v0  }
0x3c: {  	[tilespmem:$0x6300] =	vst v0  }
0x3d: {  	[tilespmem:$0x6380] =	vst v0  }
0x3e: {  	[tilespmem:$0x6400] =	vst v0  }
0x3f: {  	[tilespmem:$0x6480] =	vst v0  }
0x40: {  	[tilespmem:$0x6500] =	vst v0  }
0x41: {  	[tilespmem:$0x6580] =	vst v0  }
0x42: {  	[tilespmem:$0x6600] =	vst v0  }
0x43: {  	[tilespmem:$0x6680] =	vst v0  }
0x44: {  	[tilespmem:$0x6700] =	vst v0  }
0x45: {  	[tilespmem:$0x6780] =	vst v0  }
0x46: {  	[tilespmem:$0x6800] =	vst v0  }
0x47: {  	[tilespmem:$0x6880] =	vst v0  }
0x48: {  	[tilespmem:$0x6900] =	vst v0  }
0x49: {  	[tilespmem:$0x6980] =	vst v0  }
0x4a: {  	[tilespmem:$0x6A00] =	vst v0  }
0x4b: {  	[tilespmem:$0x6A80] =	vst v0  }
0x4c: {  	[tilespmem:$0x6B00] =	vst v0  }
0x4d: {  	[tilespmem:$0x6B80] =	vst v0  }
0x4e: {  	[tilespmem:$0x6C00] =	vst v0  }
0x4f: {  	[tilespmem:$0x6C80] =	vst v0  }
0x50: {  	[tilespmem:$0x6D00] =	vst v0  }
0x51: {  	[tilespmem:$0x6D80] =	vst v0  }
0x52: {  	[tilespmem:$0x6E00] =	vst v0  }
0x53: {  	[tilespmem:$0x6E80] =	vst v0  }
0x54: {  	[tilespmem:$0x6F00] =	vst v0  }
0x55: {  	p0 =	por $0x1, $0x1;
	[tilespmem:$0x6F80] =	vst v0  }
0x56: {  	s17 =	simm.s32 @!p0 $0x1;
	[bflag:$0x0] =	sbarrier.arrive $0xFFFF  }
0x57: {  	[spmem:s2] =	stream.indirect.scatter.add.f32 [tilespmem:s12], [sflag:$0x1], $0x10, s3, s11, $0xb8;
	[tilespmem:$0x9800] =	vst v63  }
0x58: {  	_ =	swait.ge @!p0 [sflag:s17], $0x400  }
0x59: {  	s15 =	simm.s32 $0x1;
	s16 =	simm.s32 $0x0;
	[sflag:s17] =	ssyncset.done @!p0 $0x0  }
.LBB2_2:
0x5a: {  	[sflag:s17] =	ssyncadd.s32 @!p0 $0xFFFFFC00  }
0x5b: {  	s16 =	sadd.s32 $0x80, s16;
	s17 =	smov.u32 s15;
	s15 =	sadd.s32 $0x1, s15  }
0x5c: {  	p1 =	sne.s32 s15, $0xA0  }
0x5d: {  	[spmem:s2] =	stream.indirect.scatter.add.f32 [tilespmem:s12], [sflag:$0x1], $0x10, s16, s11, $0xb8;
	[tilespmem:$0x9800] =	vst v63  }
.Ltmp0:
0x5e: {  	_ = 	snop;
	(pc) =	sbr.rel @p1 .LBB2_2-.Ltmp0, $4  }
0x5f: {  	p0 =	slt.u32 s17, $0x8  }
0x60: {  	s17 =	simm.s32 @!p0 $0x1  }
0x61: {  	_ =	swait.ge @!p0 [sflag:s17], $0x400  }
0x62: {  	[sflag:s17] =	ssyncset.done @!p0 $0x0  }
0x63: {  	[sflag:s17] =	ssyncadd.s32 @!p0 $0xFFFFFC00  }
0x64: {  	_ =	swait.ge [sflag:s13], $0x400  }
0x65: {  	[sflag:s13] =	ssyncset.done $0x0  }
0x66: {  	[sflag:s13] =	ssyncadd.s32 $0xFFFFFC00  }
0x67: {  	_ =	swait.ge [sflag:s13], $0x400  }
0x68: {  	[sflag:s13] =	ssyncset.done $0x0  }
0x69: {  	[sflag:s13] =	ssyncadd.s32 $0xFFFFFC00  }
0x6a: {  	_ =	swait.ge [sflag:s13], $0x400  }
0x6b: {  	[sflag:s13] =	ssyncset.done $0x0  }
0x6c: {  	[sflag:s13] =	ssyncadd.s32 $0xFFFFFC00  }
0x6d: {  	_ =	swait.ge [sflag:s13], $0x400  }
0x6e: {  	[sflag:s13] =	ssyncset.done $0x0  }
0x6f: {  	[sflag:s13] =	ssyncadd.s32 $0xFFFFFC00  }
0x70: {  	_ =	swait.ge [sflag:s13], $0x400  }
0x71: {  	[sflag:s13] =	ssyncset.done $0x0  }
0x72: {  	[sflag:s13] =	ssyncadd.s32 $0xFFFFFC00  }
0x73: {  	_ =	swait.ge [sflag:s13], $0x400  }
0x74: {  	[sflag:s13] =	ssyncset.done $0x0  }
0x75: {  	[sflag:s13] =	ssyncadd.s32 $0xFFFFFC00  }
0x76: {  	_ =	swait.ge [sflag:s13], $0x400  }
0x77: {  	[sflag:s13] =	ssyncset.done $0x0  }
0x78: {  	[sflag:s13] =	ssyncadd.s32 $0xFFFFFC00  }
0x79: {  	_ =	swait.ge [sflag:s13], $0x400  }
0x7a: {  	s14 =	sadd.s32 $0x1, s14;
	[sflag:s13] =	ssyncset.done $0x0  }
0x7b: {  	p0 =	sne.s32 s14, s8;
	[sflag:s13] =	ssyncadd.s32 $0xFFFFFC00  }
.Ltmp1:
0x7c: {  	[bflag:$0x0] =	sbarrier.arrive $0xFFFF;
	(pc) =	sbr.rel @p0 .LBB2_1-.Ltmp1, $4  }
0x7d: {  	[hbm:s7], [sflag:s5] =	dma.local [spmem:s9], $0x2800  }
0x7e: {  	_ =	swait.ge [sflag:s10], $0x2800  }
0x7f: {  	[sflag:s10] =	ssyncset.done $0x0  }
0x80: {  	[sflag:s10] =	ssyncadd.s32 $0xFFFFD800  }
0x81: {  	_ =	sfence.sel $0x180000  }
0x82: {  	[bflag:$0x0] =	sbarrier.arrive $0xFFFF  }
0x83: {  	p0 =	sne.s32 s1, $0x0;
	_ =	strace $0x90000047  }
0x84: {  	s0 =	sadd.s32 @!p0 $0x100000, s0;
	[bflag:$0x2] =	sbarrier.arrive $0xFFFF  }
0x85: {  	[sflag:s0] =	ssyncadd.tile.s32 @!p0 $0x1;
	_ =	shalt  }
.Lfunc_end2:
_tile_overlayer_lowered:
.L_overlay_start_2:
0x86: {  	(tag) =	ssettag $0x2  }
0x87: {  	s0 =	rddreg [dreg:$0x0];
	s2 =	stileid.u32  }
0x88: {  	s1 =	rddreg [dreg:$0x1];
	p0 =	sne.s32 s2, $0x0  }
0x89: {  	s3 =	rddreg [dreg:$0x2];
	[bflag:$0x3] =	sbarrier.arrive $0xFFFF;
	s2 =	simm.s32 @!p0 $0x1C02  }
0x8a: {  	[timem:s3], [sflag:s2] =	dma.local @!p0 [hbm:s0], s1  }
0x8b: {  	s0 =	simm.s32 @!p0 $0x2  }
0x8c: {  	_ =	swait.ge @!p0 [sflag:s0], s1  }
0x8d: {  	s1 =	ssub.s32 @!p0 $0x0, s1;
	[sflag:s0] =	ssyncset.done @!p0 $0x0  }
0x8e: {  	[sflag:s0] =	ssyncadd.s32 @!p0 s1  }
0x8f: {  	[bflag:$0x3] =	sbarrier.arrive $0xFFFF  }
0x90: {  	_ =	shalt  }

</sc_bundles>
